<compile_context>
chip_gen: v7x
topology: tpu7x:2x2x1
jax: 0.10.2.dev20260603
libtpu: 0.0.44.dev20260713+nightly
codegen_flags: <defaults>
</compile_context>

<pallas_src>
import functools

import jax
import jax.numpy as jnp
from jax import lax
from jax.experimental import pallas as pl
from jax.experimental.pallas import tpu as pltpu
from jax.experimental.pallas import tpu_sc as plsc

_F = 128
_NP = 10240
_TILES = 32
_K = 128
_SUB = 16
_LANES = 16


def _proj_body(x_ref, w_ref, a_ref, h_ref, p_ref):
    h = jnp.dot(x_ref[...], w_ref[...], preferred_element_type=jnp.float32)
    h = jnp.where(jnp.isnan(h), 0.0, h)
    h_ref[...] = h
    p_ref[...] = jnp.dot(h, a_ref[...], preferred_element_type=jnp.float32)


def _project(xp, w, a):
    grid = _NP // _F
    return pl.pallas_call(
        _proj_body,
        grid=(grid,),
        in_specs=[
            pl.BlockSpec((_F, _F), lambda i: (i, 0)),
            pl.BlockSpec((_F, _F), lambda i: (0, 0)),
            pl.BlockSpec((_F, _F), lambda i: (0, 0)),
        ],
        out_specs=[
            pl.BlockSpec((_F, _F), lambda i: (i, 0)),
            pl.BlockSpec((_F, _F), lambda i: (i, 0)),
        ],
        out_shape=[
            jax.ShapeDtypeStruct((_NP, _F), jnp.float32),
            jax.ShapeDtypeStruct((_NP, _F), jnp.float32),
        ],
    )(xp, w, a)


def _comb_body(p_ref, o_ref):
    o_ref[...] = p_ref[0] + p_ref[1]


def _combine(part):
    return pl.pallas_call(
        _comb_body,
        grid=(_NP // _F,),
        in_specs=[pl.BlockSpec((2, _F, _F), lambda i: (0, i, 0))],
        out_specs=pl.BlockSpec((_F, _F), lambda i: (i, 0)),
        out_shape=jax.ShapeDtypeStruct((_NP, _F), jnp.float32),
    )(part)


def _edge_scores(hl, hr, row3, col3, chunks):
    npt = _NP // _SUB
    mesh = plsc.VectorSubcoreMesh(core_axis_name="c", subcore_axis_name="s")

    @functools.partial(
        pl.kernel,
        compiler_params=pltpu.CompilerParams(needs_layout_passes=False),
        out_type=[
            jax.ShapeDtypeStruct((_TILES, chunks, _K), jnp.float32),
            jax.ShapeDtypeStruct((2, _NP), jnp.float32),
        ],
        mesh=mesh,
        scratch_types=[
            pltpu.VMEM((_NP,), jnp.float32),
            pltpu.VMEM((_NP,), jnp.float32),
            pltpu.VMEM((chunks, _K), jnp.int32),
            pltpu.VMEM((chunks, _K), jnp.int32),
            pltpu.VMEM((chunks, _K), jnp.float32),
            pltpu.VMEM((_NP,), jnp.float32),
            pltpu.VMEM((_NP,), jnp.float32),
            pltpu.VMEM_SHARED((_SUB, _NP), jnp.float32),
        ],
    )
    def k(hl_h, hr_h, row_h, col_h, ee_h, dp_h,
          hl_v, hr_v, row_v, col_v, ee_v, den_v, tmp_v, stage):
        c = lax.axis_index("c")
        s = lax.axis_index("s")
        wid = c * _SUB + s
        pltpu.sync_copy(hl_h, hl_v)
        pltpu.sync_copy(hr_h, hr_v)
        pltpu.sync_copy(row_h.at[wid], row_v)
        pltpu.sync_copy(col_h.at[wid], col_v)

        zero16 = jnp.zeros((_LANES,), jnp.float32)

        def zbody(i, _):
            den_v[pl.ds(i * _LANES, _LANES)] = zero16
            return 0
        lax.fori_loop(0, _NP // _LANES, zbody, 0)

        vecs_per_chunk = _K // _LANES

        def ebody(i, _):
            j = i // vecs_per_chunk
            m = i % vecs_per_chunk
            rv = row_v[j, pl.ds(m * _LANES, _LANES)]
            cv = col_v[j, pl.ds(m * _LANES, _LANES)]
            e = plsc.load_gather(hl_v, [rv]) + plsc.load_gather(hr_v, [cv])
            e = jnp.where(e > 0, e, 0.2 * e)
            ee = jnp.exp(e)
            ee_v[j, pl.ds(m * _LANES, _LANES)] = ee
            plsc.addupdate_scatter(den_v, [rv], ee)
            return 0
        lax.fori_loop(0, chunks * vecs_per_chunk, ebody, 0)

        pltpu.sync_copy(ee_v, ee_h.at[wid])

        pltpu.sync_copy(den_v, stage.at[s])
        plsc.subcore_barrier()
        base = s * npt
        pltpu.sync_copy(stage.at[0, pl.ds(base, npt)], tmp_v.at[pl.ds(0, npt)])
        for t in range(1, _SUB):
            pltpu.sync_copy(stage.at[t, pl.ds(base, npt)],
                            den_v.at[pl.ds(0, npt)])

            def abody(i, _):
                sl = pl.ds(i * _LANES, _LANES)
                tmp_v[sl] = tmp_v[sl] + den_v[sl]
                return 0
            lax.fori_loop(0, npt // _LANES, abody, 0)
        pltpu.sync_copy(tmp_v.at[pl.ds(0, npt)], dp_h.at[c, pl.ds(base, npt)])

    return k(hl, hr, row3, col3)


def _aggregate(h, ee3, dpart, row3, col3, chunks):
    npt = _NP // _SUB
    mesh = plsc.VectorSubcoreMesh(core_axis_name="c", subcore_axis_name="s")

    @functools.partial(
        pl.kernel,
        compiler_params=pltpu.CompilerParams(needs_layout_passes=False),
        out_type=jax.ShapeDtypeStruct((2, _NP, _F), jnp.float32),
        mesh=mesh,
        scratch_types=[
            pltpu.VMEM((_NP,), jnp.float32),
            pltpu.VMEM((_NP,), jnp.float32),
            pltpu.VMEM((_K,), jnp.int32),
            pltpu.VMEM((_K,), jnp.int32),
            pltpu.VMEM((_K,), jnp.float32),
            pltpu.VMEM((_K, _F), jnp.float32),
            pltpu.VMEM((_LANES,), jnp.float32),
            pltpu.VMEM_SHARED((_NP, _F), jnp.float32),
        ],
    )
    def k(h_h, ee_h, dp_h, row_h, col_h, out_h,
          den_v, den2_v, rowc, colc, eec, rows_v, att_v, acc):
        c = lax.axis_index("c")
        s = lax.axis_index("s")
        wid = c * _SUB + s
        pltpu.sync_copy(dp_h.at[0], den_v)
        pltpu.sync_copy(dp_h.at[1], den2_v)

        def dbody(i, _):
            sl = pl.ds(i * _LANES, _LANES)
            den_v[sl] = den_v[sl] + den2_v[sl]
            return 0
        lax.fori_loop(0, _NP // _LANES, dbody, 0)

        zero16 = jnp.zeros((_LANES,), jnp.float32)

        def zbody(i, _):
            r = i // (_F // _LANES)
            q = i % (_F // _LANES)
            rows_v[r, pl.ds(q * _LANES, _LANES)] = zero16
            return 0
        lax.fori_loop(0, _K * (_F // _LANES), zbody, 0)
        for t in range(npt // _K):
            pltpu.sync_copy(rows_v, acc.at[pl.ds(s * npt + t * _K, _K)])
        plsc.subcore_barrier()

        vecs_per_chunk = _K // _LANES

        def chunk(j, _):
            pltpu.sync_copy(row_h.at[wid, j], rowc)
            pltpu.sync_copy(col_h.at[wid, j], colc)
            pltpu.sync_copy(ee_h.at[wid, j], eec)
            pltpu.sync_copy(h_h.at[colc], rows_v)
            for m in range(vecs_per_chunk):
                rv = rowc[pl.ds(m * _LANES, _LANES)]
                dg = plsc.load_gather(den_v, [rv])
                eev = eec[pl.ds(m * _LANES, _LANES)]
                att_v[...] = eev / dg

                def rbody(r, _):
                    ab = plsc.load_gather(
                        att_v, [jnp.broadcast_to(r, (_LANES,))])
                    ri = m * _LANES + r
                    for q in range(_F // _LANES):
                        sl = pl.ds(q * _LANES, _LANES)
                        rows_v[ri, sl] = rows_v[ri, sl] * ab
                    return 0
                lax.fori_loop(0, _LANES, rbody, 0)
            pltpu.sync_copy(rows_v, acc.at[rowc], add=True)
            return 0
        lax.fori_loop(0, chunks, chunk, 0)

        plsc.subcore_barrier()
        for t in range(npt // _K):
            off = s * npt + t * _K
            pltpu.sync_copy(acc.at[pl.ds(off, _K)], rows_v)
            pltpu.sync_copy(rows_v, out_h.at[c, pl.ds(off, _K)])

    return k(h, ee3, dpart, row3, col3)


def kernel(x, edge_index, W, a_l, a_r):
    n, f_in = x.shape
    f_out = W.shape[1]
    e = edge_index.shape[1]

    xp = jnp.pad(x, ((0, _NP - n), (0, 0)))
    a_cols = jnp.zeros((f_out, _F), jnp.float32)
    a_cols = a_cols.at[:, 0].set(a_l.reshape(-1))
    a_cols = a_cols.at[:, 1].set(a_r.reshape(-1))

    ep = _TILES * _K * ((e + _TILES * _K - 1) // (_TILES * _K))
    chunks = ep // (_TILES * _K)
    row = edge_index[0]
    col = edge_index[1]
    row3 = jnp.concatenate(
        [row, jnp.full((ep - e,), n, jnp.int32)]).reshape(_TILES, chunks, _K)
    col3 = jnp.concatenate(
        [col, jnp.zeros((ep - e,), jnp.int32)]).reshape(_TILES, chunks, _K)

    h, proj = _project(xp, W, a_cols)
    hl = proj[:, 0]
    hr = proj[:, 1]

    ee3, dpart = _edge_scores(hl, hr, row3, col3, chunks)
    part = _aggregate(h, ee3, dpart, row3, col3, chunks)
    out = _combine(part)
    return out[:n]

# --- scband reference (transcript-rebuilt; emitter-appended) ---
"""Pipeline reference for scband-gatlayer-2430951489854 (READ-ONLY COPY).

The authoritative reference and input builder live on the scoring server;
editing this copy changes nothing except your own understanding.
"""

import jax, jax.numpy as jnp
import numpy as np
import math

N = 10000
E = 320000
IN_F = 128
OUT_F = 128
NHEAD = 1
ALPHA = 0.2


def setup_inputs(seed: int = 0) -> dict:
    key = jax.random.key(seed)
    k1, k2, k3, k4, k5 = jax.random.split(key, 5)
    x = jax.random.normal(k1, (N, IN_F), dtype=jnp.float32)
    edge_index = jax.random.randint(k2, (2, E), 0, N, dtype=jnp.int32)
    # reset_parameters: uniform(-stdv, stdv) with stdv = sqrt(6/(size(-2)+size(-1)))
    stdv_W = math.sqrt(6.0 / (IN_F + OUT_F * NHEAD))
    W = jax.random.uniform(k3, (IN_F, OUT_F * NHEAD), dtype=jnp.float32, minval=-stdv_W, maxval=stdv_W)
    stdv_a = math.sqrt(6.0 / (NHEAD + OUT_F))
    a_l = jax.random.uniform(k4, (1, NHEAD, OUT_F), dtype=jnp.float32, minval=-stdv_a, maxval=stdv_a)
    a_r = jax.random.uniform(k5, (1, NHEAD, OUT_F), dtype=jnp.float32, minval=-stdv_a, maxval=stdv_a)
    return {"x": x, "edge_index": edge_index, "W": W, "a_l": a_l, "a_r": a_r}


def reference(x, edge_index, W, a_l, a_r):
    # h = x @ W, viewed as [N, nhead, out_features]
    h = jnp.matmul(x, W).reshape(-1, NHEAD, OUT_F)
    h = jnp.where(jnp.isnan(h), 0.0, h)
    row = edge_index[0]
    col = edge_index[1]
    # per-node attention projections, gathered onto edges
    h_l = jnp.sum(a_l * h, axis=-1)  # [N, nhead]
    h_r = jnp.sum(a_r * h, axis=-1)  # [N, nhead]
    e = h_l[row] + h_r[col]          # [E, nhead]
    # leaky relu
    e = jnp.where(e > 0, e, ALPHA * e)
    # edge softmax grouped by row (destination node in cogdl CSR layout)
    m = jax.ops.segment_max(e, row, num_segments=N)      # [N, nhead]
    e = jnp.exp(e - m[row])
    denom = jax.ops.segment_sum(e, row, num_segments=N)  # [N, nhead]
    att = e / denom[row]
    # dropout with p=0.0 -> identity
    # spmm per head: out[i] = sum_{(i,j) in E} att_ij * h[j]
    msg = att[:, :, None] * h[col]                       # [E, nhead, out]
    out = jax.ops.segment_sum(msg, row, num_segments=N)  # [N, nhead, out]
    return out.reshape(N, NHEAD * OUT_F)

if __name__ == "__main__":
    import jax
    _d = setup_inputs()
    print(jax.jit(kernel)(*tuple(_d.values())))

</pallas_src>

<mosaic_0001>
#map = affine_map<(d0, d1) -> (0, 0)>
#map1 = affine_map<(d0, d1) -> (0, 0, 0)>
module attributes {stable_mosaic.version = 14 : i64} {
  func.func @k(%arg0: i32, %arg1: i32, %arg2: memref<10240x128xf32, #tpu.memory_space<hbm>>, %arg3: memref<32x79x128xf32, #tpu.memory_space<hbm>>, %arg4: memref<2x10240xf32, #tpu.memory_space<hbm>>, %arg5: memref<32x79x128xi32, #tpu.memory_space<hbm>>, %arg6: memref<32x79x128xi32, #tpu.memory_space<hbm>>, %arg7: memref<2x10240x128xf32, #tpu.memory_space<hbm>>, %arg8: memref<10240xf32, #tpu.memory_space<vmem>>, %arg9: memref<10240xf32, #tpu.memory_space<vmem>>, %arg10: memref<128xi32, #tpu.memory_space<vmem>>, %arg11: memref<128xi32, #tpu.memory_space<vmem>>, %arg12: memref<128xf32, #tpu.memory_space<vmem>>, %arg13: memref<128x128xf32, #tpu.memory_space<vmem>>, %arg14: memref<16xf32, #tpu.memory_space<vmem>>, %arg15: memref<10240x128xf32, #tpu.memory_space<vmem_shared>>) attributes {dimension_semantics = [#tpu.dimension_semantics<core_parallel>, #tpu.dimension_semantics<subcore_parallel>], iteration_bounds = array<i64: 2, 16>, scalar_prefetch = 0 : i64, scratch_operands = 8 : i64, tpu.core_type = #tpu.core_type<sc_vector_subcore>, window_params = [{transform_indices = #map}, {transform_indices = #map1}, {transform_indices = #map}, {transform_indices = #map1}, {transform_indices = #map1}, {transform_indices = #map1}]} {
    %mul3A = arith.constant 16 : i32
    %mul3A_0 = arith.muli %arg0, %mul3A : i32
    %add3A = arith.addi %mul3A_0, %arg1 : i32
    %run_scoped3A = arith.constant 0 : i32
    "tpu.region"() ({
      %run_scoped3A_64 = tpu.sem_alloc : memref<!tpu.dma_semaphore, #tpu.memory_space<semaphore_mem>>
      %dma_start3A = arith.constant 0 : i32
      %dma_start3A_65 = tpu.memref_slice %arg4[%run_scoped3A, %dma_start3A] : memref<2x10240xf32, #tpu.memory_space<hbm>> -> memref<1x10240xf32, #tpu.memory_space<hbm>>
      %dma_start3A_66 = tpu.memref_squeeze %dma_start3A_65 : memref<1x10240xf32, #tpu.memory_space<hbm>> -> memref<10240xf32, #tpu.memory_space<hbm>>
      %dma_start3A_67 = arith.constant 0 : i32
      %dma_start3A_68 = tpu.memref_slice %arg4[%run_scoped3A, %dma_start3A_67] : memref<2x10240xf32, #tpu.memory_space<hbm>> -> memref<1x10240xf32, #tpu.memory_space<hbm>>
      %dma_start3A_69 = tpu.memref_squeeze %dma_start3A_68 : memref<1x10240xf32, #tpu.memory_space<hbm>> -> memref<10240xf32, #tpu.memory_space<hbm>>
      tpu.enqueue_dma source(%dma_start3A_69 : memref<10240xf32, #tpu.memory_space<hbm>>) target(%arg8 : memref<10240xf32, #tpu.memory_space<vmem>>) target_semaphore(%run_scoped3A_64 : memref<!tpu.dma_semaphore, #tpu.memory_space<semaphore_mem>>)
      %dma_wait3A = arith.constant 0 : i32
      %dma_wait3A_70 = tpu.memref_slice %arg4[%run_scoped3A, %dma_wait3A] : memref<2x10240xf32, #tpu.memory_space<hbm>> -> memref<1x10240xf32, #tpu.memory_space<hbm>>
      %dma_wait3A_71 = tpu.memref_squeeze %dma_wait3A_70 : memref<1x10240xf32, #tpu.memory_space<hbm>> -> memref<10240xf32, #tpu.memory_space<hbm>>
      %dma_wait3A_72 = arith.constant 0 : i32
      %dma_wait3A_73 = tpu.memref_slice %arg4[%run_scoped3A, %dma_wait3A_72] : memref<2x10240xf32, #tpu.memory_space<hbm>> -> memref<1x10240xf32, #tpu.memory_space<hbm>>
      %dma_wait3A_74 = tpu.memref_squeeze %dma_wait3A_73 : memref<1x10240xf32, #tpu.memory_space<hbm>> -> memref<10240xf32, #tpu.memory_space<hbm>>
      tpu.wait_dma2 semaphore(%run_scoped3A_64 : memref<!tpu.dma_semaphore, #tpu.memory_space<semaphore_mem>>) src(%dma_wait3A_74 : memref<10240xf32, #tpu.memory_space<hbm>>) dst(%arg8 : memref<10240xf32, #tpu.memory_space<vmem>>)
      tpu.yield
    }) : () -> ()
    %run_scoped3A_1 = arith.constant 1 : i32
    "tpu.region"() ({
      %run_scoped3A_64 = tpu.sem_alloc : memref<!tpu.dma_semaphore, #tpu.memory_space<semaphore_mem>>
      %dma_start3A = arith.constant 0 : i32
      %dma_start3A_65 = tpu.memref_slice %arg4[%run_scoped3A_1, %dma_start3A] : memref<2x10240xf32, #tpu.memory_space<hbm>> -> memref<1x10240xf32, #tpu.memory_space<hbm>>
      %dma_start3A_66 = tpu.memref_squeeze %dma_start3A_65 : memref<1x10240xf32, #tpu.memory_space<hbm>> -> memref<10240xf32, #tpu.memory_space<hbm>>
      %dma_start3A_67 = arith.constant 0 : i32
      %dma_start3A_68 = tpu.memref_slice %arg4[%run_scoped3A_1, %dma_start3A_67] : memref<2x10240xf32, #tpu.memory_space<hbm>> -> memref<1x10240xf32, #tpu.memory_space<hbm>>
      %dma_start3A_69 = tpu.memref_squeeze %dma_start3A_68 : memref<1x10240xf32, #tpu.memory_space<hbm>> -> memref<10240xf32, #tpu.memory_space<hbm>>
      tpu.enqueue_dma source(%dma_start3A_69 : memref<10240xf32, #tpu.memory_space<hbm>>) target(%arg9 : memref<10240xf32, #tpu.memory_space<vmem>>) target_semaphore(%run_scoped3A_64 : memref<!tpu.dma_semaphore, #tpu.memory_space<semaphore_mem>>)
      %dma_wait3A = arith.constant 0 : i32
      %dma_wait3A_70 = tpu.memref_slice %arg4[%run_scoped3A_1, %dma_wait3A] : memref<2x10240xf32, #tpu.memory_space<hbm>> -> memref<1x10240xf32, #tpu.memory_space<hbm>>
      %dma_wait3A_71 = tpu.memref_squeeze %dma_wait3A_70 : memref<1x10240xf32, #tpu.memory_space<hbm>> -> memref<10240xf32, #tpu.memory_space<hbm>>
      %dma_wait3A_72 = arith.constant 0 : i32
      %dma_wait3A_73 = tpu.memref_slice %arg4[%run_scoped3A_1, %dma_wait3A_72] : memref<2x10240xf32, #tpu.memory_space<hbm>> -> memref<1x10240xf32, #tpu.memory_space<hbm>>
      %dma_wait3A_74 = tpu.memref_squeeze %dma_wait3A_73 : memref<1x10240xf32, #tpu.memory_space<hbm>> -> memref<10240xf32, #tpu.memory_space<hbm>>
      tpu.wait_dma2 semaphore(%run_scoped3A_64 : memref<!tpu.dma_semaphore, #tpu.memory_space<semaphore_mem>>) src(%dma_wait3A_74 : memref<10240xf32, #tpu.memory_space<hbm>>) dst(%arg9 : memref<10240xf32, #tpu.memory_space<vmem>>)
      tpu.yield
    }) : () -> ()
    %scan3A = arith.constant 0 : i32
    %scan3A_2 = arith.constant 0 : i32
    %scan3A_3 = arith.constant 640 : i32
    %scan3A_4 = arith.addi %scan3A_2, %scan3A_3 : i32
    %scan3A_5 = arith.constant 1 : i32
    %scan3A_6 = scf.for %scan3A_64 = %scan3A_2 to %scan3A_4 step %scan3A_5 iter_args(%scan3A_65 = %scan3A) -> (i32)  : i32 {
      %mul3A_66 = arith.constant 16 : i32
      %mul3A_67 = arith.muli %scan3A_64, %mul3A_66 : i32
      %get3A = arith.index_cast %mul3A_67 : i32 to index
      %get3A_68 = tpu.vector_load %arg8[%get3A] {strides = array<i32>} : memref<10240xf32, #tpu.memory_space<vmem>>, vector<16xf32>,
      %get3A_69 = arith.index_cast %mul3A_67 : i32 to index
      %get3A_70 = tpu.vector_load %arg9[%get3A_69] {strides = array<i32>} : memref<10240xf32, #tpu.memory_space<vmem>>, vector<16xf32>,
      %add3A_71 = arith.addf %get3A_68, %get3A_70 : vector<16xf32>
      %swap3A = arith.index_cast %mul3A_67 : i32 to index
      %swap3A_72 = tpu.vector_load %arg8[%swap3A] {strides = array<i32>} : memref<10240xf32, #tpu.memory_space<vmem>>, vector<16xf32>,
      tpu.vector_store %arg8[%swap3A], %add3A_71 {strides = array<i32>} : memref<10240xf32, #tpu.memory_space<vmem>>, vector<16xf32>,
      %scan3A_73 = arith.constant 0 : i32
      scf.yield %scan3A_73 : i32
    }
    %scan3A_7 = arith.constant 640 : i32
    %broadcast_in_dim3A = arith.constant 0.000000e+00 : f32
    %broadcast_in_dim3A_8 = vector.broadcast %broadcast_in_dim3A : f32 to vector<16xf32>
    %scan3A_9 = arith.constant 0 : i32
    %scan3A_10 = arith.constant 0 : i32
    %scan3A_11 = arith.constant 1024 : i32
    %scan3A_12 = arith.addi %scan3A_10, %scan3A_11 : i32
    %scan3A_13 = arith.constant 1 : i32
    %scan3A_14 = scf.for %scan3A_64 = %scan3A_10 to %scan3A_12 step %scan3A_13 iter_args(%scan3A_65 = %scan3A_9) -> (i32)  : i32 {
      %jit3A = arith.constant 8 : i32
      %div3A = arith.divsi %scan3A_64, %jit3A : i32
      %sign3A = arith.constant 0 : i32
      %sign3A_66 = arith.cmpi sgt, %scan3A_64, %sign3A : i32
      %sign3A_67 = arith.extui %sign3A_66 : i1 to i32
      %sign3A_68 = arith.constant 0 : i32
      %sign3A_69 = arith.cmpi slt, %scan3A_64, %sign3A_68 : i32
      %sign3A_70 = arith.extui %sign3A_69 : i1 to i32
      %sign3A_71 = arith.subi %sign3A_67, %sign3A_70 : i32
      %sign3A_72 = arith.constant 0 : i32
      %sign3A_73 = arith.cmpi sgt, %jit3A, %sign3A_72 : i32
      %sign3A_74 = arith.extui %sign3A_73 : i1 to i32
      %sign3A_75 = arith.constant 0 : i32
      %sign3A_76 = arith.cmpi slt, %jit3A, %sign3A_75 : i32
      %sign3A_77 = arith.extui %sign3A_76 : i1 to i32
      %sign3A_78 = arith.subi %sign3A_74, %sign3A_77 : i32
      %ne3A = arith.cmpi ne, %sign3A_71, %sign3A_78 : i32
      %rem3A = arith.remsi %scan3A_64, %jit3A : i32
      %ne3A_79 = arith.constant 0 : i32
      %ne3A_80 = arith.cmpi ne, %rem3A, %ne3A_79 : i32
      %and3A = arith.andi %ne3A, %ne3A_80 : i1
      %sub3A = arith.constant 1 : i32
      %sub3A_81 = arith.subi %div3A, %sub3A : i32
      %select_n3A = arith.select %and3A, %sub3A_81, %div3A : i32
      %jit3A_82 = arith.constant 8 : i32
      %eq3A = arith.constant 0 : i32
      %eq3A_83 = arith.cmpi eq, %jit3A_82, %eq3A : i32
      %jit3A_84 = arith.constant 1 : i32
      %select_n3A_85 = arith.select %eq3A_83, %jit3A_84, %jit3A_82 : i32
      %rem3A_86 = arith.remsi %scan3A_64, %select_n3A_85 : i32
      %ne3A_87 = arith.constant 0 : i32
      %ne3A_88 = arith.cmpi ne, %rem3A_86, %ne3A_87 : i32
      %lt3A = arith.constant 0 : i32
      %lt3A_89 = arith.cmpi slt, %rem3A_86, %lt3A : i32
      %lt3A_90 = arith.constant 0 : i32
      %lt3A_91 = arith.cmpi slt, %select_n3A_85, %lt3A_90 : i32
      %ne3A_92 = arith.xori %lt3A_89, %lt3A_91 : i1
      %and3A_93 = arith.andi %ne3A_92, %ne3A_88 : i1
      %add3A_94 = arith.addi %rem3A_86, %select_n3A_85 : i32
      %select_n3A_95 = arith.select %and3A_93, %add3A_94, %rem3A_86 : i32
      %mul3A_96 = arith.constant 16 : i32
      %mul3A_97 = arith.muli %select_n3A_95, %mul3A_96 : i32
      %swap3A = arith.index_cast %select_n3A : i32 to index
      %swap3A_98 = arith.index_cast %mul3A_97 : i32 to index
      %swap3A_99 = tpu.vector_load %arg13[%swap3A, %swap3A_98] {strides = array<i32>} : memref<128x128xf32, #tpu.memory_space<vmem>>, vector<16xf32>,
      tpu.vector_store %arg13[%swap3A, %swap3A_98], %broadcast_in_dim3A_8 {strides = array<i32>} : memref<128x128xf32, #tpu.memory_space<vmem>>, vector<16xf32>,
      %scan3A_100 = arith.constant 0 : i32
      scf.yield %scan3A_100 : i32
    }
    %scan3A_15 = arith.constant 1024 : i32
    %mul3A_16 = arith.constant 640 : i32
    %mul3A_17 = arith.muli %arg1, %mul3A_16 : i32
    %add3A_18 = arith.constant 0 : i32
    %add3A_19 = arith.addi %mul3A_17, %add3A_18 : i32
    "tpu.region"() ({
      %run_scoped3A_64 = tpu.sem_alloc : memref<!tpu.dma_semaphore, #tpu.memory_space<semaphore_mem>>
      %dma_start3A = arith.constant 0 : i32
      %dma_start3A_65 = tpu.memref_slice %arg15[%add3A_19, %dma_start3A] : memref<10240x128xf32, #tpu.memory_space<vmem_shared>> -> memref<128x128xf32, #tpu.memory_space<vmem_shared>>
      %dma_start3A_66 = arith.constant 0 : i32
      %dma_start3A_67 = tpu.memref_slice %arg15[%add3A_19, %dma_start3A_66] : memref<10240x128xf32, #tpu.memory_space<vmem_shared>> -> memref<128x128xf32, #tpu.memory_space<vmem_shared>>
      tpu.enqueue_dma source(%arg13 : memref<128x128xf32, #tpu.memory_space<vmem>>) target(%dma_start3A_67 : memref<128x128xf32, #tpu.memory_space<vmem_shared>>) target_semaphore(%run_scoped3A_64 : memref<!tpu.dma_semaphore, #tpu.memory_space<semaphore_mem>>)
      %dma_wait3A = arith.constant 0 : i32
      %dma_wait3A_68 = tpu.memref_slice %arg15[%add3A_19, %dma_wait3A] : memref<10240x128xf32, #tpu.memory_space<vmem_shared>> -> memref<128x128xf32, #tpu.memory_space<vmem_shared>>
      %dma_wait3A_69 = arith.constant 0 : i32
      %dma_wait3A_70 = tpu.memref_slice %arg15[%add3A_19, %dma_wait3A_69] : memref<10240x128xf32, #tpu.memory_space<vmem_shared>> -> memref<128x128xf32, #tpu.memory_space<vmem_shared>>
      tpu.wait_dma2 semaphore(%run_scoped3A_64 : memref<!tpu.dma_semaphore, #tpu.memory_space<semaphore_mem>>) src(%arg13 : memref<128x128xf32, #tpu.memory_space<vmem>>) dst(%dma_wait3A_70 : memref<128x128xf32, #tpu.memory_space<vmem_shared>>)
      tpu.yield
    }) : () -> ()
    %mul3A_20 = arith.constant 640 : i32
    %mul3A_21 = arith.muli %arg1, %mul3A_20 : i32
    %add3A_22 = arith.constant 128 : i32
    %add3A_23 = arith.addi %mul3A_21, %add3A_22 : i32
    "tpu.region"() ({
      %run_scoped3A_64 = tpu.sem_alloc : memref<!tpu.dma_semaphore, #tpu.memory_space<semaphore_mem>>
      %dma_start3A = arith.constant 0 : i32
      %dma_start3A_65 = tpu.memref_slice %arg15[%add3A_23, %dma_start3A] : memref<10240x128xf32, #tpu.memory_space<vmem_shared>> -> memref<128x128xf32, #tpu.memory_space<vmem_shared>>
      %dma_start3A_66 = arith.constant 0 : i32
      %dma_start3A_67 = tpu.memref_slice %arg15[%add3A_23, %dma_start3A_66] : memref<10240x128xf32, #tpu.memory_space<vmem_shared>> -> memref<128x128xf32, #tpu.memory_space<vmem_shared>>
      tpu.enqueue_dma source(%arg13 : memref<128x128xf32, #tpu.memory_space<vmem>>) target(%dma_start3A_67 : memref<128x128xf32, #tpu.memory_space<vmem_shared>>) target_semaphore(%run_scoped3A_64 : memref<!tpu.dma_semaphore, #tpu.memory_space<semaphore_mem>>)
      %dma_wait3A = arith.constant 0 : i32
      %dma_wait3A_68 = tpu.memref_slice %arg15[%add3A_23, %dma_wait3A] : memref<10240x128xf32, #tpu.memory_space<vmem_shared>> -> memref<128x128xf32, #tpu.memory_space<vmem_shared>>
      %dma_wait3A_69 = arith.constant 0 : i32
      %dma_wait3A_70 = tpu.memref_slice %arg15[%add3A_23, %dma_wait3A_69] : memref<10240x128xf32, #tpu.memory_space<vmem_shared>> -> memref<128x128xf32, #tpu.memory_space<vmem_shared>>
      tpu.wait_dma2 semaphore(%run_scoped3A_64 : memref<!tpu.dma_semaphore, #tpu.memory_space<semaphore_mem>>) src(%arg13 : memref<128x128xf32, #tpu.memory_space<vmem>>) dst(%dma_wait3A_70 : memref<128x128xf32, #tpu.memory_space<vmem_shared>>)
      tpu.yield
    }) : () -> ()
    %mul3A_24 = arith.constant 640 : i32
    %mul3A_25 = arith.muli %arg1, %mul3A_24 : i32
    %add3A_26 = arith.constant 256 : i32
    %add3A_27 = arith.addi %mul3A_25, %add3A_26 : i32
    "tpu.region"() ({
      %run_scoped3A_64 = tpu.sem_alloc : memref<!tpu.dma_semaphore, #tpu.memory_space<semaphore_mem>>
      %dma_start3A = arith.constant 0 : i32
      %dma_start3A_65 = tpu.memref_slice %arg15[%add3A_27, %dma_start3A] : memref<10240x128xf32, #tpu.memory_space<vmem_shared>> -> memref<128x128xf32, #tpu.memory_space<vmem_shared>>
      %dma_start3A_66 = arith.constant 0 : i32
      %dma_start3A_67 = tpu.memref_slice %arg15[%add3A_27, %dma_start3A_66] : memref<10240x128xf32, #tpu.memory_space<vmem_shared>> -> memref<128x128xf32, #tpu.memory_space<vmem_shared>>
      tpu.enqueue_dma source(%arg13 : memref<128x128xf32, #tpu.memory_space<vmem>>) target(%dma_start3A_67 : memref<128x128xf32, #tpu.memory_space<vmem_shared>>) target_semaphore(%run_scoped3A_64 : memref<!tpu.dma_semaphore, #tpu.memory_space<semaphore_mem>>)
      %dma_wait3A = arith.constant 0 : i32
      %dma_wait3A_68 = tpu.memref_slice %arg15[%add3A_27, %dma_wait3A] : memref<10240x128xf32, #tpu.memory_space<vmem_shared>> -> memref<128x128xf32, #tpu.memory_space<vmem_shared>>
      %dma_wait3A_69 = arith.constant 0 : i32
      %dma_wait3A_70 = tpu.memref_slice %arg15[%add3A_27, %dma_wait3A_69] : memref<10240x128xf32, #tpu.memory_space<vmem_shared>> -> memref<128x128xf32, #tpu.memory_space<vmem_shared>>
      tpu.wait_dma2 semaphore(%run_scoped3A_64 : memref<!tpu.dma_semaphore, #tpu.memory_space<semaphore_mem>>) src(%arg13 : memref<128x128xf32, #tpu.memory_space<vmem>>) dst(%dma_wait3A_70 : memref<128x128xf32, #tpu.memory_space<vmem_shared>>)
      tpu.yield
    }) : () -> ()
    %mul3A_28 = arith.constant 640 : i32
    %mul3A_29 = arith.muli %arg1, %mul3A_28 : i32
    %add3A_30 = arith.constant 384 : i32
    %add3A_31 = arith.addi %mul3A_29, %add3A_30 : i32
    "tpu.region"() ({
      %run_scoped3A_64 = tpu.sem_alloc : memref<!tpu.dma_semaphore, #tpu.memory_space<semaphore_mem>>
      %dma_start3A = arith.constant 0 : i32
      %dma_start3A_65 = tpu.memref_slice %arg15[%add3A_31, %dma_start3A] : memref<10240x128xf32, #tpu.memory_space<vmem_shared>> -> memref<128x128xf32, #tpu.memory_space<vmem_shared>>
      %dma_start3A_66 = arith.constant 0 : i32
      %dma_start3A_67 = tpu.memref_slice %arg15[%add3A_31, %dma_start3A_66] : memref<10240x128xf32, #tpu.memory_space<vmem_shared>> -> memref<128x128xf32, #tpu.memory_space<vmem_shared>>
      tpu.enqueue_dma source(%arg13 : memref<128x128xf32, #tpu.memory_space<vmem>>) target(%dma_start3A_67 : memref<128x128xf32, #tpu.memory_space<vmem_shared>>) target_semaphore(%run_scoped3A_64 : memref<!tpu.dma_semaphore, #tpu.memory_space<semaphore_mem>>)
      %dma_wait3A = arith.constant 0 : i32
      %dma_wait3A_68 = tpu.memref_slice %arg15[%add3A_31, %dma_wait3A] : memref<10240x128xf32, #tpu.memory_space<vmem_shared>> -> memref<128x128xf32, #tpu.memory_space<vmem_shared>>
      %dma_wait3A_69 = arith.constant 0 : i32
      %dma_wait3A_70 = tpu.memref_slice %arg15[%add3A_31, %dma_wait3A_69] : memref<10240x128xf32, #tpu.memory_space<vmem_shared>> -> memref<128x128xf32, #tpu.memory_space<vmem_shared>>
      tpu.wait_dma2 semaphore(%run_scoped3A_64 : memref<!tpu.dma_semaphore, #tpu.memory_space<semaphore_mem>>) src(%arg13 : memref<128x128xf32, #tpu.memory_space<vmem>>) dst(%dma_wait3A_70 : memref<128x128xf32, #tpu.memory_space<vmem_shared>>)
      tpu.yield
    }) : () -> ()
    %mul3A_32 = arith.constant 640 : i32
    %mul3A_33 = arith.muli %arg1, %mul3A_32 : i32
    %add3A_34 = arith.constant 512 : i32
    %add3A_35 = arith.addi %mul3A_33, %add3A_34 : i32
    "tpu.region"() ({
      %run_scoped3A_64 = tpu.sem_alloc : memref<!tpu.dma_semaphore, #tpu.memory_space<semaphore_mem>>
      %dma_start3A = arith.constant 0 : i32
      %dma_start3A_65 = tpu.memref_slice %arg15[%add3A_35, %dma_start3A] : memref<10240x128xf32, #tpu.memory_space<vmem_shared>> -> memref<128x128xf32, #tpu.memory_space<vmem_shared>>
      %dma_start3A_66 = arith.constant 0 : i32
      %dma_start3A_67 = tpu.memref_slice %arg15[%add3A_35, %dma_start3A_66] : memref<10240x128xf32, #tpu.memory_space<vmem_shared>> -> memref<128x128xf32, #tpu.memory_space<vmem_shared>>
      tpu.enqueue_dma source(%arg13 : memref<128x128xf32, #tpu.memory_space<vmem>>) target(%dma_start3A_67 : memref<128x128xf32, #tpu.memory_space<vmem_shared>>) target_semaphore(%run_scoped3A_64 : memref<!tpu.dma_semaphore, #tpu.memory_space<semaphore_mem>>)
      %dma_wait3A = arith.constant 0 : i32
      %dma_wait3A_68 = tpu.memref_slice %arg15[%add3A_35, %dma_wait3A] : memref<10240x128xf32, #tpu.memory_space<vmem_shared>> -> memref<128x128xf32, #tpu.memory_space<vmem_shared>>
      %dma_wait3A_69 = arith.constant 0 : i32
      %dma_wait3A_70 = tpu.memref_slice %arg15[%add3A_35, %dma_wait3A_69] : memref<10240x128xf32, #tpu.memory_space<vmem_shared>> -> memref<128x128xf32, #tpu.memory_space<vmem_shared>>
      tpu.wait_dma2 semaphore(%run_scoped3A_64 : memref<!tpu.dma_semaphore, #tpu.memory_space<semaphore_mem>>) src(%arg13 : memref<128x128xf32, #tpu.memory_space<vmem>>) dst(%dma_wait3A_70 : memref<128x128xf32, #tpu.memory_space<vmem_shared>>)
      tpu.yield
    }) : () -> ()
    %barrier3A = arith.constant 0 : index
    tpu.barrier barrier_id(%barrier3A)
    %scan3A_36 = arith.constant 0 : i32
    %scan3A_37 = arith.constant 0 : i32
    %scan3A_38 = arith.constant 79 : i32
    %scan3A_39 = arith.addi %scan3A_37, %scan3A_38 : i32
    %scan3A_40 = arith.constant 1 : i32
    %scan3A_41 = scf.for %scan3A_64 = %scan3A_37 to %scan3A_39 step %scan3A_40 iter_args(%scan3A_65 = %scan3A_36) -> (i32)  : i32 {
      "tpu.region"() ({
        %run_scoped3A_183 = tpu.sem_alloc : memref<!tpu.dma_semaphore, #tpu.memory_space<semaphore_mem>>
        %dma_start3A = arith.constant 0 : i32
        %dma_start3A_184 = tpu.memref_slice %arg5[%add3A, %scan3A_64, %dma_start3A] : memref<32x79x128xi32, #tpu.memory_space<hbm>> -> memref<1x1x128xi32, #tpu.memory_space<hbm>>
        %dma_start3A_185 = tpu.memref_squeeze %dma_start3A_184 : memref<1x1x128xi32, #tpu.memory_space<hbm>> -> memref<128xi32, #tpu.memory_space<hbm>>
        %dma_start3A_186 = arith.constant 0 : i32
        %dma_start3A_187 = tpu.memref_slice %arg5[%add3A, %scan3A_64, %dma_start3A_186] : memref<32x79x128xi32, #tpu.memory_space<hbm>> -> memref<1x1x128xi32, #tpu.memory_space<hbm>>
        %dma_start3A_188 = tpu.memref_squeeze %dma_start3A_187 : memref<1x1x128xi32, #tpu.memory_space<hbm>> -> memref<128xi32, #tpu.memory_space<hbm>>
        tpu.enqueue_dma source(%dma_start3A_188 : memref<128xi32, #tpu.memory_space<hbm>>) target(%arg10 : memref<128xi32, #tpu.memory_space<vmem>>) target_semaphore(%run_scoped3A_183 : memref<!tpu.dma_semaphore, #tpu.memory_space<semaphore_mem>>)
        %dma_wait3A = arith.constant 0 : i32
        %dma_wait3A_189 = tpu.memref_slice %arg5[%add3A, %scan3A_64, %dma_wait3A] : memref<32x79x128xi32, #tpu.memory_space<hbm>> -> memref<1x1x128xi32, #tpu.memory_space<hbm>>
        %dma_wait3A_190 = tpu.memref_squeeze %dma_wait3A_189 : memref<1x1x128xi32, #tpu.memory_space<hbm>> -> memref<128xi32, #tpu.memory_space<hbm>>
        %dma_wait3A_191 = arith.constant 0 : i32
        %dma_wait3A_192 = tpu.memref_slice %arg5[%add3A, %scan3A_64, %dma_wait3A_191] : memref<32x79x128xi32, #tpu.memory_space<hbm>> -> memref<1x1x128xi32, #tpu.memory_space<hbm>>
        %dma_wait3A_193 = tpu.memref_squeeze %dma_wait3A_192 : memref<1x1x128xi32, #tpu.memory_space<hbm>> -> memref<128xi32, #tpu.memory_space<hbm>>
        tpu.wait_dma2 semaphore(%run_scoped3A_183 : memref<!tpu.dma_semaphore, #tpu.memory_space<semaphore_mem>>) src(%dma_wait3A_193 : memref<128xi32, #tpu.memory_space<hbm>>) dst(%arg10 : memref<128xi32, #tpu.memory_space<vmem>>)
        tpu.yield
      }) : () -> ()
      "tpu.region"() ({
        %run_scoped3A_183 = tpu.sem_alloc : memref<!tpu.dma_semaphore, #tpu.memory_space<semaphore_mem>>
        %dma_start3A = arith.constant 0 : i32
        %dma_start3A_184 = tpu.memref_slice %arg6[%add3A, %scan3A_64, %dma_start3A] : memref<32x79x128xi32, #tpu.memory_space<hbm>> -> memref<1x1x128xi32, #tpu.memory_space<hbm>>
        %dma_start3A_185 = tpu.memref_squeeze %dma_start3A_184 : memref<1x1x128xi32, #tpu.memory_space<hbm>> -> memref<128xi32, #tpu.memory_space<hbm>>
        %dma_start3A_186 = arith.constant 0 : i32
        %dma_start3A_187 = tpu.memref_slice %arg6[%add3A, %scan3A_64, %dma_start3A_186] : memref<32x79x128xi32, #tpu.memory_space<hbm>> -> memref<1x1x128xi32, #tpu.memory_space<hbm>>
        %dma_start3A_188 = tpu.memref_squeeze %dma_start3A_187 : memref<1x1x128xi32, #tpu.memory_space<hbm>> -> memref<128xi32, #tpu.memory_space<hbm>>
        tpu.enqueue_dma source(%dma_start3A_188 : memref<128xi32, #tpu.memory_space<hbm>>) target(%arg11 : memref<128xi32, #tpu.memory_space<vmem>>) target_semaphore(%run_scoped3A_183 : memref<!tpu.dma_semaphore, #tpu.memory_space<semaphore_mem>>)
        %dma_wait3A = arith.constant 0 : i32
        %dma_wait3A_189 = tpu.memref_slice %arg6[%add3A, %scan3A_64, %dma_wait3A] : memref<32x79x128xi32, #tpu.memory_space<hbm>> -> memref<1x1x128xi32, #tpu.memory_space<hbm>>
        %dma_wait3A_190 = tpu.memref_squeeze %dma_wait3A_189 : memref<1x1x128xi32, #tpu.memory_space<hbm>> -> memref<128xi32, #tpu.memory_space<hbm>>
        %dma_wait3A_191 = arith.constant 0 : i32
        %dma_wait3A_192 = tpu.memref_slice %arg6[%add3A, %scan3A_64, %dma_wait3A_191] : memref<32x79x128xi32, #tpu.memory_space<hbm>> -> memref<1x1x128xi32, #tpu.memory_space<hbm>>
        %dma_wait3A_193 = tpu.memref_squeeze %dma_wait3A_192 : memref<1x1x128xi32, #tpu.memory_space<hbm>> -> memref<128xi32, #tpu.memory_space<hbm>>
        tpu.wait_dma2 semaphore(%run_scoped3A_183 : memref<!tpu.dma_semaphore, #tpu.memory_space<semaphore_mem>>) src(%dma_wait3A_193 : memref<128xi32, #tpu.memory_space<hbm>>) dst(%arg11 : memref<128xi32, #tpu.memory_space<vmem>>)
        tpu.yield
      }) : () -> ()
      "tpu.region"() ({
        %run_scoped3A_183 = tpu.sem_alloc : memref<!tpu.dma_semaphore, #tpu.memory_space<semaphore_mem>>
        %dma_start3A = arith.constant 0 : i32
        %dma_start3A_184 = tpu.memref_slice %arg3[%add3A, %scan3A_64, %dma_start3A] : memref<32x79x128xf32, #tpu.memory_space<hbm>> -> memref<1x1x128xf32, #tpu.memory_space<hbm>>
        %dma_start3A_185 = tpu.memref_squeeze %dma_start3A_184 : memref<1x1x128xf32, #tpu.memory_space<hbm>> -> memref<128xf32, #tpu.memory_space<hbm>>
        %dma_start3A_186 = arith.constant 0 : i32
        %dma_start3A_187 = tpu.memref_slice %arg3[%add3A, %scan3A_64, %dma_start3A_186] : memref<32x79x128xf32, #tpu.memory_space<hbm>> -> memref<1x1x128xf32, #tpu.memory_space<hbm>>
        %dma_start3A_188 = tpu.memref_squeeze %dma_start3A_187 : memref<1x1x128xf32, #tpu.memory_space<hbm>> -> memref<128xf32, #tpu.memory_space<hbm>>
        tpu.enqueue_dma source(%dma_start3A_188 : memref<128xf32, #tpu.memory_space<hbm>>) target(%arg12 : memref<128xf32, #tpu.memory_space<vmem>>) target_semaphore(%run_scoped3A_183 : memref<!tpu.dma_semaphore, #tpu.memory_space<semaphore_mem>>)
        %dma_wait3A = arith.constant 0 : i32
        %dma_wait3A_189 = tpu.memref_slice %arg3[%add3A, %scan3A_64, %dma_wait3A] : memref<32x79x128xf32, #tpu.memory_space<hbm>> -> memref<1x1x128xf32, #tpu.memory_space<hbm>>
        %dma_wait3A_190 = tpu.memref_squeeze %dma_wait3A_189 : memref<1x1x128xf32, #tpu.memory_space<hbm>> -> memref<128xf32, #tpu.memory_space<hbm>>
        %dma_wait3A_191 = arith.constant 0 : i32
        %dma_wait3A_192 = tpu.memref_slice %arg3[%add3A, %scan3A_64, %dma_wait3A_191] : memref<32x79x128xf32, #tpu.memory_space<hbm>> -> memref<1x1x128xf32, #tpu.memory_space<hbm>>
        %dma_wait3A_193 = tpu.memref_squeeze %dma_wait3A_192 : memref<1x1x128xf32, #tpu.memory_space<hbm>> -> memref<128xf32, #tpu.memory_space<hbm>>
        tpu.wait_dma2 semaphore(%run_scoped3A_183 : memref<!tpu.dma_semaphore, #tpu.memory_space<semaphore_mem>>) src(%dma_wait3A_193 : memref<128xf32, #tpu.memory_space<hbm>>) dst(%arg12 : memref<128xf32, #tpu.memory_space<vmem>>)
        tpu.yield
      }) : () -> ()
      "tpu.region"() ({
        %run_scoped3A_183 = tpu.sem_alloc : memref<!tpu.dma_semaphore, #tpu.memory_space<semaphore_mem>>
        %dma_start3A = arith.constant 0 : i32
        %dma_start3A_184 = arith.constant 0 : i32
        %dma_start3A_185 = tpu.memref_slice %arg2[%dma_start3A, %dma_start3A_184] : memref<10240x128xf32, #tpu.memory_space<hbm>> -> memref<10240x128xf32, #tpu.memory_space<hbm>>
        tpu.enqueue_indirect_dma source(%dma_start3A_185 : memref<10240x128xf32, #tpu.memory_space<hbm>>) target(%arg13 : memref<128x128xf32, #tpu.memory_space<vmem>>) offsets(%arg11 : memref<128xi32, #tpu.memory_space<vmem>>) semaphore(%run_scoped3A_183 : memref<!tpu.dma_semaphore, #tpu.memory_space<semaphore_mem>>)
        %dma_wait3A = arith.constant 0 : i32
        %dma_wait3A_186 = arith.constant 0 : i32
        %dma_wait3A_187 = tpu.memref_slice %arg2[%dma_wait3A, %dma_wait3A_186] : memref<10240x128xf32, #tpu.memory_space<hbm>> -> memref<10240x128xf32, #tpu.memory_space<hbm>>
        tpu.wait_indirect_dma semaphore(%run_scoped3A_183 : memref<!tpu.dma_semaphore, #tpu.memory_space<semaphore_mem>>) src(%dma_wait3A_187 : memref<10240x128xf32, #tpu.memory_space<hbm>>) dst(%arg13 : memref<128x128xf32, #tpu.memory_space<vmem>>)
        tpu.yield
      }) : () -> ()
      %get3A = arith.constant 0 : index
      %get3A_66 = tpu.vector_load %arg10[%get3A] {strides = array<i32>} : memref<128xi32, #tpu.memory_space<vmem>>, vector<16xi32>,
      %gather3A = tpu.vector_load_idx %arg8[%get3A_66] : memref<10240xf32, #tpu.memory_space<vmem>>[vector<16xi32>], vector<16xf32>,
      %get3A_67 = arith.constant 0 : index
      %get3A_68 = tpu.vector_load %arg12[%get3A_67] {strides = array<i32>} : memref<128xf32, #tpu.memory_space<vmem>>, vector<16xf32>,
      %div3A = arith.divf %get3A_68, %gather3A : vector<16xf32>
      %swap3A = arith.constant 0 : index
      %swap3A_69 = tpu.vector_load %arg14[%swap3A] {strides = array<i32>} : memref<16xf32, #tpu.memory_space<vmem>>, vector<16xf32>,
      tpu.vector_store %arg14[%swap3A], %div3A {strides = array<i32>} : memref<16xf32, #tpu.memory_space<vmem>>, vector<16xf32>,
      %scan3A_70 = arith.constant 0 : i32
      %scan3A_71 = arith.constant 0 : i32
      %scan3A_72 = arith.constant 16 : i32
      %scan3A_73 = arith.addi %scan3A_71, %scan3A_72 : i32
      %scan3A_74 = arith.constant 1 : i32
      %scan3A_75 = scf.for %scan3A_183 = %scan3A_71 to %scan3A_73 step %scan3A_74 iter_args(%scan3A_184 = %scan3A_70) -> (i32)  : i32 {
        %broadcast_in_dim3A_185 = vector.broadcast %scan3A_183 : i32 to vector<16xi32>
        %gather3A_186 = tpu.vector_load_idx %arg14[%broadcast_in_dim3A_185] : memref<16xf32, #tpu.memory_space<vmem>>[vector<16xi32>], vector<16xf32>,
        %add3A_187 = arith.constant 0 : i32
        %add3A_188 = arith.addi %add3A_187, %scan3A_183 : i32
        %get3A_189 = arith.index_cast %add3A_188 : i32 to index
        %get3A_190 = arith.constant 0 : index
        %get3A_191 = tpu.vector_load %arg13[%get3A_189, %get3A_190] {strides = array<i32>} : memref<128x128xf32, #tpu.memory_space<vmem>>, vector<16xf32>,
        %mul3A_192 = arith.mulf %get3A_191, %gather3A_186 : vector<16xf32>
        %swap3A_193 = arith.index_cast %add3A_188 : i32 to index
        %swap3A_194 = arith.constant 0 : index
        %swap3A_195 = tpu.vector_load %arg13[%swap3A_193, %swap3A_194] {strides = array<i32>} : memref<128x128xf32, #tpu.memory_space<vmem>>, vector<16xf32>,
        tpu.vector_store %arg13[%swap3A_193, %swap3A_194], %mul3A_192 {strides = array<i32>} : memref<128x128xf32, #tpu.memory_space<vmem>>, vector<16xf32>,
        %get3A_196 = arith.index_cast %add3A_188 : i32 to index
        %get3A_197 = arith.constant 16 : index
        %get3A_198 = tpu.vector_load %arg13[%get3A_196, %get3A_197] {strides = array<i32>} : memref<128x128xf32, #tpu.memory_space<vmem>>, vector<16xf32>,
        %mul3A_199 = arith.mulf %get3A_198, %gather3A_186 : vector<16xf32>
        %swap3A_200 = arith.index_cast %add3A_188 : i32 to index
        %swap3A_201 = arith.constant 16 : index
        %swap3A_202 = tpu.vector_load %arg13[%swap3A_200, %swap3A_201] {strides = array<i32>} : memref<128x128xf32, #tpu.memory_space<vmem>>, vector<16xf32>,
        tpu.vector_store %arg13[%swap3A_200, %swap3A_201], %mul3A_199 {strides = array<i32>} : memref<128x128xf32, #tpu.memory_space<vmem>>, vector<16xf32>,
        %get3A_203 = arith.index_cast %add3A_188 : i32 to index
        %get3A_204 = arith.constant 32 : index
        %get3A_205 = tpu.vector_load %arg13[%get3A_203, %get3A_204] {strides = array<i32>} : memref<128x128xf32, #tpu.memory_space<vmem>>, vector<16xf32>,
        %mul3A_206 = arith.mulf %get3A_205, %gather3A_186 : vector<16xf32>
        %swap3A_207 = arith.index_cast %add3A_188 : i32 to index
        %swap3A_208 = arith.constant 32 : index
        %swap3A_209 = tpu.vector_load %arg13[%swap3A_207, %swap3A_208] {strides = array<i32>} : memref<128x128xf32, #tpu.memory_space<vmem>>, vector<16xf32>,
        tpu.vector_store %arg13[%swap3A_207, %swap3A_208], %mul3A_206 {strides = array<i32>} : memref<128x128xf32, #tpu.memory_space<vmem>>, vector<16xf32>,
        %get3A_210 = arith.index_cast %add3A_188 : i32 to index
        %get3A_211 = arith.constant 48 : index
        %get3A_212 = tpu.vector_load %arg13[%get3A_210, %get3A_211] {strides = array<i32>} : memref<128x128xf32, #tpu.memory_space<vmem>>, vector<16xf32>,
        %mul3A_213 = arith.mulf %get3A_212, %gather3A_186 : vector<16xf32>
        %swap3A_214 = arith.index_cast %add3A_188 : i32 to index
        %swap3A_215 = arith.constant 48 : index
        %swap3A_216 = tpu.vector_load %arg13[%swap3A_214, %swap3A_215] {strides = array<i32>} : memref<128x128xf32, #tpu.memory_space<vmem>>, vector<16xf32>,
        tpu.vector_store %arg13[%swap3A_214, %swap3A_215], %mul3A_213 {strides = array<i32>} : memref<128x128xf32, #tpu.memory_space<vmem>>, vector<16xf32>,
        %get3A_217 = arith.index_cast %add3A_188 : i32 to index
        %get3A_218 = arith.constant 64 : index
        %get3A_219 = tpu.vector_load %arg13[%get3A_217, %get3A_218] {strides = array<i32>} : memref<128x128xf32, #tpu.memory_space<vmem>>, vector<16xf32>,
        %mul3A_220 = arith.mulf %get3A_219, %gather3A_186 : vector<16xf32>
        %swap3A_221 = arith.index_cast %add3A_188 : i32 to index
        %swap3A_222 = arith.constant 64 : index
        %swap3A_223 = tpu.vector_load %arg13[%swap3A_221, %swap3A_222] {strides = array<i32>} : memref<128x128xf32, #tpu.memory_space<vmem>>, vector<16xf32>,
        tpu.vector_store %arg13[%swap3A_221, %swap3A_222], %mul3A_220 {strides = array<i32>} : memref<128x128xf32, #tpu.memory_space<vmem>>, vector<16xf32>,
        %get3A_224 = arith.index_cast %add3A_188 : i32 to index
        %get3A_225 = arith.constant 80 : index
        %get3A_226 = tpu.vector_load %arg13[%get3A_224, %get3A_225] {strides = array<i32>} : memref<128x128xf32, #tpu.memory_space<vmem>>, vector<16xf32>,
        %mul3A_227 = arith.mulf %get3A_226, %gather3A_186 : vector<16xf32>
        %swap3A_228 = arith.index_cast %add3A_188 : i32 to index
        %swap3A_229 = arith.constant 80 : index
        %swap3A_230 = tpu.vector_load %arg13[%swap3A_228, %swap3A_229] {strides = array<i32>} : memref<128x128xf32, #tpu.memory_space<vmem>>, vector<16xf32>,
        tpu.vector_store %arg13[%swap3A_228, %swap3A_229], %mul3A_227 {strides = array<i32>} : memref<128x128xf32, #tpu.memory_space<vmem>>, vector<16xf32>,
        %get3A_231 = arith.index_cast %add3A_188 : i32 to index
        %get3A_232 = arith.constant 96 : index
        %get3A_233 = tpu.vector_load %arg13[%get3A_231, %get3A_232] {strides = array<i32>} : memref<128x128xf32, #tpu.memory_space<vmem>>, vector<16xf32>,
        %mul3A_234 = arith.mulf %get3A_233, %gather3A_186 : vector<16xf32>
        %swap3A_235 = arith.index_cast %add3A_188 : i32 to index
        %swap3A_236 = arith.constant 96 : index
        %swap3A_237 = tpu.vector_load %arg13[%swap3A_235, %swap3A_236] {strides = array<i32>} : memref<128x128xf32, #tpu.memory_space<vmem>>, vector<16xf32>,
        tpu.vector_store %arg13[%swap3A_235, %swap3A_236], %mul3A_234 {strides = array<i32>} : memref<128x128xf32, #tpu.memory_space<vmem>>, vector<16xf32>,
        %get3A_238 = arith.index_cast %add3A_188 : i32 to index
        %get3A_239 = arith.constant 112 : index
        %get3A_240 = tpu.vector_load %arg13[%get3A_238, %get3A_239] {strides = array<i32>} : memref<128x128xf32, #tpu.memory_space<vmem>>, vector<16xf32>,
        %mul3A_241 = arith.mulf %get3A_240, %gather3A_186 : vector<16xf32>
        %swap3A_242 = arith.index_cast %add3A_188 : i32 to index
        %swap3A_243 = arith.constant 112 : index
        %swap3A_244 = tpu.vector_load %arg13[%swap3A_242, %swap3A_243] {strides = array<i32>} : memref<128x128xf32, #tpu.memory_space<vmem>>, vector<16xf32>,
        tpu.vector_store %arg13[%swap3A_242, %swap3A_243], %mul3A_241 {strides = array<i32>} : memref<128x128xf32, #tpu.memory_space<vmem>>, vector<16xf32>,
        %scan3A_245 = arith.constant 0 : i32
        scf.yield %scan3A_245 : i32
      }
      %scan3A_76 = arith.constant 16 : i32
      %get3A_77 = arith.constant 16 : index
      %get3A_78 = tpu.vector_load %arg10[%get3A_77] {strides = array<i32>} : memref<128xi32, #tpu.memory_space<vmem>>, vector<16xi32>,
      %gather3A_79 = tpu.vector_load_idx %arg8[%get3A_78] : memref<10240xf32, #tpu.memory_space<vmem>>[vector<16xi32>], vector<16xf32>,
      %get3A_80 = arith.constant 16 : index
      %get3A_81 = tpu.vector_load %arg12[%get3A_80] {strides = array<i32>} : memref<128xf32, #tpu.memory_space<vmem>>, vector<16xf32>,
      %div3A_82 = arith.divf %get3A_81, %gather3A_79 : vector<16xf32>
      %swap3A_83 = arith.constant 0 : index
      %swap3A_84 = tpu.vector_load %arg14[%swap3A_83] {strides = array<i32>} : memref<16xf32, #tpu.memory_space<vmem>>, vector<16xf32>,
      tpu.vector_store %arg14[%swap3A_83], %div3A_82 {strides = array<i32>} : memref<16xf32, #tpu.memory_space<vmem>>, vector<16xf32>,
      %scan3A_85 = arith.constant 0 : i32
      %scan3A_86 = arith.constant 0 : i32
      %scan3A_87 = arith.constant 16 : i32
      %scan3A_88 = arith.addi %scan3A_86, %scan3A_87 : i32
      %scan3A_89 = arith.constant 1 : i32
      %scan3A_90 = scf.for %scan3A_183 = %scan3A_86 to %scan3A_88 step %scan3A_89 iter_args(%scan3A_184 = %scan3A_85) -> (i32)  : i32 {
        %broadcast_in_dim3A_185 = vector.broadcast %scan3A_183 : i32 to vector<16xi32>
        %gather3A_186 = tpu.vector_load_idx %arg14[%broadcast_in_dim3A_185] : memref<16xf32, #tpu.memory_space<vmem>>[vector<16xi32>], vector<16xf32>,
        %add3A_187 = arith.constant 16 : i32
        %add3A_188 = arith.addi %add3A_187, %scan3A_183 : i32
        %get3A_189 = arith.index_cast %add3A_188 : i32 to index
        %get3A_190 = arith.constant 0 : index
        %get3A_191 = tpu.vector_load %arg13[%get3A_189, %get3A_190] {strides = array<i32>} : memref<128x128xf32, #tpu.memory_space<vmem>>, vector<16xf32>,
        %mul3A_192 = arith.mulf %get3A_191, %gather3A_186 : vector<16xf32>
        %swap3A_193 = arith.index_cast %add3A_188 : i32 to index
        %swap3A_194 = arith.constant 0 : index
        %swap3A_195 = tpu.vector_load %arg13[%swap3A_193, %swap3A_194] {strides = array<i32>} : memref<128x128xf32, #tpu.memory_space<vmem>>, vector<16xf32>,
        tpu.vector_store %arg13[%swap3A_193, %swap3A_194], %mul3A_192 {strides = array<i32>} : memref<128x128xf32, #tpu.memory_space<vmem>>, vector<16xf32>,
        %get3A_196 = arith.index_cast %add3A_188 : i32 to index
        %get3A_197 = arith.constant 16 : index
        %get3A_198 = tpu.vector_load %arg13[%get3A_196, %get3A_197] {strides = array<i32>} : memref<128x128xf32, #tpu.memory_space<vmem>>, vector<16xf32>,
        %mul3A_199 = arith.mulf %get3A_198, %gather3A_186 : vector<16xf32>
        %swap3A_200 = arith.index_cast %add3A_188 : i32 to index
        %swap3A_201 = arith.constant 16 : index
        %swap3A_202 = tpu.vector_load %arg13[%swap3A_200, %swap3A_201] {strides = array<i32>} : memref<128x128xf32, #tpu.memory_space<vmem>>, vector<16xf32>,
        tpu.vector_store %arg13[%swap3A_200, %swap3A_201], %mul3A_199 {strides = array<i32>} : memref<128x128xf32, #tpu.memory_space<vmem>>, vector<16xf32>,
        %get3A_203 = arith.index_cast %add3A_188 : i32 to index
        %get3A_204 = arith.constant 32 : index
        %get3A_205 = tpu.vector_load %arg13[%get3A_203, %get3A_204] {strides = array<i32>} : memref<128x128xf32, #tpu.memory_space<vmem>>, vector<16xf32>,
        %mul3A_206 = arith.mulf %get3A_205, %gather3A_186 : vector<16xf32>
        %swap3A_207 = arith.index_cast %add3A_188 : i32 to index
        %swap3A_208 = arith.constant 32 : index
        %swap3A_209 = tpu.vector_load %arg13[%swap3A_207, %swap3A_208] {strides = array<i32>} : memref<128x128xf32, #tpu.memory_space<vmem>>, vector<16xf32>,
        tpu.vector_store %arg13[%swap3A_207, %swap3A_208], %mul3A_206 {strides = array<i32>} : memref<128x128xf32, #tpu.memory_space<vmem>>, vector<16xf32>,
        %get3A_210 = arith.index_cast %add3A_188 : i32 to index
        %get3A_211 = arith.constant 48 : index
        %get3A_212 = tpu.vector_load %arg13[%get3A_210, %get3A_211] {strides = array<i32>} : memref<128x128xf32, #tpu.memory_space<vmem>>, vector<16xf32>,
        %mul3A_213 = arith.mulf %get3A_212, %gather3A_186 : vector<16xf32>
        %swap3A_214 = arith.index_cast %add3A_188 : i32 to index
        %swap3A_215 = arith.constant 48 : index
        %swap3A_216 = tpu.vector_load %arg13[%swap3A_214, %swap3A_215] {strides = array<i32>} : memref<128x128xf32, #tpu.memory_space<vmem>>, vector<16xf32>,
        tpu.vector_store %arg13[%swap3A_214, %swap3A_215], %mul3A_213 {strides = array<i32>} : memref<128x128xf32, #tpu.memory_space<vmem>>, vector<16xf32>,
        %get3A_217 = arith.index_cast %add3A_188 : i32 to index
        %get3A_218 = arith.constant 64 : index
        %get3A_219 = tpu.vector_load %arg13[%get3A_217, %get3A_218] {strides = array<i32>} : memref<128x128xf32, #tpu.memory_space<vmem>>, vector<16xf32>,
        %mul3A_220 = arith.mulf %get3A_219, %gather3A_186 : vector<16xf32>
        %swap3A_221 = arith.index_cast %add3A_188 : i32 to index
        %swap3A_222 = arith.constant 64 : index
        %swap3A_223 = tpu.vector_load %arg13[%swap3A_221, %swap3A_222] {strides = array<i32>} : memref<128x128xf32, #tpu.memory_space<vmem>>, vector<16xf32>,
        tpu.vector_store %arg13[%swap3A_221, %swap3A_222], %mul3A_220 {strides = array<i32>} : memref<128x128xf32, #tpu.memory_space<vmem>>, vector<16xf32>,
        %get3A_224 = arith.index_cast %add3A_188 : i32 to index
        %get3A_225 = arith.constant 80 : index
        %get3A_226 = tpu.vector_load %arg13[%get3A_224, %get3A_225] {strides = array<i32>} : memref<128x128xf32, #tpu.memory_space<vmem>>, vector<16xf32>,
        %mul3A_227 = arith.mulf %get3A_226, %gather3A_186 : vector<16xf32>
        %swap3A_228 = arith.index_cast %add3A_188 : i32 to index
        %swap3A_229 = arith.constant 80 : index
        %swap3A_230 = tpu.vector_load %arg13[%swap3A_228, %swap3A_229] {strides = array<i32>} : memref<128x128xf32, #tpu.memory_space<vmem>>, vector<16xf32>,
        tpu.vector_store %arg13[%swap3A_228, %swap3A_229], %mul3A_227 {strides = array<i32>} : memref<128x128xf32, #tpu.memory_space<vmem>>, vector<16xf32>,
        %get3A_231 = arith.index_cast %add3A_188 : i32 to index
        %get3A_232 = arith.constant 96 : index
        %get3A_233 = tpu.vector_load %arg13[%get3A_231, %get3A_232] {strides = array<i32>} : memref<128x128xf32, #tpu.memory_space<vmem>>, vector<16xf32>,
        %mul3A_234 = arith.mulf %get3A_233, %gather3A_186 : vector<16xf32>
        %swap3A_235 = arith.index_cast %add3A_188 : i32 to index
        %swap3A_236 = arith.constant 96 : index
        %swap3A_237 = tpu.vector_load %arg13[%swap3A_235, %swap3A_236] {strides = array<i32>} : memref<128x128xf32, #tpu.memory_space<vmem>>, vector<16xf32>,
        tpu.vector_store %arg13[%swap3A_235, %swap3A_236], %mul3A_234 {strides = array<i32>} : memref<128x128xf32, #tpu.memory_space<vmem>>, vector<16xf32>,
        %get3A_238 = arith.index_cast %add3A_188 : i32 to index
        %get3A_239 = arith.constant 112 : index
        %get3A_240 = tpu.vector_load %arg13[%get3A_238, %get3A_239] {strides = array<i32>} : memref<128x128xf32, #tpu.memory_space<vmem>>, vector<16xf32>,
        %mul3A_241 = arith.mulf %get3A_240, %gather3A_186 : vector<16xf32>
        %swap3A_242 = arith.index_cast %add3A_188 : i32 to index
        %swap3A_243 = arith.constant 112 : index
        %swap3A_244 = tpu.vector_load %arg13[%swap3A_242, %swap3A_243] {strides = array<i32>} : memref<128x128xf32, #tpu.memory_space<vmem>>, vector<16xf32>,
        tpu.vector_store %arg13[%swap3A_242, %swap3A_243], %mul3A_241 {strides = array<i32>} : memref<128x128xf32, #tpu.memory_space<vmem>>, vector<16xf32>,
        %scan3A_245 = arith.constant 0 : i32
        scf.yield %scan3A_245 : i32
      }
      %scan3A_91 = arith.constant 16 : i32
      %get3A_92 = arith.constant 32 : index
      %get3A_93 = tpu.vector_load %arg10[%get3A_92] {strides = array<i32>} : memref<128xi32, #tpu.memory_space<vmem>>, vector<16xi32>,
      %gather3A_94 = tpu.vector_load_idx %arg8[%get3A_93] : memref<10240xf32, #tpu.memory_space<vmem>>[vector<16xi32>], vector<16xf32>,
      %get3A_95 = arith.constant 32 : index
      %get3A_96 = tpu.vector_load %arg12[%get3A_95] {strides = array<i32>} : memref<128xf32, #tpu.memory_space<vmem>>, vector<16xf32>,
      %div3A_97 = arith.divf %get3A_96, %gather3A_94 : vector<16xf32>
      %swap3A_98 = arith.constant 0 : index
      %swap3A_99 = tpu.vector_load %arg14[%swap3A_98] {strides = array<i32>} : memref<16xf32, #tpu.memory_space<vmem>>, vector<16xf32>,
      tpu.vector_store %arg14[%swap3A_98], %div3A_97 {strides = array<i32>} : memref<16xf32, #tpu.memory_space<vmem>>, vector<16xf32>,
      %scan3A_100 = arith.constant 0 : i32
      %scan3A_101 = arith.constant 0 : i32
      %scan3A_102 = arith.constant 16 : i32
      %scan3A_103 = arith.addi %scan3A_101, %scan3A_102 : i32
      %scan3A_104 = arith.constant 1 : i32
      %scan3A_105 = scf.for %scan3A_183 = %scan3A_101 to %scan3A_103 step %scan3A_104 iter_args(%scan3A_184 = %scan3A_100) -> (i32)  : i32 {
        %broadcast_in_dim3A_185 = vector.broadcast %scan3A_183 : i32 to vector<16xi32>
        %gather3A_186 = tpu.vector_load_idx %arg14[%broadcast_in_dim3A_185] : memref<16xf32, #tpu.memory_space<vmem>>[vector<16xi32>], vector<16xf32>,
        %add3A_187 = arith.constant 32 : i32
        %add3A_188 = arith.addi %add3A_187, %scan3A_183 : i32
        %get3A_189 = arith.index_cast %add3A_188 : i32 to index
        %get3A_190 = arith.constant 0 : index
        %get3A_191 = tpu.vector_load %arg13[%get3A_189, %get3A_190] {strides = array<i32>} : memref<128x128xf32, #tpu.memory_space<vmem>>, vector<16xf32>,
        %mul3A_192 = arith.mulf %get3A_191, %gather3A_186 : vector<16xf32>
        %swap3A_193 = arith.index_cast %add3A_188 : i32 to index
        %swap3A_194 = arith.constant 0 : index
        %swap3A_195 = tpu.vector_load %arg13[%swap3A_193, %swap3A_194] {strides = array<i32>} : memref<128x128xf32, #tpu.memory_space<vmem>>, vector<16xf32>,
        tpu.vector_store %arg13[%swap3A_193, %swap3A_194], %mul3A_192 {strides = array<i32>} : memref<128x128xf32, #tpu.memory_space<vmem>>, vector<16xf32>,
        %get3A_196 = arith.index_cast %add3A_188 : i32 to index
        %get3A_197 = arith.constant 16 : index
        %get3A_198 = tpu.vector_load %arg13[%get3A_196, %get3A_197] {strides = array<i32>} : memref<128x128xf32, #tpu.memory_space<vmem>>, vector<16xf32>,
        %mul3A_199 = arith.mulf %get3A_198, %gather3A_186 : vector<16xf32>
        %swap3A_200 = arith.index_cast %add3A_188 : i32 to index
        %swap3A_201 = arith.constant 16 : index
        %swap3A_202 = tpu.vector_load %arg13[%swap3A_200, %swap3A_201] {strides = array<i32>} : memref<128x128xf32, #tpu.memory_space<vmem>>, vector<16xf32>,
        tpu.vector_store %arg13[%swap3A_200, %swap3A_201], %mul3A_199 {strides = array<i32>} : memref<128x128xf32, #tpu.memory_space<vmem>>, vector<16xf32>,
        %get3A_203 = arith.index_cast %add3A_188 : i32 to index
        %get3A_204 = arith.constant 32 : index
        %get3A_205 = tpu.vector_load %arg13[%get3A_203, %get3A_204] {strides = array<i32>} : memref<128x128xf32, #tpu.memory_space<vmem>>, vector<16xf32>,
        %mul3A_206 = arith.mulf %get3A_205, %gather3A_186 : vector<16xf32>
        %swap3A_207 = arith.index_cast %add3A_188 : i32 to index
        %swap3A_208 = arith.constant 32 : index
        %swap3A_209 = tpu.vector_load %arg13[%swap3A_207, %swap3A_208] {strides = array<i32>} : memref<128x128xf32, #tpu.memory_space<vmem>>, vector<16xf32>,
        tpu.vector_store %arg13[%swap3A_207, %swap3A_208], %mul3A_206 {strides = array<i32>} : memref<128x128xf32, #tpu.memory_space<vmem>>, vector<16xf32>,
        %get3A_210 = arith.index_cast %add3A_188 : i32 to index
        %get3A_211 = arith.constant 48 : index
        %get3A_212 = tpu.vector_load %arg13[%get3A_210, %get3A_211] {strides = array<i32>} : memref<128x128xf32, #tpu.memory_space<vmem>>, vector<16xf32>,
        %mul3A_213 = arith.mulf %get3A_212, %gather3A_186 : vector<16xf32>
        %swap3A_214 = arith.index_cast %add3A_188 : i32 to index
        %swap3A_215 = arith.constant 48 : index
        %swap3A_216 = tpu.vector_load %arg13[%swap3A_214, %swap3A_215] {strides = array<i32>} : memref<128x128xf32, #tpu.memory_space<vmem>>, vector<16xf32>,
        tpu.vector_store %arg13[%swap3A_214, %swap3A_215], %mul3A_213 {strides = array<i32>} : memref<128x128xf32, #tpu.memory_space<vmem>>, vector<16xf32>,
        %get3A_217 = arith.index_cast %add3A_188 : i32 to index
        %get3A_218 = arith.constant 64 : index
        %get3A_219 = tpu.vector_load %arg13[%get3A_217, %get3A_218] {strides = array<i32>} : memref<128x128xf32, #tpu.memory_space<vmem>>, vector<16xf32>,
        %mul3A_220 = arith.mulf %get3A_219, %gather3A_186 : vector<16xf32>
        %swap3A_221 = arith.index_cast %add3A_188 : i32 to index
        %swap3A_222 = arith.constant 64 : index
        %swap3A_223 = tpu.vector_load %arg13[%swap3A_221, %swap3A_222] {strides = array<i32>} : memref<128x128xf32, #tpu.memory_space<vmem>>, vector<16xf32>,
        tpu.vector_store %arg13[%swap3A_221, %swap3A_222], %mul3A_220 {strides = array<i32>} : memref<128x128xf32, #tpu.memory_space<vmem>>, vector<16xf32>,
        %get3A_224 = arith.index_cast %add3A_188 : i32 to index
        %get3A_225 = arith.constant 80 : index
        %get3A_226 = tpu.vector_load %arg13[%get3A_224, %get3A_225] {strides = array<i32>} : memref<128x128xf32, #tpu.memory_space<vmem>>, vector<16xf32>,
        %mul3A_227 = arith.mulf %get3A_226, %gather3A_186 : vector<16xf32>
        %swap3A_228 = arith.index_cast %add3A_188 : i32 to index
        %swap3A_229 = arith.constant 80 : index
        %swap3A_230 = tpu.vector_load %arg13[%swap3A_228, %swap3A_229] {strides = array<i32>} : memref<128x128xf32, #tpu.memory_space<vmem>>, vector<16xf32>,
        tpu.vector_store %arg13[%swap3A_228, %swap3A_229], %mul3A_227 {strides = array<i32>} : memref<128x128xf32, #tpu.memory_space<vmem>>, vector<16xf32>,
        %get3A_231 = arith.index_cast %add3A_188 : i32 to index
        %get3A_232 = arith.constant 96 : index
        %get3A_233 = tpu.vector_load %arg13[%get3A_231, %get3A_232] {strides = array<i32>} : memref<128x128xf32, #tpu.memory_space<vmem>>, vector<16xf32>,
        %mul3A_234 = arith.mulf %get3A_233, %gather3A_186 : vector<16xf32>
        %swap3A_235 = arith.index_cast %add3A_188 : i32 to index
        %swap3A_236 = arith.constant 96 : index
        %swap3A_237 = tpu.vector_load %arg13[%swap3A_235, %swap3A_236] {strides = array<i32>} : memref<128x128xf32, #tpu.memory_space<vmem>>, vector<16xf32>,
        tpu.vector_store %arg13[%swap3A_235, %swap3A_236], %mul3A_234 {strides = array<i32>} : memref<128x128xf32, #tpu.memory_space<vmem>>, vector<16xf32>,
        %get3A_238 = arith.index_cast %add3A_188 : i32 to index
        %get3A_239 = arith.constant 112 : index
        %get3A_240 = tpu.vector_load %arg13[%get3A_238, %get3A_239] {strides = array<i32>} : memref<128x128xf32, #tpu.memory_space<vmem>>, vector<16xf32>,
        %mul3A_241 = arith.mulf %get3A_240, %gather3A_186 : vector<16xf32>
        %swap3A_242 = arith.index_cast %add3A_188 : i32 to index
        %swap3A_243 = arith.constant 112 : index
        %swap3A_244 = tpu.vector_load %arg13[%swap3A_242, %swap3A_243] {strides = array<i32>} : memref<128x128xf32, #tpu.memory_space<vmem>>, vector<16xf32>,
        tpu.vector_store %arg13[%swap3A_242, %swap3A_243], %mul3A_241 {strides = array<i32>} : memref<128x128xf32, #tpu.memory_space<vmem>>, vector<16xf32>,
        %scan3A_245 = arith.constant 0 : i32
        scf.yield %scan3A_245 : i32
      }
      %scan3A_106 = arith.constant 16 : i32
      %get3A_107 = arith.constant 48 : index
      %get3A_108 = tpu.vector_load %arg10[%get3A_107] {strides = array<i32>} : memref<128xi32, #tpu.memory_space<vmem>>, vector<16xi32>,
      %gather3A_109 = tpu.vector_load_idx %arg8[%get3A_108] : memref<10240xf32, #tpu.memory_space<vmem>>[vector<16xi32>], vector<16xf32>,
      %get3A_110 = arith.constant 48 : index
      %get3A_111 = tpu.vector_load %arg12[%get3A_110] {strides = array<i32>} : memref<128xf32, #tpu.memory_space<vmem>>, vector<16xf32>,
      %div3A_112 = arith.divf %get3A_111, %gather3A_109 : vector<16xf32>
      %swap3A_113 = arith.constant 0 : index
      %swap3A_114 = tpu.vector_load %arg14[%swap3A_113] {strides = array<i32>} : memref<16xf32, #tpu.memory_space<vmem>>, vector<16xf32>,
      tpu.vector_store %arg14[%swap3A_113], %div3A_112 {strides = array<i32>} : memref<16xf32, #tpu.memory_space<vmem>>, vector<16xf32>,
      %scan3A_115 = arith.constant 0 : i32
      %scan3A_116 = arith.constant 0 : i32
      %scan3A_117 = arith.constant 16 : i32
      %scan3A_118 = arith.addi %scan3A_116, %scan3A_117 : i32
      %scan3A_119 = arith.constant 1 : i32
      %scan3A_120 = scf.for %scan3A_183 = %scan3A_116 to %scan3A_118 step %scan3A_119 iter_args(%scan3A_184 = %scan3A_115) -> (i32)  : i32 {
        %broadcast_in_dim3A_185 = vector.broadcast %scan3A_183 : i32 to vector<16xi32>
        %gather3A_186 = tpu.vector_load_idx %arg14[%broadcast_in_dim3A_185] : memref<16xf32, #tpu.memory_space<vmem>>[vector<16xi32>], vector<16xf32>,
        %add3A_187 = arith.constant 48 : i32
        %add3A_188 = arith.addi %add3A_187, %scan3A_183 : i32
        %get3A_189 = arith.index_cast %add3A_188 : i32 to index
        %get3A_190 = arith.constant 0 : index
        %get3A_191 = tpu.vector_load %arg13[%get3A_189, %get3A_190] {strides = array<i32>} : memref<128x128xf32, #tpu.memory_space<vmem>>, vector<16xf32>,
        %mul3A_192 = arith.mulf %get3A_191, %gather3A_186 : vector<16xf32>
        %swap3A_193 = arith.index_cast %add3A_188 : i32 to index
        %swap3A_194 = arith.constant 0 : index
        %swap3A_195 = tpu.vector_load %arg13[%swap3A_193, %swap3A_194] {strides = array<i32>} : memref<128x128xf32, #tpu.memory_space<vmem>>, vector<16xf32>,
        tpu.vector_store %arg13[%swap3A_193, %swap3A_194], %mul3A_192 {strides = array<i32>} : memref<128x128xf32, #tpu.memory_space<vmem>>, vector<16xf32>,
        %get3A_196 = arith.index_cast %add3A_188 : i32 to index
        %get3A_197 = arith.constant 16 : index
        %get3A_198 = tpu.vector_load %arg13[%get3A_196, %get3A_197] {strides = array<i32>} : memref<128x128xf32, #tpu.memory_space<vmem>>, vector<16xf32>,
        %mul3A_199 = arith.mulf %get3A_198, %gather3A_186 : vector<16xf32>
        %swap3A_200 = arith.index_cast %add3A_188 : i32 to index
        %swap3A_201 = arith.constant 16 : index
        %swap3A_202 = tpu.vector_load %arg13[%swap3A_200, %swap3A_201] {strides = array<i32>} : memref<128x128xf32, #tpu.memory_space<vmem>>, vector<16xf32>,
        tpu.vector_store %arg13[%swap3A_200, %swap3A_201], %mul3A_199 {strides = array<i32>} : memref<128x128xf32, #tpu.memory_space<vmem>>, vector<16xf32>,
        %get3A_203 = arith.index_cast %add3A_188 : i32 to index
        %get3A_204 = arith.constant 32 : index
        %get3A_205 = tpu.vector_load %arg13[%get3A_203, %get3A_204] {strides = array<i32>} : memref<128x128xf32, #tpu.memory_space<vmem>>, vector<16xf32>,
        %mul3A_206 = arith.mulf %get3A_205, %gather3A_186 : vector<16xf32>
        %swap3A_207 = arith.index_cast %add3A_188 : i32 to index
        %swap3A_208 = arith.constant 32 : index
        %swap3A_209 = tpu.vector_load %arg13[%swap3A_207, %swap3A_208] {strides = array<i32>} : memref<128x128xf32, #tpu.memory_space<vmem>>, vector<16xf32>,
        tpu.vector_store %arg13[%swap3A_207, %swap3A_208], %mul3A_206 {strides = array<i32>} : memref<128x128xf32, #tpu.memory_space<vmem>>, vector<16xf32>,
        %get3A_210 = arith.index_cast %add3A_188 : i32 to index
        %get3A_211 = arith.constant 48 : index
        %get3A_212 = tpu.vector_load %arg13[%get3A_210, %get3A_211] {strides = array<i32>} : memref<128x128xf32, #tpu.memory_space<vmem>>, vector<16xf32>,
        %mul3A_213 = arith.mulf %get3A_212, %gather3A_186 : vector<16xf32>
        %swap3A_214 = arith.index_cast %add3A_188 : i32 to index
        %swap3A_215 = arith.constant 48 : index
        %swap3A_216 = tpu.vector_load %arg13[%swap3A_214, %swap3A_215] {strides = array<i32>} : memref<128x128xf32, #tpu.memory_space<vmem>>, vector<16xf32>,
        tpu.vector_store %arg13[%swap3A_214, %swap3A_215], %mul3A_213 {strides = array<i32>} : memref<128x128xf32, #tpu.memory_space<vmem>>, vector<16xf32>,
        %get3A_217 = arith.index_cast %add3A_188 : i32 to index
        %get3A_218 = arith.constant 64 : index
        %get3A_219 = tpu.vector_load %arg13[%get3A_217, %get3A_218] {strides = array<i32>} : memref<128x128xf32, #tpu.memory_space<vmem>>, vector<16xf32>,
        %mul3A_220 = arith.mulf %get3A_219, %gather3A_186 : vector<16xf32>
        %swap3A_221 = arith.index_cast %add3A_188 : i32 to index
        %swap3A_222 = arith.constant 64 : index
        %swap3A_223 = tpu.vector_load %arg13[%swap3A_221, %swap3A_222] {strides = array<i32>} : memref<128x128xf32, #tpu.memory_space<vmem>>, vector<16xf32>,
        tpu.vector_store %arg13[%swap3A_221, %swap3A_222], %mul3A_220 {strides = array<i32>} : memref<128x128xf32, #tpu.memory_space<vmem>>, vector<16xf32>,
        %get3A_224 = arith.index_cast %add3A_188 : i32 to index
        %get3A_225 = arith.constant 80 : index
        %get3A_226 = tpu.vector_load %arg13[%get3A_224, %get3A_225] {strides = array<i32>} : memref<128x128xf32, #tpu.memory_space<vmem>>, vector<16xf32>,
        %mul3A_227 = arith.mulf %get3A_226, %gather3A_186 : vector<16xf32>
        %swap3A_228 = arith.index_cast %add3A_188 : i32 to index
        %swap3A_229 = arith.constant 80 : index
        %swap3A_230 = tpu.vector_load %arg13[%swap3A_228, %swap3A_229] {strides = array<i32>} : memref<128x128xf32, #tpu.memory_space<vmem>>, vector<16xf32>,
        tpu.vector_store %arg13[%swap3A_228, %swap3A_229], %mul3A_227 {strides = array<i32>} : memref<128x128xf32, #tpu.memory_space<vmem>>, vector<16xf32>,
        %get3A_231 = arith.index_cast %add3A_188 : i32 to index
        %get3A_232 = arith.constant 96 : index
        %get3A_233 = tpu.vector_load %arg13[%get3A_231, %get3A_232] {strides = array<i32>} : memref<128x128xf32, #tpu.memory_space<vmem>>, vector<16xf32>,
        %mul3A_234 = arith.mulf %get3A_233, %gather3A_186 : vector<16xf32>
        %swap3A_235 = arith.index_cast %add3A_188 : i32 to index
        %swap3A_236 = arith.constant 96 : index
        %swap3A_237 = tpu.vector_load %arg13[%swap3A_235, %swap3A_236] {strides = array<i32>} : memref<128x128xf32, #tpu.memory_space<vmem>>, vector<16xf32>,
        tpu.vector_store %arg13[%swap3A_235, %swap3A_236], %mul3A_234 {strides = array<i32>} : memref<128x128xf32, #tpu.memory_space<vmem>>, vector<16xf32>,
        %get3A_238 = arith.index_cast %add3A_188 : i32 to index
        %get3A_239 = arith.constant 112 : index
        %get3A_240 = tpu.vector_load %arg13[%get3A_238, %get3A_239] {strides = array<i32>} : memref<128x128xf32, #tpu.memory_space<vmem>>, vector<16xf32>,
        %mul3A_241 = arith.mulf %get3A_240, %gather3A_186 : vector<16xf32>
        %swap3A_242 = arith.index_cast %add3A_188 : i32 to index
        %swap3A_243 = arith.constant 112 : index
        %swap3A_244 = tpu.vector_load %arg13[%swap3A_242, %swap3A_243] {strides = array<i32>} : memref<128x128xf32, #tpu.memory_space<vmem>>, vector<16xf32>,
        tpu.vector_store %arg13[%swap3A_242, %swap3A_243], %mul3A_241 {strides = array<i32>} : memref<128x128xf32, #tpu.memory_space<vmem>>, vector<16xf32>,
        %scan3A_245 = arith.constant 0 : i32
        scf.yield %scan3A_245 : i32
      }
      %scan3A_121 = arith.constant 16 : i32
      %get3A_122 = arith.constant 64 : index
      %get3A_123 = tpu.vector_load %arg10[%get3A_122] {strides = array<i32>} : memref<128xi32, #tpu.memory_space<vmem>>, vector<16xi32>,
      %gather3A_124 = tpu.vector_load_idx %arg8[%get3A_123] : memref<10240xf32, #tpu.memory_space<vmem>>[vector<16xi32>], vector<16xf32>,
      %get3A_125 = arith.constant 64 : index
      %get3A_126 = tpu.vector_load %arg12[%get3A_125] {strides = array<i32>} : memref<128xf32, #tpu.memory_space<vmem>>, vector<16xf32>,
      %div3A_127 = arith.divf %get3A_126, %gather3A_124 : vector<16xf32>
      %swap3A_128 = arith.constant 0 : index
      %swap3A_129 = tpu.vector_load %arg14[%swap3A_128] {strides = array<i32>} : memref<16xf32, #tpu.memory_space<vmem>>, vector<16xf32>,
      tpu.vector_store %arg14[%swap3A_128], %div3A_127 {strides = array<i32>} : memref<16xf32, #tpu.memory_space<vmem>>, vector<16xf32>,
      %scan3A_130 = arith.constant 0 : i32
      %scan3A_131 = arith.constant 0 : i32
      %scan3A_132 = arith.constant 16 : i32
      %scan3A_133 = arith.addi %scan3A_131, %scan3A_132 : i32
      %scan3A_134 = arith.constant 1 : i32
      %scan3A_135 = scf.for %scan3A_183 = %scan3A_131 to %scan3A_133 step %scan3A_134 iter_args(%scan3A_184 = %scan3A_130) -> (i32)  : i32 {
        %broadcast_in_dim3A_185 = vector.broadcast %scan3A_183 : i32 to vector<16xi32>
        %gather3A_186 = tpu.vector_load_idx %arg14[%broadcast_in_dim3A_185] : memref<16xf32, #tpu.memory_space<vmem>>[vector<16xi32>], vector<16xf32>,
        %add3A_187 = arith.constant 64 : i32
        %add3A_188 = arith.addi %add3A_187, %scan3A_183 : i32
        %get3A_189 = arith.index_cast %add3A_188 : i32 to index
        %get3A_190 = arith.constant 0 : index
        %get3A_191 = tpu.vector_load %arg13[%get3A_189, %get3A_190] {strides = array<i32>} : memref<128x128xf32, #tpu.memory_space<vmem>>, vector<16xf32>,
        %mul3A_192 = arith.mulf %get3A_191, %gather3A_186 : vector<16xf32>
        %swap3A_193 = arith.index_cast %add3A_188 : i32 to index
        %swap3A_194 = arith.constant 0 : index
        %swap3A_195 = tpu.vector_load %arg13[%swap3A_193, %swap3A_194] {strides = array<i32>} : memref<128x128xf32, #tpu.memory_space<vmem>>, vector<16xf32>,
        tpu.vector_store %arg13[%swap3A_193, %swap3A_194], %mul3A_192 {strides = array<i32>} : memref<128x128xf32, #tpu.memory_space<vmem>>, vector<16xf32>,
        %get3A_196 = arith.index_cast %add3A_188 : i32 to index
        %get3A_197 = arith.constant 16 : index
        %get3A_198 = tpu.vector_load %arg13[%get3A_196, %get3A_197] {strides = array<i32>} : memref<128x128xf32, #tpu.memory_space<vmem>>, vector<16xf32>,
        %mul3A_199 = arith.mulf %get3A_198, %gather3A_186 : vector<16xf32>
        %swap3A_200 = arith.index_cast %add3A_188 : i32 to index
        %swap3A_201 = arith.constant 16 : index
        %swap3A_202 = tpu.vector_load %arg13[%swap3A_200, %swap3A_201] {strides = array<i32>} : memref<128x128xf32, #tpu.memory_space<vmem>>, vector<16xf32>,
        tpu.vector_store %arg13[%swap3A_200, %swap3A_201], %mul3A_199 {strides = array<i32>} : memref<128x128xf32, #tpu.memory_space<vmem>>, vector<16xf32>,
        %get3A_203 = arith.index_cast %add3A_188 : i32 to index
        %get3A_204 = arith.constant 32 : index
        %get3A_205 = tpu.vector_load %arg13[%get3A_203, %get3A_204] {strides = array<i32>} : memref<128x128xf32, #tpu.memory_space<vmem>>, vector<16xf32>,
        %mul3A_206 = arith.mulf %get3A_205, %gather3A_186 : vector<16xf32>
        %swap3A_207 = arith.index_cast %add3A_188 : i32 to index
        %swap3A_208 = arith.constant 32 : index
        %swap3A_209 = tpu.vector_load %arg13[%swap3A_207, %swap3A_208] {strides = array<i32>} : memref<128x128xf32, #tpu.memory_space<vmem>>, vector<16xf32>,
        tpu.vector_store %arg13[%swap3A_207, %swap3A_208], %mul3A_206 {strides = array<i32>} : memref<128x128xf32, #tpu.memory_space<vmem>>, vector<16xf32>,
        %get3A_210 = arith.index_cast %add3A_188 : i32 to index
        %get3A_211 = arith.constant 48 : index
        %get3A_212 = tpu.vector_load %arg13[%get3A_210, %get3A_211] {strides = array<i32>} : memref<128x128xf32, #tpu.memory_space<vmem>>, vector<16xf32>,
        %mul3A_213 = arith.mulf %get3A_212, %gather3A_186 : vector<16xf32>
        %swap3A_214 = arith.index_cast %add3A_188 : i32 to index
        %swap3A_215 = arith.constant 48 : index
        %swap3A_216 = tpu.vector_load %arg13[%swap3A_214, %swap3A_215] {strides = array<i32>} : memref<128x128xf32, #tpu.memory_space<vmem>>, vector<16xf32>,
        tpu.vector_store %arg13[%swap3A_214, %swap3A_215], %mul3A_213 {strides = array<i32>} : memref<128x128xf32, #tpu.memory_space<vmem>>, vector<16xf32>,
        %get3A_217 = arith.index_cast %add3A_188 : i32 to index
        %get3A_218 = arith.constant 64 : index
        %get3A_219 = tpu.vector_load %arg13[%get3A_217, %get3A_218] {strides = array<i32>} : memref<128x128xf32, #tpu.memory_space<vmem>>, vector<16xf32>,
        %mul3A_220 = arith.mulf %get3A_219, %gather3A_186 : vector<16xf32>
        %swap3A_221 = arith.index_cast %add3A_188 : i32 to index
        %swap3A_222 = arith.constant 64 : index
        %swap3A_223 = tpu.vector_load %arg13[%swap3A_221, %swap3A_222] {strides = array<i32>} : memref<128x128xf32, #tpu.memory_space<vmem>>, vector<16xf32>,
        tpu.vector_store %arg13[%swap3A_221, %swap3A_222], %mul3A_220 {strides = array<i32>} : memref<128x128xf32, #tpu.memory_space<vmem>>, vector<16xf32>,
        %get3A_224 = arith.index_cast %add3A_188 : i32 to index
        %get3A_225 = arith.constant 80 : index
        %get3A_226 = tpu.vector_load %arg13[%get3A_224, %get3A_225] {strides = array<i32>} : memref<128x128xf32, #tpu.memory_space<vmem>>, vector<16xf32>,
        %mul3A_227 = arith.mulf %get3A_226, %gather3A_186 : vector<16xf32>
        %swap3A_228 = arith.index_cast %add3A_188 : i32 to index
        %swap3A_229 = arith.constant 80 : index
        %swap3A_230 = tpu.vector_load %arg13[%swap3A_228, %swap3A_229] {strides = array<i32>} : memref<128x128xf32, #tpu.memory_space<vmem>>, vector<16xf32>,
        tpu.vector_store %arg13[%swap3A_228, %swap3A_229], %mul3A_227 {strides = array<i32>} : memref<128x128xf32, #tpu.memory_space<vmem>>, vector<16xf32>,
        %get3A_231 = arith.index_cast %add3A_188 : i32 to index
        %get3A_232 = arith.constant 96 : index
        %get3A_233 = tpu.vector_load %arg13[%get3A_231, %get3A_232] {strides = array<i32>} : memref<128x128xf32, #tpu.memory_space<vmem>>, vector<16xf32>,
        %mul3A_234 = arith.mulf %get3A_233, %gather3A_186 : vector<16xf32>
        %swap3A_235 = arith.index_cast %add3A_188 : i32 to index
        %swap3A_236 = arith.constant 96 : index
        %swap3A_237 = tpu.vector_load %arg13[%swap3A_235, %swap3A_236] {strides = array<i32>} : memref<128x128xf32, #tpu.memory_space<vmem>>, vector<16xf32>,
        tpu.vector_store %arg13[%swap3A_235, %swap3A_236], %mul3A_234 {strides = array<i32>} : memref<128x128xf32, #tpu.memory_space<vmem>>, vector<16xf32>,
        %get3A_238 = arith.index_cast %add3A_188 : i32 to index
        %get3A_239 = arith.constant 112 : index
        %get3A_240 = tpu.vector_load %arg13[%get3A_238, %get3A_239] {strides = array<i32>} : memref<128x128xf32, #tpu.memory_space<vmem>>, vector<16xf32>,
        %mul3A_241 = arith.mulf %get3A_240, %gather3A_186 : vector<16xf32>
        %swap3A_242 = arith.index_cast %add3A_188 : i32 to index
        %swap3A_243 = arith.constant 112 : index
        %swap3A_244 = tpu.vector_load %arg13[%swap3A_242, %swap3A_243] {strides = array<i32>} : memref<128x128xf32, #tpu.memory_space<vmem>>, vector<16xf32>,
        tpu.vector_store %arg13[%swap3A_242, %swap3A_243], %mul3A_241 {strides = array<i32>} : memref<128x128xf32, #tpu.memory_space<vmem>>, vector<16xf32>,
        %scan3A_245 = arith.constant 0 : i32
        scf.yield %scan3A_245 : i32
      }
      %scan3A_136 = arith.constant 16 : i32
      %get3A_137 = arith.constant 80 : index
      %get3A_138 = tpu.vector_load %arg10[%get3A_137] {strides = array<i32>} : memref<128xi32, #tpu.memory_space<vmem>>, vector<16xi32>,
      %gather3A_139 = tpu.vector_load_idx %arg8[%get3A_138] : memref<10240xf32, #tpu.memory_space<vmem>>[vector<16xi32>], vector<16xf32>,
      %get3A_140 = arith.constant 80 : index
      %get3A_141 = tpu.vector_load %arg12[%get3A_140] {strides = array<i32>} : memref<128xf32, #tpu.memory_space<vmem>>, vector<16xf32>,
      %div3A_142 = arith.divf %get3A_141, %gather3A_139 : vector<16xf32>
      %swap3A_143 = arith.constant 0 : index
      %swap3A_144 = tpu.vector_load %arg14[%swap3A_143] {strides = array<i32>} : memref<16xf32, #tpu.memory_space<vmem>>, vector<16xf32>,
      tpu.vector_store %arg14[%swap3A_143], %div3A_142 {strides = array<i32>} : memref<16xf32, #tpu.memory_space<vmem>>, vector<16xf32>,
      %scan3A_145 = arith.constant 0 : i32
      %scan3A_146 = arith.constant 0 : i32
      %scan3A_147 = arith.constant 16 : i32
      %scan3A_148 = arith.addi %scan3A_146, %scan3A_147 : i32
      %scan3A_149 = arith.constant 1 : i32
      %scan3A_150 = scf.for %scan3A_183 = %scan3A_146 to %scan3A_148 step %scan3A_149 iter_args(%scan3A_184 = %scan3A_145) -> (i32)  : i32 {
        %broadcast_in_dim3A_185 = vector.broadcast %scan3A_183 : i32 to vector<16xi32>
        %gather3A_186 = tpu.vector_load_idx %arg14[%broadcast_in_dim3A_185] : memref<16xf32, #tpu.memory_space<vmem>>[vector<16xi32>], vector<16xf32>,
        %add3A_187 = arith.constant 80 : i32
        %add3A_188 = arith.addi %add3A_187, %scan3A_183 : i32
        %get3A_189 = arith.index_cast %add3A_188 : i32 to index
        %get3A_190 = arith.constant 0 : index
        %get3A_191 = tpu.vector_load %arg13[%get3A_189, %get3A_190] {strides = array<i32>} : memref<128x128xf32, #tpu.memory_space<vmem>>, vector<16xf32>,
        %mul3A_192 = arith.mulf %get3A_191, %gather3A_186 : vector<16xf32>
        %swap3A_193 = arith.index_cast %add3A_188 : i32 to index
        %swap3A_194 = arith.constant 0 : index
        %swap3A_195 = tpu.vector_load %arg13[%swap3A_193, %swap3A_194] {strides = array<i32>} : memref<128x128xf32, #tpu.memory_space<vmem>>, vector<16xf32>,
        tpu.vector_store %arg13[%swap3A_193, %swap3A_194], %mul3A_192 {strides = array<i32>} : memref<128x128xf32, #tpu.memory_space<vmem>>, vector<16xf32>,
        %get3A_196 = arith.index_cast %add3A_188 : i32 to index
        %get3A_197 = arith.constant 16 : index
        %get3A_198 = tpu.vector_load %arg13[%get3A_196, %get3A_197] {strides = array<i32>} : memref<128x128xf32, #tpu.memory_space<vmem>>, vector<16xf32>,
        %mul3A_199 = arith.mulf %get3A_198, %gather3A_186 : vector<16xf32>
        %swap3A_200 = arith.index_cast %add3A_188 : i32 to index
        %swap3A_201 = arith.constant 16 : index
        %swap3A_202 = tpu.vector_load %arg13[%swap3A_200, %swap3A_201] {strides = array<i32>} : memref<128x128xf32, #tpu.memory_space<vmem>>, vector<16xf32>,
        tpu.vector_store %arg13[%swap3A_200, %swap3A_201], %mul3A_199 {strides = array<i32>} : memref<128x128xf32, #tpu.memory_space<vmem>>, vector<16xf32>,
        %get3A_203 = arith.index_cast %add3A_188 : i32 to index
        %get3A_204 = arith.constant 32 : index
        %get3A_205 = tpu.vector_load %arg13[%get3A_203, %get3A_204] {strides = array<i32>} : memref<128x128xf32, #tpu.memory_space<vmem>>, vector<16xf32>,
        %mul3A_206 = arith.mulf %get3A_205, %gather3A_186 : vector<16xf32>
        %swap3A_207 = arith.index_cast %add3A_188 : i32 to index
        %swap3A_208 = arith.constant 32 : index
        %swap3A_209 = tpu.vector_load %arg13[%swap3A_207, %swap3A_208] {strides = array<i32>} : memref<128x128xf32, #tpu.memory_space<vmem>>, vector<16xf32>,
        tpu.vector_store %arg13[%swap3A_207, %swap3A_208], %mul3A_206 {strides = array<i32>} : memref<128x128xf32, #tpu.memory_space<vmem>>, vector<16xf32>,
        %get3A_210 = arith.index_cast %add3A_188 : i32 to index
        %get3A_211 = arith.constant 48 : index
        %get3A_212 = tpu.vector_load %arg13[%get3A_210, %get3A_211] {strides = array<i32>} : memref<128x128xf32, #tpu.memory_space<vmem>>, vector<16xf32>,
        %mul3A_213 = arith.mulf %get3A_212, %gather3A_186 : vector<16xf32>
        %swap3A_214 = arith.index_cast %add3A_188 : i32 to index
        %swap3A_215 = arith.constant 48 : index
        %swap3A_216 = tpu.vector_load %arg13[%swap3A_214, %swap3A_215] {strides = array<i32>} : memref<128x128xf32, #tpu.memory_space<vmem>>, vector<16xf32>,
        tpu.vector_store %arg13[%swap3A_214, %swap3A_215], %mul3A_213 {strides = array<i32>} : memref<128x128xf32, #tpu.memory_space<vmem>>, vector<16xf32>,
        %get3A_217 = arith.index_cast %add3A_188 : i32 to index
        %get3A_218 = arith.constant 64 : index
        %get3A_219 = tpu.vector_load %arg13[%get3A_217, %get3A_218] {strides = array<i32>} : memref<128x128xf32, #tpu.memory_space<vmem>>, vector<16xf32>,
        %mul3A_220 = arith.mulf %get3A_219, %gather3A_186 : vector<16xf32>
        %swap3A_221 = arith.index_cast %add3A_188 : i32 to index
        %swap3A_222 = arith.constant 64 : index
        %swap3A_223 = tpu.vector_load %arg13[%swap3A_221, %swap3A_222] {strides = array<i32>} : memref<128x128xf32, #tpu.memory_space<vmem>>, vector<16xf32>,
        tpu.vector_store %arg13[%swap3A_221, %swap3A_222], %mul3A_220 {strides = array<i32>} : memref<128x128xf32, #tpu.memory_space<vmem>>, vector<16xf32>,
        %get3A_224 = arith.index_cast %add3A_188 : i32 to index
        %get3A_225 = arith.constant 80 : index
        %get3A_226 = tpu.vector_load %arg13[%get3A_224, %get3A_225] {strides = array<i32>} : memref<128x128xf32, #tpu.memory_space<vmem>>, vector<16xf32>,
        %mul3A_227 = arith.mulf %get3A_226, %gather3A_186 : vector<16xf32>
        %swap3A_228 = arith.index_cast %add3A_188 : i32 to index
        %swap3A_229 = arith.constant 80 : index
        %swap3A_230 = tpu.vector_load %arg13[%swap3A_228, %swap3A_229] {strides = array<i32>} : memref<128x128xf32, #tpu.memory_space<vmem>>, vector<16xf32>,
        tpu.vector_store %arg13[%swap3A_228, %swap3A_229], %mul3A_227 {strides = array<i32>} : memref<128x128xf32, #tpu.memory_space<vmem>>, vector<16xf32>,
        %get3A_231 = arith.index_cast %add3A_188 : i32 to index
        %get3A_232 = arith.constant 96 : index
        %get3A_233 = tpu.vector_load %arg13[%get3A_231, %get3A_232] {strides = array<i32>} : memref<128x128xf32, #tpu.memory_space<vmem>>, vector<16xf32>,
        %mul3A_234 = arith.mulf %get3A_233, %gather3A_186 : vector<16xf32>
        %swap3A_235 = arith.index_cast %add3A_188 : i32 to index
        %swap3A_236 = arith.constant 96 : index
        %swap3A_237 = tpu.vector_load %arg13[%swap3A_235, %swap3A_236] {strides = array<i32>} : memref<128x128xf32, #tpu.memory_space<vmem>>, vector<16xf32>,
        tpu.vector_store %arg13[%swap3A_235, %swap3A_236], %mul3A_234 {strides = array<i32>} : memref<128x128xf32, #tpu.memory_space<vmem>>, vector<16xf32>,
        %get3A_238 = arith.index_cast %add3A_188 : i32 to index
        %get3A_239 = arith.constant 112 : index
        %get3A_240 = tpu.vector_load %arg13[%get3A_238, %get3A_239] {strides = array<i32>} : memref<128x128xf32, #tpu.memory_space<vmem>>, vector<16xf32>,
        %mul3A_241 = arith.mulf %get3A_240, %gather3A_186 : vector<16xf32>
        %swap3A_242 = arith.index_cast %add3A_188 : i32 to index
        %swap3A_243 = arith.constant 112 : index
        %swap3A_244 = tpu.vector_load %arg13[%swap3A_242, %swap3A_243] {strides = array<i32>} : memref<128x128xf32, #tpu.memory_space<vmem>>, vector<16xf32>,
        tpu.vector_store %arg13[%swap3A_242, %swap3A_243], %mul3A_241 {strides = array<i32>} : memref<128x128xf32, #tpu.memory_space<vmem>>, vector<16xf32>,
        %scan3A_245 = arith.constant 0 : i32
        scf.yield %scan3A_245 : i32
      }
      %scan3A_151 = arith.constant 16 : i32
      %get3A_152 = arith.constant 96 : index
      %get3A_153 = tpu.vector_load %arg10[%get3A_152] {strides = array<i32>} : memref<128xi32, #tpu.memory_space<vmem>>, vector<16xi32>,
      %gather3A_154 = tpu.vector_load_idx %arg8[%get3A_153] : memref<10240xf32, #tpu.memory_space<vmem>>[vector<16xi32>], vector<16xf32>,
      %get3A_155 = arith.constant 96 : index
      %get3A_156 = tpu.vector_load %arg12[%get3A_155] {strides = array<i32>} : memref<128xf32, #tpu.memory_space<vmem>>, vector<16xf32>,
      %div3A_157 = arith.divf %get3A_156, %gather3A_154 : vector<16xf32>
      %swap3A_158 = arith.constant 0 : index
      %swap3A_159 = tpu.vector_load %arg14[%swap3A_158] {strides = array<i32>} : memref<16xf32, #tpu.memory_space<vmem>>, vector<16xf32>,
      tpu.vector_store %arg14[%swap3A_158], %div3A_157 {strides = array<i32>} : memref<16xf32, #tpu.memory_space<vmem>>, vector<16xf32>,
      %scan3A_160 = arith.constant 0 : i32
      %scan3A_161 = arith.constant 0 : i32
      %scan3A_162 = arith.constant 16 : i32
      %scan3A_163 = arith.addi %scan3A_161, %scan3A_162 : i32
      %scan3A_164 = arith.constant 1 : i32
      %scan3A_165 = scf.for %scan3A_183 = %scan3A_161 to %scan3A_163 step %scan3A_164 iter_args(%scan3A_184 = %scan3A_160) -> (i32)  : i32 {
        %broadcast_in_dim3A_185 = vector.broadcast %scan3A_183 : i32 to vector<16xi32>
        %gather3A_186 = tpu.vector_load_idx %arg14[%broadcast_in_dim3A_185] : memref<16xf32, #tpu.memory_space<vmem>>[vector<16xi32>], vector<16xf32>,
        %add3A_187 = arith.constant 96 : i32
        %add3A_188 = arith.addi %add3A_187, %scan3A_183 : i32
        %get3A_189 = arith.index_cast %add3A_188 : i32 to index
        %get3A_190 = arith.constant 0 : index
        %get3A_191 = tpu.vector_load %arg13[%get3A_189, %get3A_190] {strides = array<i32>} : memref<128x128xf32, #tpu.memory_space<vmem>>, vector<16xf32>,
        %mul3A_192 = arith.mulf %get3A_191, %gather3A_186 : vector<16xf32>
        %swap3A_193 = arith.index_cast %add3A_188 : i32 to index
        %swap3A_194 = arith.constant 0 : index
        %swap3A_195 = tpu.vector_load %arg13[%swap3A_193, %swap3A_194] {strides = array<i32>} : memref<128x128xf32, #tpu.memory_space<vmem>>, vector<16xf32>,
        tpu.vector_store %arg13[%swap3A_193, %swap3A_194], %mul3A_192 {strides = array<i32>} : memref<128x128xf32, #tpu.memory_space<vmem>>, vector<16xf32>,
        %get3A_196 = arith.index_cast %add3A_188 : i32 to index
        %get3A_197 = arith.constant 16 : index
        %get3A_198 = tpu.vector_load %arg13[%get3A_196, %get3A_197] {strides = array<i32>} : memref<128x128xf32, #tpu.memory_space<vmem>>, vector<16xf32>,
        %mul3A_199 = arith.mulf %get3A_198, %gather3A_186 : vector<16xf32>
        %swap3A_200 = arith.index_cast %add3A_188 : i32 to index
        %swap3A_201 = arith.constant 16 : index
        %swap3A_202 = tpu.vector_load %arg13[%swap3A_200, %swap3A_201] {strides = array<i32>} : memref<128x128xf32, #tpu.memory_space<vmem>>, vector<16xf32>,
        tpu.vector_store %arg13[%swap3A_200, %swap3A_201], %mul3A_199 {strides = array<i32>} : memref<128x128xf32, #tpu.memory_space<vmem>>, vector<16xf32>,
        %get3A_203 = arith.index_cast %add3A_188 : i32 to index
        %get3A_204 = arith.constant 32 : index
        %get3A_205 = tpu.vector_load %arg13[%get3A_203, %get3A_204] {strides = array<i32>} : memref<128x128xf32, #tpu.memory_space<vmem>>, vector<16xf32>,
        %mul3A_206 = arith.mulf %get3A_205, %gather3A_186 : vector<16xf32>
        %swap3A_207 = arith.index_cast %add3A_188 : i32 to index
        %swap3A_208 = arith.constant 32 : index
        %swap3A_209 = tpu.vector_load %arg13[%swap3A_207, %swap3A_208] {strides = array<i32>} : memref<128x128xf32, #tpu.memory_space<vmem>>, vector<16xf32>,
        tpu.vector_store %arg13[%swap3A_207, %swap3A_208], %mul3A_206 {strides = array<i32>} : memref<128x128xf32, #tpu.memory_space<vmem>>, vector<16xf32>,
        %get3A_210 = arith.index_cast %add3A_188 : i32 to index
        %get3A_211 = arith.constant 48 : index
        %get3A_212 = tpu.vector_load %arg13[%get3A_210, %get3A_211] {strides = array<i32>} : memref<128x128xf32, #tpu.memory_space<vmem>>, vector<16xf32>,
        %mul3A_213 = arith.mulf %get3A_212, %gather3A_186 : vector<16xf32>
        %swap3A_214 = arith.index_cast %add3A_188 : i32 to index
        %swap3A_215 = arith.constant 48 : index
        %swap3A_216 = tpu.vector_load %arg13[%swap3A_214, %swap3A_215] {strides = array<i32>} : memref<128x128xf32, #tpu.memory_space<vmem>>, vector<16xf32>,
        tpu.vector_store %arg13[%swap3A_214, %swap3A_215], %mul3A_213 {strides = array<i32>} : memref<128x128xf32, #tpu.memory_space<vmem>>, vector<16xf32>,
        %get3A_217 = arith.index_cast %add3A_188 : i32 to index
        %get3A_218 = arith.constant 64 : index
        %get3A_219 = tpu.vector_load %arg13[%get3A_217, %get3A_218] {strides = array<i32>} : memref<128x128xf32, #tpu.memory_space<vmem>>, vector<16xf32>,
        %mul3A_220 = arith.mulf %get3A_219, %gather3A_186 : vector<16xf32>
        %swap3A_221 = arith.index_cast %add3A_188 : i32 to index
        %swap3A_222 = arith.constant 64 : index
        %swap3A_223 = tpu.vector_load %arg13[%swap3A_221, %swap3A_222] {strides = array<i32>} : memref<128x128xf32, #tpu.memory_space<vmem>>, vector<16xf32>,
        tpu.vector_store %arg13[%swap3A_221, %swap3A_222], %mul3A_220 {strides = array<i32>} : memref<128x128xf32, #tpu.memory_space<vmem>>, vector<16xf32>,
        %get3A_224 = arith.index_cast %add3A_188 : i32 to index
        %get3A_225 = arith.constant 80 : index
        %get3A_226 = tpu.vector_load %arg13[%get3A_224, %get3A_225] {strides = array<i32>} : memref<128x128xf32, #tpu.memory_space<vmem>>, vector<16xf32>,
        %mul3A_227 = arith.mulf %get3A_226, %gather3A_186 : vector<16xf32>
        %swap3A_228 = arith.index_cast %add3A_188 : i32 to index
        %swap3A_229 = arith.constant 80 : index
        %swap3A_230 = tpu.vector_load %arg13[%swap3A_228, %swap3A_229] {strides = array<i32>} : memref<128x128xf32, #tpu.memory_space<vmem>>, vector<16xf32>,
        tpu.vector_store %arg13[%swap3A_228, %swap3A_229], %mul3A_227 {strides = array<i32>} : memref<128x128xf32, #tpu.memory_space<vmem>>, vector<16xf32>,
        %get3A_231 = arith.index_cast %add3A_188 : i32 to index
        %get3A_232 = arith.constant 96 : index
        %get3A_233 = tpu.vector_load %arg13[%get3A_231, %get3A_232] {strides = array<i32>} : memref<128x128xf32, #tpu.memory_space<vmem>>, vector<16xf32>,
        %mul3A_234 = arith.mulf %get3A_233, %gather3A_186 : vector<16xf32>
        %swap3A_235 = arith.index_cast %add3A_188 : i32 to index
        %swap3A_236 = arith.constant 96 : index
        %swap3A_237 = tpu.vector_load %arg13[%swap3A_235, %swap3A_236] {strides = array<i32>} : memref<128x128xf32, #tpu.memory_space<vmem>>, vector<16xf32>,
        tpu.vector_store %arg13[%swap3A_235, %swap3A_236], %mul3A_234 {strides = array<i32>} : memref<128x128xf32, #tpu.memory_space<vmem>>, vector<16xf32>,
        %get3A_238 = arith.index_cast %add3A_188 : i32 to index
        %get3A_239 = arith.constant 112 : index
        %get3A_240 = tpu.vector_load %arg13[%get3A_238, %get3A_239] {strides = array<i32>} : memref<128x128xf32, #tpu.memory_space<vmem>>, vector<16xf32>,
        %mul3A_241 = arith.mulf %get3A_240, %gather3A_186 : vector<16xf32>
        %swap3A_242 = arith.index_cast %add3A_188 : i32 to index
        %swap3A_243 = arith.constant 112 : index
        %swap3A_244 = tpu.vector_load %arg13[%swap3A_242, %swap3A_243] {strides = array<i32>} : memref<128x128xf32, #tpu.memory_space<vmem>>, vector<16xf32>,
        tpu.vector_store %arg13[%swap3A_242, %swap3A_243], %mul3A_241 {strides = array<i32>} : memref<128x128xf32, #tpu.memory_space<vmem>>, vector<16xf32>,
        %scan3A_245 = arith.constant 0 : i32
        scf.yield %scan3A_245 : i32
      }
      %scan3A_166 = arith.constant 16 : i32
      %get3A_167 = arith.constant 112 : index
      %get3A_168 = tpu.vector_load %arg10[%get3A_167] {strides = array<i32>} : memref<128xi32, #tpu.memory_space<vmem>>, vector<16xi32>,
      %gather3A_169 = tpu.vector_load_idx %arg8[%get3A_168] : memref<10240xf32, #tpu.memory_space<vmem>>[vector<16xi32>], vector<16xf32>,
      %get3A_170 = arith.constant 112 : index
      %get3A_171 = tpu.vector_load %arg12[%get3A_170] {strides = array<i32>} : memref<128xf32, #tpu.memory_space<vmem>>, vector<16xf32>,
      %div3A_172 = arith.divf %get3A_171, %gather3A_169 : vector<16xf32>
      %swap3A_173 = arith.constant 0 : index
      %swap3A_174 = tpu.vector_load %arg14[%swap3A_173] {strides = array<i32>} : memref<16xf32, #tpu.memory_space<vmem>>, vector<16xf32>,
      tpu.vector_store %arg14[%swap3A_173], %div3A_172 {strides = array<i32>} : memref<16xf32, #tpu.memory_space<vmem>>, vector<16xf32>,
      %scan3A_175 = arith.constant 0 : i32
      %scan3A_176 = arith.constant 0 : i32
      %scan3A_177 = arith.constant 16 : i32
      %scan3A_178 = arith.addi %scan3A_176, %scan3A_177 : i32
      %scan3A_179 = arith.constant 1 : i32
      %scan3A_180 = scf.for %scan3A_183 = %scan3A_176 to %scan3A_178 step %scan3A_179 iter_args(%scan3A_184 = %scan3A_175) -> (i32)  : i32 {
        %broadcast_in_dim3A_185 = vector.broadcast %scan3A_183 : i32 to vector<16xi32>
        %gather3A_186 = tpu.vector_load_idx %arg14[%broadcast_in_dim3A_185] : memref<16xf32, #tpu.memory_space<vmem>>[vector<16xi32>], vector<16xf32>,
        %add3A_187 = arith.constant 112 : i32
        %add3A_188 = arith.addi %add3A_187, %scan3A_183 : i32
        %get3A_189 = arith.index_cast %add3A_188 : i32 to index
        %get3A_190 = arith.constant 0 : index
        %get3A_191 = tpu.vector_load %arg13[%get3A_189, %get3A_190] {strides = array<i32>} : memref<128x128xf32, #tpu.memory_space<vmem>>, vector<16xf32>,
        %mul3A_192 = arith.mulf %get3A_191, %gather3A_186 : vector<16xf32>
        %swap3A_193 = arith.index_cast %add3A_188 : i32 to index
        %swap3A_194 = arith.constant 0 : index
        %swap3A_195 = tpu.vector_load %arg13[%swap3A_193, %swap3A_194] {strides = array<i32>} : memref<128x128xf32, #tpu.memory_space<vmem>>, vector<16xf32>,
        tpu.vector_store %arg13[%swap3A_193, %swap3A_194], %mul3A_192 {strides = array<i32>} : memref<128x128xf32, #tpu.memory_space<vmem>>, vector<16xf32>,
        %get3A_196 = arith.index_cast %add3A_188 : i32 to index
        %get3A_197 = arith.constant 16 : index
        %get3A_198 = tpu.vector_load %arg13[%get3A_196, %get3A_197] {strides = array<i32>} : memref<128x128xf32, #tpu.memory_space<vmem>>, vector<16xf32>,
        %mul3A_199 = arith.mulf %get3A_198, %gather3A_186 : vector<16xf32>
        %swap3A_200 = arith.index_cast %add3A_188 : i32 to index
        %swap3A_201 = arith.constant 16 : index
        %swap3A_202 = tpu.vector_load %arg13[%swap3A_200, %swap3A_201] {strides = array<i32>} : memref<128x128xf32, #tpu.memory_space<vmem>>, vector<16xf32>,
        tpu.vector_store %arg13[%swap3A_200, %swap3A_201], %mul3A_199 {strides = array<i32>} : memref<128x128xf32, #tpu.memory_space<vmem>>, vector<16xf32>,
        %get3A_203 = arith.index_cast %add3A_188 : i32 to index
        %get3A_204 = arith.constant 32 : index
        %get3A_205 = tpu.vector_load %arg13[%get3A_203, %get3A_204] {strides = array<i32>} : memref<128x128xf32, #tpu.memory_space<vmem>>, vector<16xf32>,
        %mul3A_206 = arith.mulf %get3A_205, %gather3A_186 : vector<16xf32>
        %swap3A_207 = arith.index_cast %add3A_188 : i32 to index
        %swap3A_208 = arith.constant 32 : index
        %swap3A_209 = tpu.vector_load %arg13[%swap3A_207, %swap3A_208] {strides = array<i32>} : memref<128x128xf32, #tpu.memory_space<vmem>>, vector<16xf32>,
        tpu.vector_store %arg13[%swap3A_207, %swap3A_208], %mul3A_206 {strides = array<i32>} : memref<128x128xf32, #tpu.memory_space<vmem>>, vector<16xf32>,
        %get3A_210 = arith.index_cast %add3A_188 : i32 to index
        %get3A_211 = arith.constant 48 : index
        %get3A_212 = tpu.vector_load %arg13[%get3A_210, %get3A_211] {strides = array<i32>} : memref<128x128xf32, #tpu.memory_space<vmem>>, vector<16xf32>,
        %mul3A_213 = arith.mulf %get3A_212, %gather3A_186 : vector<16xf32>
        %swap3A_214 = arith.index_cast %add3A_188 : i32 to index
        %swap3A_215 = arith.constant 48 : index
        %swap3A_216 = tpu.vector_load %arg13[%swap3A_214, %swap3A_215] {strides = array<i32>} : memref<128x128xf32, #tpu.memory_space<vmem>>, vector<16xf32>,
        tpu.vector_store %arg13[%swap3A_214, %swap3A_215], %mul3A_213 {strides = array<i32>} : memref<128x128xf32, #tpu.memory_space<vmem>>, vector<16xf32>,
        %get3A_217 = arith.index_cast %add3A_188 : i32 to index
        %get3A_218 = arith.constant 64 : index
        %get3A_219 = tpu.vector_load %arg13[%get3A_217, %get3A_218] {strides = array<i32>} : memref<128x128xf32, #tpu.memory_space<vmem>>, vector<16xf32>,
        %mul3A_220 = arith.mulf %get3A_219, %gather3A_186 : vector<16xf32>
        %swap3A_221 = arith.index_cast %add3A_188 : i32 to index
        %swap3A_222 = arith.constant 64 : index
        %swap3A_223 = tpu.vector_load %arg13[%swap3A_221, %swap3A_222] {strides = array<i32>} : memref<128x128xf32, #tpu.memory_space<vmem>>, vector<16xf32>,
        tpu.vector_store %arg13[%swap3A_221, %swap3A_222], %mul3A_220 {strides = array<i32>} : memref<128x128xf32, #tpu.memory_space<vmem>>, vector<16xf32>,
        %get3A_224 = arith.index_cast %add3A_188 : i32 to index
        %get3A_225 = arith.constant 80 : index
        %get3A_226 = tpu.vector_load %arg13[%get3A_224, %get3A_225] {strides = array<i32>} : memref<128x128xf32, #tpu.memory_space<vmem>>, vector<16xf32>,
        %mul3A_227 = arith.mulf %get3A_226, %gather3A_186 : vector<16xf32>
        %swap3A_228 = arith.index_cast %add3A_188 : i32 to index
        %swap3A_229 = arith.constant 80 : index
        %swap3A_230 = tpu.vector_load %arg13[%swap3A_228, %swap3A_229] {strides = array<i32>} : memref<128x128xf32, #tpu.memory_space<vmem>>, vector<16xf32>,
        tpu.vector_store %arg13[%swap3A_228, %swap3A_229], %mul3A_227 {strides = array<i32>} : memref<128x128xf32, #tpu.memory_space<vmem>>, vector<16xf32>,
        %get3A_231 = arith.index_cast %add3A_188 : i32 to index
        %get3A_232 = arith.constant 96 : index
        %get3A_233 = tpu.vector_load %arg13[%get3A_231, %get3A_232] {strides = array<i32>} : memref<128x128xf32, #tpu.memory_space<vmem>>, vector<16xf32>,
        %mul3A_234 = arith.mulf %get3A_233, %gather3A_186 : vector<16xf32>
        %swap3A_235 = arith.index_cast %add3A_188 : i32 to index
        %swap3A_236 = arith.constant 96 : index
        %swap3A_237 = tpu.vector_load %arg13[%swap3A_235, %swap3A_236] {strides = array<i32>} : memref<128x128xf32, #tpu.memory_space<vmem>>, vector<16xf32>,
        tpu.vector_store %arg13[%swap3A_235, %swap3A_236], %mul3A_234 {strides = array<i32>} : memref<128x128xf32, #tpu.memory_space<vmem>>, vector<16xf32>,
        %get3A_238 = arith.index_cast %add3A_188 : i32 to index
        %get3A_239 = arith.constant 112 : index
        %get3A_240 = tpu.vector_load %arg13[%get3A_238, %get3A_239] {strides = array<i32>} : memref<128x128xf32, #tpu.memory_space<vmem>>, vector<16xf32>,
        %mul3A_241 = arith.mulf %get3A_240, %gather3A_186 : vector<16xf32>
        %swap3A_242 = arith.index_cast %add3A_188 : i32 to index
        %swap3A_243 = arith.constant 112 : index
        %swap3A_244 = tpu.vector_load %arg13[%swap3A_242, %swap3A_243] {strides = array<i32>} : memref<128x128xf32, #tpu.memory_space<vmem>>, vector<16xf32>,
        tpu.vector_store %arg13[%swap3A_242, %swap3A_243], %mul3A_241 {strides = array<i32>} : memref<128x128xf32, #tpu.memory_space<vmem>>, vector<16xf32>,
        %scan3A_245 = arith.constant 0 : i32
        scf.yield %scan3A_245 : i32
      }
      %scan3A_181 = arith.constant 16 : i32
      "tpu.region"() ({
        %run_scoped3A_183 = tpu.sem_alloc : memref<!tpu.dma_semaphore, #tpu.memory_space<semaphore_mem>>
        %dma_start3A = arith.constant 0 : i32
        %dma_start3A_184 = arith.constant 0 : i32
        %dma_start3A_185 = tpu.memref_slice %arg15[%dma_start3A, %dma_start3A_184] : memref<10240x128xf32, #tpu.memory_space<vmem_shared>> -> memref<10240x128xf32, #tpu.memory_space<vmem_shared>>
        tpu.enqueue_indirect_dma source(%arg13 : memref<128x128xf32, #tpu.memory_space<vmem>>) target(%dma_start3A_185 : memref<10240x128xf32, #tpu.memory_space<vmem_shared>>) offsets(%arg10 : memref<128xi32, #tpu.memory_space<vmem>>) semaphore(%run_scoped3A_183 : memref<!tpu.dma_semaphore, #tpu.memory_space<semaphore_mem>>) {add = true}
        %dma_wait3A = arith.constant 0 : i32
        %dma_wait3A_186 = arith.constant 0 : i32
        %dma_wait3A_187 = tpu.memref_slice %arg15[%dma_wait3A, %dma_wait3A_186] : memref<10240x128xf32, #tpu.memory_space<vmem_shared>> -> memref<10240x128xf32, #tpu.memory_space<vmem_shared>>
        tpu.wait_indirect_dma semaphore(%run_scoped3A_183 : memref<!tpu.dma_semaphore, #tpu.memory_space<semaphore_mem>>) src(%arg13 : memref<128x128xf32, #tpu.memory_space<vmem>>) dst(%dma_wait3A_187 : memref<10240x128xf32, #tpu.memory_space<vmem_shared>>)
        tpu.yield
      }) : () -> ()
      %scan3A_182 = arith.constant 0 : i32
      scf.yield %scan3A_182 : i32
    }
    %scan3A_42 = arith.constant 79 : i32
    %barrier3A_43 = arith.constant 0 : index
    tpu.barrier barrier_id(%barrier3A_43)
    %mul3A_44 = arith.constant 640 : i32
    %mul3A_45 = arith.muli %arg1, %mul3A_44 : i32
    %add3A_46 = arith.constant 0 : i32
    %add3A_47 = arith.addi %mul3A_45, %add3A_46 : i32
    "tpu.region"() ({
      %run_scoped3A_64 = tpu.sem_alloc : memref<!tpu.dma_semaphore, #tpu.memory_space<semaphore_mem>>
      %dma_start3A = arith.constant 0 : i32
      %dma_start3A_65 = tpu.memref_slice %arg15[%add3A_47, %dma_start3A] : memref<10240x128xf32, #tpu.memory_space<vmem_shared>> -> memref<128x128xf32, #tpu.memory_space<vmem_shared>>
      %dma_start3A_66 = arith.constant 0 : i32
      %dma_start3A_67 = tpu.memref_slice %arg15[%add3A_47, %dma_start3A_66] : memref<10240x128xf32, #tpu.memory_space<vmem_shared>> -> memref<128x128xf32, #tpu.memory_space<vmem_shared>>
      tpu.enqueue_dma source(%dma_start3A_67 : memref<128x128xf32, #tpu.memory_space<vmem_shared>>) target(%arg13 : memref<128x128xf32, #tpu.memory_space<vmem>>) target_semaphore(%run_scoped3A_64 : memref<!tpu.dma_semaphore, #tpu.memory_space<semaphore_mem>>)
      %dma_wait3A = arith.constant 0 : i32
      %dma_wait3A_68 = tpu.memref_slice %arg15[%add3A_47, %dma_wait3A] : memref<10240x128xf32, #tpu.memory_space<vmem_shared>> -> memref<128x128xf32, #tpu.memory_space<vmem_shared>>
      %dma_wait3A_69 = arith.constant 0 : i32
      %dma_wait3A_70 = tpu.memref_slice %arg15[%add3A_47, %dma_wait3A_69] : memref<10240x128xf32, #tpu.memory_space<vmem_shared>> -> memref<128x128xf32, #tpu.memory_space<vmem_shared>>
      tpu.wait_dma2 semaphore(%run_scoped3A_64 : memref<!tpu.dma_semaphore, #tpu.memory_space<semaphore_mem>>) src(%dma_wait3A_70 : memref<128x128xf32, #tpu.memory_space<vmem_shared>>) dst(%arg13 : memref<128x128xf32, #tpu.memory_space<vmem>>)
      tpu.yield
    }) : () -> ()
    "tpu.region"() ({
      %run_scoped3A_64 = tpu.sem_alloc : memref<!tpu.dma_semaphore, #tpu.memory_space<semaphore_mem>>
      %dma_start3A = arith.constant 0 : i32
      %dma_start3A_65 = tpu.memref_slice %arg7[%arg0, %add3A_47, %dma_start3A] : memref<2x10240x128xf32, #tpu.memory_space<hbm>> -> memref<1x128x128xf32, #tpu.memory_space<hbm>>
      %dma_start3A_66 = tpu.memref_squeeze %dma_start3A_65 : memref<1x128x128xf32, #tpu.memory_space<hbm>> -> memref<128x128xf32, #tpu.memory_space<hbm>>
      %dma_start3A_67 = arith.constant 0 : i32
      %dma_start3A_68 = tpu.memref_slice %arg7[%arg0, %add3A_47, %dma_start3A_67] : memref<2x10240x128xf32, #tpu.memory_space<hbm>> -> memref<1x128x128xf32, #tpu.memory_space<hbm>>
      %dma_start3A_69 = tpu.memref_squeeze %dma_start3A_68 : memref<1x128x128xf32, #tpu.memory_space<hbm>> -> memref<128x128xf32, #tpu.memory_space<hbm>>
      tpu.enqueue_dma source(%arg13 : memref<128x128xf32, #tpu.memory_space<vmem>>) target(%dma_start3A_69 : memref<128x128xf32, #tpu.memory_space<hbm>>) target_semaphore(%run_scoped3A_64 : memref<!tpu.dma_semaphore, #tpu.memory_space<semaphore_mem>>)
      %dma_wait3A = arith.constant 0 : i32
      %dma_wait3A_70 = tpu.memref_slice %arg7[%arg0, %add3A_47, %dma_wait3A] : memref<2x10240x128xf32, #tpu.memory_space<hbm>> -> memref<1x128x128xf32, #tpu.memory_space<hbm>>
      %dma_wait3A_71 = tpu.memref_squeeze %dma_wait3A_70 : memref<1x128x128xf32, #tpu.memory_space<hbm>> -> memref<128x128xf32, #tpu.memory_space<hbm>>
      %dma_wait3A_72 = arith.constant 0 : i32
      %dma_wait3A_73 = tpu.memref_slice %arg7[%arg0, %add3A_47, %dma_wait3A_72] : memref<2x10240x128xf32, #tpu.memory_space<hbm>> -> memref<1x128x128xf32, #tpu.memory_space<hbm>>
      %dma_wait3A_74 = tpu.memref_squeeze %dma_wait3A_73 : memref<1x128x128xf32, #tpu.memory_space<hbm>> -> memref<128x128xf32, #tpu.memory_space<hbm>>
      tpu.wait_dma2 semaphore(%run_scoped3A_64 : memref<!tpu.dma_semaphore, #tpu.memory_space<semaphore_mem>>) src(%arg13 : memref<128x128xf32, #tpu.memory_space<vmem>>) dst(%dma_wait3A_74 : memref<128x128xf32, #tpu.memory_space<hbm>>)
      tpu.yield
    }) : () -> ()
    %mul3A_48 = arith.constant 640 : i32
    %mul3A_49 = arith.muli %arg1, %mul3A_48 : i32
    %add3A_50 = arith.constant 128 : i32
    %add3A_51 = arith.addi %mul3A_49, %add3A_50 : i32
    "tpu.region"() ({
      %run_scoped3A_64 = tpu.sem_alloc : memref<!tpu.dma_semaphore, #tpu.memory_space<semaphore_mem>>
      %dma_start3A = arith.constant 0 : i32
      %dma_start3A_65 = tpu.memref_slice %arg15[%add3A_51, %dma_start3A] : memref<10240x128xf32, #tpu.memory_space<vmem_shared>> -> memref<128x128xf32, #tpu.memory_space<vmem_shared>>
      %dma_start3A_66 = arith.constant 0 : i32
      %dma_start3A_67 = tpu.memref_slice %arg15[%add3A_51, %dma_start3A_66] : memref<10240x128xf32, #tpu.memory_space<vmem_shared>> -> memref<128x128xf32, #tpu.memory_space<vmem_shared>>
      tpu.enqueue_dma source(%dma_start3A_67 : memref<128x128xf32, #tpu.memory_space<vmem_shared>>) target(%arg13 : memref<128x128xf32, #tpu.memory_space<vmem>>) target_semaphore(%run_scoped3A_64 : memref<!tpu.dma_semaphore, #tpu.memory_space<semaphore_mem>>)
      %dma_wait3A = arith.constant 0 : i32
      %dma_wait3A_68 = tpu.memref_slice %arg15[%add3A_51, %dma_wait3A] : memref<10240x128xf32, #tpu.memory_space<vmem_shared>> -> memref<128x128xf32, #tpu.memory_space<vmem_shared>>
      %dma_wait3A_69 = arith.constant 0 : i32
      %dma_wait3A_70 = tpu.memref_slice %arg15[%add3A_51, %dma_wait3A_69] : memref<10240x128xf32, #tpu.memory_space<vmem_shared>> -> memref<128x128xf32, #tpu.memory_space<vmem_shared>>
      tpu.wait_dma2 semaphore(%run_scoped3A_64 : memref<!tpu.dma_semaphore, #tpu.memory_space<semaphore_mem>>) src(%dma_wait3A_70 : memref<128x128xf32, #tpu.memory_space<vmem_shared>>) dst(%arg13 : memref<128x128xf32, #tpu.memory_space<vmem>>)
      tpu.yield
    }) : () -> ()
    "tpu.region"() ({
      %run_scoped3A_64 = tpu.sem_alloc : memref<!tpu.dma_semaphore, #tpu.memory_space<semaphore_mem>>
      %dma_start3A = arith.constant 0 : i32
      %dma_start3A_65 = tpu.memref_slice %arg7[%arg0, %add3A_51, %dma_start3A] : memref<2x10240x128xf32, #tpu.memory_space<hbm>> -> memref<1x128x128xf32, #tpu.memory_space<hbm>>
      %dma_start3A_66 = tpu.memref_squeeze %dma_start3A_65 : memref<1x128x128xf32, #tpu.memory_space<hbm>> -> memref<128x128xf32, #tpu.memory_space<hbm>>
      %dma_start3A_67 = arith.constant 0 : i32
      %dma_start3A_68 = tpu.memref_slice %arg7[%arg0, %add3A_51, %dma_start3A_67] : memref<2x10240x128xf32, #tpu.memory_space<hbm>> -> memref<1x128x128xf32, #tpu.memory_space<hbm>>
      %dma_start3A_69 = tpu.memref_squeeze %dma_start3A_68 : memref<1x128x128xf32, #tpu.memory_space<hbm>> -> memref<128x128xf32, #tpu.memory_space<hbm>>
      tpu.enqueue_dma source(%arg13 : memref<128x128xf32, #tpu.memory_space<vmem>>) target(%dma_start3A_69 : memref<128x128xf32, #tpu.memory_space<hbm>>) target_semaphore(%run_scoped3A_64 : memref<!tpu.dma_semaphore, #tpu.memory_space<semaphore_mem>>)
      %dma_wait3A = arith.constant 0 : i32
      %dma_wait3A_70 = tpu.memref_slice %arg7[%arg0, %add3A_51, %dma_wait3A] : memref<2x10240x128xf32, #tpu.memory_space<hbm>> -> memref<1x128x128xf32, #tpu.memory_space<hbm>>
      %dma_wait3A_71 = tpu.memref_squeeze %dma_wait3A_70 : memref<1x128x128xf32, #tpu.memory_space<hbm>> -> memref<128x128xf32, #tpu.memory_space<hbm>>
      %dma_wait3A_72 = arith.constant 0 : i32
      %dma_wait3A_73 = tpu.memref_slice %arg7[%arg0, %add3A_51, %dma_wait3A_72] : memref<2x10240x128xf32, #tpu.memory_space<hbm>> -> memref<1x128x128xf32, #tpu.memory_space<hbm>>
      %dma_wait3A_74 = tpu.memref_squeeze %dma_wait3A_73 : memref<1x128x128xf32, #tpu.memory_space<hbm>> -> memref<128x128xf32, #tpu.memory_space<hbm>>
      tpu.wait_dma2 semaphore(%run_scoped3A_64 : memref<!tpu.dma_semaphore, #tpu.memory_space<semaphore_mem>>) src(%arg13 : memref<128x128xf32, #tpu.memory_space<vmem>>) dst(%dma_wait3A_74 : memref<128x128xf32, #tpu.memory_space<hbm>>)
      tpu.yield
    }) : () -> ()
    %mul3A_52 = arith.constant 640 : i32
    %mul3A_53 = arith.muli %arg1, %mul3A_52 : i32
    %add3A_54 = arith.constant 256 : i32
    %add3A_55 = arith.addi %mul3A_53, %add3A_54 : i32
    "tpu.region"() ({
      %run_scoped3A_64 = tpu.sem_alloc : memref<!tpu.dma_semaphore, #tpu.memory_space<semaphore_mem>>
      %dma_start3A = arith.constant 0 : i32
      %dma_start3A_65 = tpu.memref_slice %arg15[%add3A_55, %dma_start3A] : memref<10240x128xf32, #tpu.memory_space<vmem_shared>> -> memref<128x128xf32, #tpu.memory_space<vmem_shared>>
      %dma_start3A_66 = arith.constant 0 : i32
      %dma_start3A_67 = tpu.memref_slice %arg15[%add3A_55, %dma_start3A_66] : memref<10240x128xf32, #tpu.memory_space<vmem_shared>> -> memref<128x128xf32, #tpu.memory_space<vmem_shared>>
      tpu.enqueue_dma source(%dma_start3A_67 : memref<128x128xf32, #tpu.memory_space<vmem_shared>>) target(%arg13 : memref<128x128xf32, #tpu.memory_space<vmem>>) target_semaphore(%run_scoped3A_64 : memref<!tpu.dma_semaphore, #tpu.memory_space<semaphore_mem>>)
      %dma_wait3A = arith.constant 0 : i32
      %dma_wait3A_68 = tpu.memref_slice %arg15[%add3A_55, %dma_wait3A] : memref<10240x128xf32, #tpu.memory_space<vmem_shared>> -> memref<128x128xf32, #tpu.memory_space<vmem_shared>>
      %dma_wait3A_69 = arith.constant 0 : i32
      %dma_wait3A_70 = tpu.memref_slice %arg15[%add3A_55, %dma_wait3A_69] : memref<10240x128xf32, #tpu.memory_space<vmem_shared>> -> memref<128x128xf32, #tpu.memory_space<vmem_shared>>
      tpu.wait_dma2 semaphore(%run_scoped3A_64 : memref<!tpu.dma_semaphore, #tpu.memory_space<semaphore_mem>>) src(%dma_wait3A_70 : memref<128x128xf32, #tpu.memory_space<vmem_shared>>) dst(%arg13 : memref<128x128xf32, #tpu.memory_space<vmem>>)
      tpu.yield
    }) : () -> ()
    "tpu.region"() ({
      %run_scoped3A_64 = tpu.sem_alloc : memref<!tpu.dma_semaphore, #tpu.memory_space<semaphore_mem>>
      %dma_start3A = arith.constant 0 : i32
      %dma_start3A_65 = tpu.memref_slice %arg7[%arg0, %add3A_55, %dma_start3A] : memref<2x10240x128xf32, #tpu.memory_space<hbm>> -> memref<1x128x128xf32, #tpu.memory_space<hbm>>
      %dma_start3A_66 = tpu.memref_squeeze %dma_start3A_65 : memref<1x128x128xf32, #tpu.memory_space<hbm>> -> memref<128x128xf32, #tpu.memory_space<hbm>>
      %dma_start3A_67 = arith.constant 0 : i32
      %dma_start3A_68 = tpu.memref_slice %arg7[%arg0, %add3A_55, %dma_start3A_67] : memref<2x10240x128xf32, #tpu.memory_space<hbm>> -> memref<1x128x128xf32, #tpu.memory_space<hbm>>
      %dma_start3A_69 = tpu.memref_squeeze %dma_start3A_68 : memref<1x128x128xf32, #tpu.memory_space<hbm>> -> memref<128x128xf32, #tpu.memory_space<hbm>>
      tpu.enqueue_dma source(%arg13 : memref<128x128xf32, #tpu.memory_space<vmem>>) target(%dma_start3A_69 : memref<128x128xf32, #tpu.memory_space<hbm>>) target_semaphore(%run_scoped3A_64 : memref<!tpu.dma_semaphore, #tpu.memory_space<semaphore_mem>>)
      %dma_wait3A = arith.constant 0 : i32
      %dma_wait3A_70 = tpu.memref_slice %arg7[%arg0, %add3A_55, %dma_wait3A] : memref<2x10240x128xf32, #tpu.memory_space<hbm>> -> memref<1x128x128xf32, #tpu.memory_space<hbm>>
      %dma_wait3A_71 = tpu.memref_squeeze %dma_wait3A_70 : memref<1x128x128xf32, #tpu.memory_space<hbm>> -> memref<128x128xf32, #tpu.memory_space<hbm>>
      %dma_wait3A_72 = arith.constant 0 : i32
      %dma_wait3A_73 = tpu.memref_slice %arg7[%arg0, %add3A_55, %dma_wait3A_72] : memref<2x10240x128xf32, #tpu.memory_space<hbm>> -> memref<1x128x128xf32, #tpu.memory_space<hbm>>
      %dma_wait3A_74 = tpu.memref_squeeze %dma_wait3A_73 : memref<1x128x128xf32, #tpu.memory_space<hbm>> -> memref<128x128xf32, #tpu.memory_space<hbm>>
      tpu.wait_dma2 semaphore(%run_scoped3A_64 : memref<!tpu.dma_semaphore, #tpu.memory_space<semaphore_mem>>) src(%arg13 : memref<128x128xf32, #tpu.memory_space<vmem>>) dst(%dma_wait3A_74 : memref<128x128xf32, #tpu.memory_space<hbm>>)
      tpu.yield
    }) : () -> ()
    %mul3A_56 = arith.constant 640 : i32
    %mul3A_57 = arith.muli %arg1, %mul3A_56 : i32
    %add3A_58 = arith.constant 384 : i32
    %add3A_59 = arith.addi %mul3A_57, %add3A_58 : i32
    "tpu.region"() ({
      %run_scoped3A_64 = tpu.sem_alloc : memref<!tpu.dma_semaphore, #tpu.memory_space<semaphore_mem>>
      %dma_start3A = arith.constant 0 : i32
      %dma_start3A_65 = tpu.memref_slice %arg15[%add3A_59, %dma_start3A] : memref<10240x128xf32, #tpu.memory_space<vmem_shared>> -> memref<128x128xf32, #tpu.memory_space<vmem_shared>>
      %dma_start3A_66 = arith.constant 0 : i32
      %dma_start3A_67 = tpu.memref_slice %arg15[%add3A_59, %dma_start3A_66] : memref<10240x128xf32, #tpu.memory_space<vmem_shared>> -> memref<128x128xf32, #tpu.memory_space<vmem_shared>>
      tpu.enqueue_dma source(%dma_start3A_67 : memref<128x128xf32, #tpu.memory_space<vmem_shared>>) target(%arg13 : memref<128x128xf32, #tpu.memory_space<vmem>>) target_semaphore(%run_scoped3A_64 : memref<!tpu.dma_semaphore, #tpu.memory_space<semaphore_mem>>)
      %dma_wait3A = arith.constant 0 : i32
      %dma_wait3A_68 = tpu.memref_slice %arg15[%add3A_59, %dma_wait3A] : memref<10240x128xf32, #tpu.memory_space<vmem_shared>> -> memref<128x128xf32, #tpu.memory_space<vmem_shared>>
      %dma_wait3A_69 = arith.constant 0 : i32
      %dma_wait3A_70 = tpu.memref_slice %arg15[%add3A_59, %dma_wait3A_69] : memref<10240x128xf32, #tpu.memory_space<vmem_shared>> -> memref<128x128xf32, #tpu.memory_space<vmem_shared>>
      tpu.wait_dma2 semaphore(%run_scoped3A_64 : memref<!tpu.dma_semaphore, #tpu.memory_space<semaphore_mem>>) src(%dma_wait3A_70 : memref<128x128xf32, #tpu.memory_space<vmem_shared>>) dst(%arg13 : memref<128x128xf32, #tpu.memory_space<vmem>>)
      tpu.yield
    }) : () -> ()
    "tpu.region"() ({
      %run_scoped3A_64 = tpu.sem_alloc : memref<!tpu.dma_semaphore, #tpu.memory_space<semaphore_mem>>
      %dma_start3A = arith.constant 0 : i32
      %dma_start3A_65 = tpu.memref_slice %arg7[%arg0, %add3A_59, %dma_start3A] : memref<2x10240x128xf32, #tpu.memory_space<hbm>> -> memref<1x128x128xf32, #tpu.memory_space<hbm>>
      %dma_start3A_66 = tpu.memref_squeeze %dma_start3A_65 : memref<1x128x128xf32, #tpu.memory_space<hbm>> -> memref<128x128xf32, #tpu.memory_space<hbm>>
      %dma_start3A_67 = arith.constant 0 : i32
      %dma_start3A_68 = tpu.memref_slice %arg7[%arg0, %add3A_59, %dma_start3A_67] : memref<2x10240x128xf32, #tpu.memory_space<hbm>> -> memref<1x128x128xf32, #tpu.memory_space<hbm>>
      %dma_start3A_69 = tpu.memref_squeeze %dma_start3A_68 : memref<1x128x128xf32, #tpu.memory_space<hbm>> -> memref<128x128xf32, #tpu.memory_space<hbm>>
      tpu.enqueue_dma source(%arg13 : memref<128x128xf32, #tpu.memory_space<vmem>>) target(%dma_start3A_69 : memref<128x128xf32, #tpu.memory_space<hbm>>) target_semaphore(%run_scoped3A_64 : memref<!tpu.dma_semaphore, #tpu.memory_space<semaphore_mem>>)
      %dma_wait3A = arith.constant 0 : i32
      %dma_wait3A_70 = tpu.memref_slice %arg7[%arg0, %add3A_59, %dma_wait3A] : memref<2x10240x128xf32, #tpu.memory_space<hbm>> -> memref<1x128x128xf32, #tpu.memory_space<hbm>>
      %dma_wait3A_71 = tpu.memref_squeeze %dma_wait3A_70 : memref<1x128x128xf32, #tpu.memory_space<hbm>> -> memref<128x128xf32, #tpu.memory_space<hbm>>
      %dma_wait3A_72 = arith.constant 0 : i32
      %dma_wait3A_73 = tpu.memref_slice %arg7[%arg0, %add3A_59, %dma_wait3A_72] : memref<2x10240x128xf32, #tpu.memory_space<hbm>> -> memref<1x128x128xf32, #tpu.memory_space<hbm>>
      %dma_wait3A_74 = tpu.memref_squeeze %dma_wait3A_73 : memref<1x128x128xf32, #tpu.memory_space<hbm>> -> memref<128x128xf32, #tpu.memory_space<hbm>>
      tpu.wait_dma2 semaphore(%run_scoped3A_64 : memref<!tpu.dma_semaphore, #tpu.memory_space<semaphore_mem>>) src(%arg13 : memref<128x128xf32, #tpu.memory_space<vmem>>) dst(%dma_wait3A_74 : memref<128x128xf32, #tpu.memory_space<hbm>>)
      tpu.yield
    }) : () -> ()
    %mul3A_60 = arith.constant 640 : i32
    %mul3A_61 = arith.muli %arg1, %mul3A_60 : i32
    %add3A_62 = arith.constant 512 : i32
    %add3A_63 = arith.addi %mul3A_61, %add3A_62 : i32
    "tpu.region"() ({
      %run_scoped3A_64 = tpu.sem_alloc : memref<!tpu.dma_semaphore, #tpu.memory_space<semaphore_mem>>
      %dma_start3A = arith.constant 0 : i32
      %dma_start3A_65 = tpu.memref_slice %arg15[%add3A_63, %dma_start3A] : memref<10240x128xf32, #tpu.memory_space<vmem_shared>> -> memref<128x128xf32, #tpu.memory_space<vmem_shared>>
      %dma_start3A_66 = arith.constant 0 : i32
      %dma_start3A_67 = tpu.memref_slice %arg15[%add3A_63, %dma_start3A_66] : memref<10240x128xf32, #tpu.memory_space<vmem_shared>> -> memref<128x128xf32, #tpu.memory_space<vmem_shared>>
      tpu.enqueue_dma source(%dma_start3A_67 : memref<128x128xf32, #tpu.memory_space<vmem_shared>>) target(%arg13 : memref<128x128xf32, #tpu.memory_space<vmem>>) target_semaphore(%run_scoped3A_64 : memref<!tpu.dma_semaphore, #tpu.memory_space<semaphore_mem>>)
      %dma_wait3A = arith.constant 0 : i32
      %dma_wait3A_68 = tpu.memref_slice %arg15[%add3A_63, %dma_wait3A] : memref<10240x128xf32, #tpu.memory_space<vmem_shared>> -> memref<128x128xf32, #tpu.memory_space<vmem_shared>>
      %dma_wait3A_69 = arith.constant 0 : i32
      %dma_wait3A_70 = tpu.memref_slice %arg15[%add3A_63, %dma_wait3A_69] : memref<10240x128xf32, #tpu.memory_space<vmem_shared>> -> memref<128x128xf32, #tpu.memory_space<vmem_shared>>
      tpu.wait_dma2 semaphore(%run_scoped3A_64 : memref<!tpu.dma_semaphore, #tpu.memory_space<semaphore_mem>>) src(%dma_wait3A_70 : memref<128x128xf32, #tpu.memory_space<vmem_shared>>) dst(%arg13 : memref<128x128xf32, #tpu.memory_space<vmem>>)
      tpu.yield
    }) : () -> ()
    "tpu.region"() ({
      %run_scoped3A_64 = tpu.sem_alloc : memref<!tpu.dma_semaphore, #tpu.memory_space<semaphore_mem>>
      %dma_start3A = arith.constant 0 : i32
      %dma_start3A_65 = tpu.memref_slice %arg7[%arg0, %add3A_63, %dma_start3A] : memref<2x10240x128xf32, #tpu.memory_space<hbm>> -> memref<1x128x128xf32, #tpu.memory_space<hbm>>
      %dma_start3A_66 = tpu.memref_squeeze %dma_start3A_65 : memref<1x128x128xf32, #tpu.memory_space<hbm>> -> memref<128x128xf32, #tpu.memory_space<hbm>>
      %dma_start3A_67 = arith.constant 0 : i32
      %dma_start3A_68 = tpu.memref_slice %arg7[%arg0, %add3A_63, %dma_start3A_67] : memref<2x10240x128xf32, #tpu.memory_space<hbm>> -> memref<1x128x128xf32, #tpu.memory_space<hbm>>
      %dma_start3A_69 = tpu.memref_squeeze %dma_start3A_68 : memref<1x128x128xf32, #tpu.memory_space<hbm>> -> memref<128x128xf32, #tpu.memory_space<hbm>>
      tpu.enqueue_dma source(%arg13 : memref<128x128xf32, #tpu.memory_space<vmem>>) target(%dma_start3A_69 : memref<128x128xf32, #tpu.memory_space<hbm>>) target_semaphore(%run_scoped3A_64 : memref<!tpu.dma_semaphore, #tpu.memory_space<semaphore_mem>>)
      %dma_wait3A = arith.constant 0 : i32
      %dma_wait3A_70 = tpu.memref_slice %arg7[%arg0, %add3A_63, %dma_wait3A] : memref<2x10240x128xf32, #tpu.memory_space<hbm>> -> memref<1x128x128xf32, #tpu.memory_space<hbm>>
      %dma_wait3A_71 = tpu.memref_squeeze %dma_wait3A_70 : memref<1x128x128xf32, #tpu.memory_space<hbm>> -> memref<128x128xf32, #tpu.memory_space<hbm>>
      %dma_wait3A_72 = arith.constant 0 : i32
      %dma_wait3A_73 = tpu.memref_slice %arg7[%arg0, %add3A_63, %dma_wait3A_72] : memref<2x10240x128xf32, #tpu.memory_space<hbm>> -> memref<1x128x128xf32, #tpu.memory_space<hbm>>
      %dma_wait3A_74 = tpu.memref_squeeze %dma_wait3A_73 : memref<1x128x128xf32, #tpu.memory_space<hbm>> -> memref<128x128xf32, #tpu.memory_space<hbm>>
      tpu.wait_dma2 semaphore(%run_scoped3A_64 : memref<!tpu.dma_semaphore, #tpu.memory_space<semaphore_mem>>) src(%arg13 : memref<128x128xf32, #tpu.memory_space<vmem>>) dst(%dma_wait3A_74 : memref<128x128xf32, #tpu.memory_space<hbm>>)
      tpu.yield
    }) : () -> ()
    return
  }
}

#map = affine_map<(d0, d1) -> (0)>
#map1 = affine_map<(d0, d1) -> (0, 0, 0)>
#map2 = affine_map<(d0, d1) -> (0, 0)>
module attributes {stable_mosaic.version = 14 : i64} {
  func.func @k(%arg0: i32, %arg1: i32, %arg2: memref<10240xf32, #tpu.memory_space<hbm>>, %arg3: memref<10240xf32, #tpu.memory_space<hbm>>, %arg4: memref<32x79x128xi32, #tpu.memory_space<hbm>>, %arg5: memref<32x79x128xi32, #tpu.memory_space<hbm>>, %arg6: memref<32x79x128xf32, #tpu.memory_space<hbm>>, %arg7: memref<2x10240xf32, #tpu.memory_space<hbm>>, %arg8: memref<10240xf32, #tpu.memory_space<vmem>>, %arg9: memref<10240xf32, #tpu.memory_space<vmem>>, %arg10: memref<79x128xi32, #tpu.memory_space<vmem>>, %arg11: memref<79x128xi32, #tpu.memory_space<vmem>>, %arg12: memref<79x128xf32, #tpu.memory_space<vmem>>, %arg13: memref<10240xf32, #tpu.memory_space<vmem>>, %arg14: memref<10240xf32, #tpu.memory_space<vmem>>, %arg15: memref<16x10240xf32, #tpu.memory_space<vmem_shared>>) attributes {dimension_semantics = [#tpu.dimension_semantics<core_parallel>, #tpu.dimension_semantics<subcore_parallel>], iteration_bounds = array<i64: 2, 16>, scalar_prefetch = 0 : i64, scratch_operands = 8 : i64, tpu.core_type = #tpu.core_type<sc_vector_subcore>, window_params = [{transform_indices = #map}, {transform_indices = #map}, {transform_indices = #map1}, {transform_indices = #map1}, {transform_indices = #map1}, {transform_indices = #map2}]} {
    %mul3A = arith.constant 16 : i32
    %mul3A_0 = arith.muli %arg0, %mul3A : i32
    %add3A = arith.addi %mul3A_0, %arg1 : i32
    "tpu.region"() ({
      %run_scoped3A_137 = tpu.sem_alloc : memref<!tpu.dma_semaphore, #tpu.memory_space<semaphore_mem>>
      tpu.enqueue_dma source(%arg2 : memref<10240xf32, #tpu.memory_space<hbm>>) target(%arg8 : memref<10240xf32, #tpu.memory_space<vmem>>) target_semaphore(%run_scoped3A_137 : memref<!tpu.dma_semaphore, #tpu.memory_space<semaphore_mem>>)
      tpu.wait_dma2 semaphore(%run_scoped3A_137 : memref<!tpu.dma_semaphore, #tpu.memory_space<semaphore_mem>>) src(%arg2 : memref<10240xf32, #tpu.memory_space<hbm>>) dst(%arg8 : memref<10240xf32, #tpu.memory_space<vmem>>)
      tpu.yield
    }) : () -> ()
    "tpu.region"() ({
      %run_scoped3A_137 = tpu.sem_alloc : memref<!tpu.dma_semaphore, #tpu.memory_space<semaphore_mem>>
      tpu.enqueue_dma source(%arg3 : memref<10240xf32, #tpu.memory_space<hbm>>) target(%arg9 : memref<10240xf32, #tpu.memory_space<vmem>>) target_semaphore(%run_scoped3A_137 : memref<!tpu.dma_semaphore, #tpu.memory_space<semaphore_mem>>)
      tpu.wait_dma2 semaphore(%run_scoped3A_137 : memref<!tpu.dma_semaphore, #tpu.memory_space<semaphore_mem>>) src(%arg3 : memref<10240xf32, #tpu.memory_space<hbm>>) dst(%arg9 : memref<10240xf32, #tpu.memory_space<vmem>>)
      tpu.yield
    }) : () -> ()
    "tpu.region"() ({
      %run_scoped3A_137 = tpu.sem_alloc : memref<!tpu.dma_semaphore, #tpu.memory_space<semaphore_mem>>
      %dma_start3A = arith.constant 0 : i32
      %dma_start3A_138 = arith.constant 0 : i32
      %dma_start3A_139 = tpu.memref_slice %arg4[%add3A, %dma_start3A, %dma_start3A_138] : memref<32x79x128xi32, #tpu.memory_space<hbm>> -> memref<1x79x128xi32, #tpu.memory_space<hbm>>
      %dma_start3A_140 = tpu.memref_squeeze %dma_start3A_139 : memref<1x79x128xi32, #tpu.memory_space<hbm>> -> memref<79x128xi32, #tpu.memory_space<hbm>>
      %dma_start3A_141 = arith.constant 0 : i32
      %dma_start3A_142 = arith.constant 0 : i32
      %dma_start3A_143 = tpu.memref_slice %arg4[%add3A, %dma_start3A_141, %dma_start3A_142] : memref<32x79x128xi32, #tpu.memory_space<hbm>> -> memref<1x79x128xi32, #tpu.memory_space<hbm>>
      %dma_start3A_144 = tpu.memref_squeeze %dma_start3A_143 : memref<1x79x128xi32, #tpu.memory_space<hbm>> -> memref<79x128xi32, #tpu.memory_space<hbm>>
      tpu.enqueue_dma source(%dma_start3A_144 : memref<79x128xi32, #tpu.memory_space<hbm>>) target(%arg10 : memref<79x128xi32, #tpu.memory_space<vmem>>) target_semaphore(%run_scoped3A_137 : memref<!tpu.dma_semaphore, #tpu.memory_space<semaphore_mem>>)
      %dma_wait3A = arith.constant 0 : i32
      %dma_wait3A_145 = arith.constant 0 : i32
      %dma_wait3A_146 = tpu.memref_slice %arg4[%add3A, %dma_wait3A, %dma_wait3A_145] : memref<32x79x128xi32, #tpu.memory_space<hbm>> -> memref<1x79x128xi32, #tpu.memory_space<hbm>>
      %dma_wait3A_147 = tpu.memref_squeeze %dma_wait3A_146 : memref<1x79x128xi32, #tpu.memory_space<hbm>> -> memref<79x128xi32, #tpu.memory_space<hbm>>
      %dma_wait3A_148 = arith.constant 0 : i32
      %dma_wait3A_149 = arith.constant 0 : i32
      %dma_wait3A_150 = tpu.memref_slice %arg4[%add3A, %dma_wait3A_148, %dma_wait3A_149] : memref<32x79x128xi32, #tpu.memory_space<hbm>> -> memref<1x79x128xi32, #tpu.memory_space<hbm>>
      %dma_wait3A_151 = tpu.memref_squeeze %dma_wait3A_150 : memref<1x79x128xi32, #tpu.memory_space<hbm>> -> memref<79x128xi32, #tpu.memory_space<hbm>>
      tpu.wait_dma2 semaphore(%run_scoped3A_137 : memref<!tpu.dma_semaphore, #tpu.memory_space<semaphore_mem>>) src(%dma_wait3A_151 : memref<79x128xi32, #tpu.memory_space<hbm>>) dst(%arg10 : memref<79x128xi32, #tpu.memory_space<vmem>>)
      tpu.yield
    }) : () -> ()
    "tpu.region"() ({
      %run_scoped3A_137 = tpu.sem_alloc : memref<!tpu.dma_semaphore, #tpu.memory_space<semaphore_mem>>
      %dma_start3A = arith.constant 0 : i32
      %dma_start3A_138 = arith.constant 0 : i32
      %dma_start3A_139 = tpu.memref_slice %arg5[%add3A, %dma_start3A, %dma_start3A_138] : memref<32x79x128xi32, #tpu.memory_space<hbm>> -> memref<1x79x128xi32, #tpu.memory_space<hbm>>
      %dma_start3A_140 = tpu.memref_squeeze %dma_start3A_139 : memref<1x79x128xi32, #tpu.memory_space<hbm>> -> memref<79x128xi32, #tpu.memory_space<hbm>>
      %dma_start3A_141 = arith.constant 0 : i32
      %dma_start3A_142 = arith.constant 0 : i32
      %dma_start3A_143 = tpu.memref_slice %arg5[%add3A, %dma_start3A_141, %dma_start3A_142] : memref<32x79x128xi32, #tpu.memory_space<hbm>> -> memref<1x79x128xi32, #tpu.memory_space<hbm>>
      %dma_start3A_144 = tpu.memref_squeeze %dma_start3A_143 : memref<1x79x128xi32, #tpu.memory_space<hbm>> -> memref<79x128xi32, #tpu.memory_space<hbm>>
      tpu.enqueue_dma source(%dma_start3A_144 : memref<79x128xi32, #tpu.memory_space<hbm>>) target(%arg11 : memref<79x128xi32, #tpu.memory_space<vmem>>) target_semaphore(%run_scoped3A_137 : memref<!tpu.dma_semaphore, #tpu.memory_space<semaphore_mem>>)
      %dma_wait3A = arith.constant 0 : i32
      %dma_wait3A_145 = arith.constant 0 : i32
      %dma_wait3A_146 = tpu.memref_slice %arg5[%add3A, %dma_wait3A, %dma_wait3A_145] : memref<32x79x128xi32, #tpu.memory_space<hbm>> -> memref<1x79x128xi32, #tpu.memory_space<hbm>>
      %dma_wait3A_147 = tpu.memref_squeeze %dma_wait3A_146 : memref<1x79x128xi32, #tpu.memory_space<hbm>> -> memref<79x128xi32, #tpu.memory_space<hbm>>
      %dma_wait3A_148 = arith.constant 0 : i32
      %dma_wait3A_149 = arith.constant 0 : i32
      %dma_wait3A_150 = tpu.memref_slice %arg5[%add3A, %dma_wait3A_148, %dma_wait3A_149] : memref<32x79x128xi32, #tpu.memory_space<hbm>> -> memref<1x79x128xi32, #tpu.memory_space<hbm>>
      %dma_wait3A_151 = tpu.memref_squeeze %dma_wait3A_150 : memref<1x79x128xi32, #tpu.memory_space<hbm>> -> memref<79x128xi32, #tpu.memory_space<hbm>>
      tpu.wait_dma2 semaphore(%run_scoped3A_137 : memref<!tpu.dma_semaphore, #tpu.memory_space<semaphore_mem>>) src(%dma_wait3A_151 : memref<79x128xi32, #tpu.memory_space<hbm>>) dst(%arg11 : memref<79x128xi32, #tpu.memory_space<vmem>>)
      tpu.yield
    }) : () -> ()
    %broadcast_in_dim3A = arith.constant 0.000000e+00 : f32
    %broadcast_in_dim3A_1 = vector.broadcast %broadcast_in_dim3A : f32 to vector<16xf32>
    %scan3A = arith.constant 0 : i32
    %scan3A_2 = arith.constant 0 : i32
    %scan3A_3 = arith.constant 640 : i32
    %scan3A_4 = arith.addi %scan3A_2, %scan3A_3 : i32
    %scan3A_5 = arith.constant 1 : i32
    %scan3A_6 = scf.for %scan3A_137 = %scan3A_2 to %scan3A_4 step %scan3A_5 iter_args(%scan3A_138 = %scan3A) -> (i32)  : i32 {
      %mul3A_139 = arith.constant 16 : i32
      %mul3A_140 = arith.muli %scan3A_137, %mul3A_139 : i32
      %swap3A = arith.index_cast %mul3A_140 : i32 to index
      %swap3A_141 = tpu.vector_load %arg13[%swap3A] {strides = array<i32>} : memref<10240xf32, #tpu.memory_space<vmem>>, vector<16xf32>,
      tpu.vector_store %arg13[%swap3A], %broadcast_in_dim3A_1 {strides = array<i32>} : memref<10240xf32, #tpu.memory_space<vmem>>, vector<16xf32>,
      %scan3A_142 = arith.constant 0 : i32
      scf.yield %scan3A_142 : i32
    }
    %scan3A_7 = arith.constant 640 : i32
    %scan3A_8 = arith.constant 0 : i32
    %scan3A_9 = arith.constant 0 : i32
    %scan3A_10 = arith.constant 632 : i32
    %scan3A_11 = arith.addi %scan3A_9, %scan3A_10 : i32
    %scan3A_12 = arith.constant 1 : i32
    %scan3A_13 = scf.for %scan3A_137 = %scan3A_9 to %scan3A_11 step %scan3A_12 iter_args(%scan3A_138 = %scan3A_8) -> (i32)  : i32 {
      %jit3A = arith.constant 8 : i32
      %div3A = arith.divsi %scan3A_137, %jit3A : i32
      %sign3A = arith.constant 0 : i32
      %sign3A_139 = arith.cmpi sgt, %scan3A_137, %sign3A : i32
      %sign3A_140 = arith.extui %sign3A_139 : i1 to i32
      %sign3A_141 = arith.constant 0 : i32
      %sign3A_142 = arith.cmpi slt, %scan3A_137, %sign3A_141 : i32
      %sign3A_143 = arith.extui %sign3A_142 : i1 to i32
      %sign3A_144 = arith.subi %sign3A_140, %sign3A_143 : i32
      %sign3A_145 = arith.constant 0 : i32
      %sign3A_146 = arith.cmpi sgt, %jit3A, %sign3A_145 : i32
      %sign3A_147 = arith.extui %sign3A_146 : i1 to i32
      %sign3A_148 = arith.constant 0 : i32
      %sign3A_149 = arith.cmpi slt, %jit3A, %sign3A_148 : i32
      %sign3A_150 = arith.extui %sign3A_149 : i1 to i32
      %sign3A_151 = arith.subi %sign3A_147, %sign3A_150 : i32
      %ne3A = arith.cmpi ne, %sign3A_144, %sign3A_151 : i32
      %rem3A = arith.remsi %scan3A_137, %jit3A : i32
      %ne3A_152 = arith.constant 0 : i32
      %ne3A_153 = arith.cmpi ne, %rem3A, %ne3A_152 : i32
      %and3A = arith.andi %ne3A, %ne3A_153 : i1
      %sub3A = arith.constant 1 : i32
      %sub3A_154 = arith.subi %div3A, %sub3A : i32
      %select_n3A = arith.select %and3A, %sub3A_154, %div3A : i32
      %jit3A_155 = arith.constant 8 : i32
      %eq3A = arith.constant 0 : i32
      %eq3A_156 = arith.cmpi eq, %jit3A_155, %eq3A : i32
      %jit3A_157 = arith.constant 1 : i32
      %select_n3A_158 = arith.select %eq3A_156, %jit3A_157, %jit3A_155 : i32
      %rem3A_159 = arith.remsi %scan3A_137, %select_n3A_158 : i32
      %ne3A_160 = arith.constant 0 : i32
      %ne3A_161 = arith.cmpi ne, %rem3A_159, %ne3A_160 : i32
      %lt3A = arith.constant 0 : i32
      %lt3A_162 = arith.cmpi slt, %rem3A_159, %lt3A : i32
      %lt3A_163 = arith.constant 0 : i32
      %lt3A_164 = arith.cmpi slt, %select_n3A_158, %lt3A_163 : i32
      %ne3A_165 = arith.xori %lt3A_162, %lt3A_164 : i1
      %and3A_166 = arith.andi %ne3A_165, %ne3A_161 : i1
      %add3A_167 = arith.addi %rem3A_159, %select_n3A_158 : i32
      %select_n3A_168 = arith.select %and3A_166, %add3A_167, %rem3A_159 : i32
      %mul3A_169 = arith.constant 16 : i32
      %mul3A_170 = arith.muli %select_n3A_168, %mul3A_169 : i32
      %get3A = arith.index_cast %select_n3A : i32 to index
      %get3A_171 = arith.index_cast %mul3A_170 : i32 to index
      %get3A_172 = tpu.vector_load %arg10[%get3A, %get3A_171] {strides = array<i32>} : memref<79x128xi32, #tpu.memory_space<vmem>>, vector<16xi32>,
      %mul3A_173 = arith.constant 16 : i32
      %mul3A_174 = arith.muli %select_n3A_168, %mul3A_173 : i32
      %get3A_175 = arith.index_cast %select_n3A : i32 to index
      %get3A_176 = arith.index_cast %mul3A_174 : i32 to index
      %get3A_177 = tpu.vector_load %arg11[%get3A_175, %get3A_176] {strides = array<i32>} : memref<79x128xi32, #tpu.memory_space<vmem>>, vector<16xi32>,
      %gather3A = tpu.vector_load_idx %arg8[%get3A_172] : memref<10240xf32, #tpu.memory_space<vmem>>[vector<16xi32>], vector<16xf32>,
      %gather3A_178 = tpu.vector_load_idx %arg9[%get3A_177] : memref<10240xf32, #tpu.memory_space<vmem>>[vector<16xi32>], vector<16xf32>,
      %add3A_179 = arith.addf %gather3A, %gather3A_178 : vector<16xf32>
      %gt3A = arith.constant 0.000000e+00 : f32
      %gt3A_180 = vector.broadcast %gt3A : f32 to vector<16xf32>
      %gt3A_181 = arith.cmpf ogt, %add3A_179, %gt3A_180 : vector<16xf32>
      %mul3A_182 = arith.constant 2.000000e-01 : f32
      %mul3A_183 = vector.broadcast %mul3A_182 : f32 to vector<16xf32>
      %mul3A_184 = arith.mulf %mul3A_183, %add3A_179 : vector<16xf32>
      %select_n3A_185 = arith.select %gt3A_181, %add3A_179, %mul3A_184 : vector<16xi1>, vector<16xf32>
      %exp3A = math.exp %select_n3A_185 : vector<16xf32>
      %mul3A_186 = arith.constant 16 : i32
      %mul3A_187 = arith.muli %select_n3A_168, %mul3A_186 : i32
      %swap3A = arith.index_cast %select_n3A : i32 to index
      %swap3A_188 = arith.index_cast %mul3A_187 : i32 to index
      %swap3A_189 = tpu.vector_load %arg12[%swap3A, %swap3A_188] {strides = array<i32>} : memref<79x128xf32, #tpu.memory_space<vmem>>, vector<16xf32>,
      tpu.vector_store %arg12[%swap3A, %swap3A_188], %exp3A {strides = array<i32>} : memref<79x128xf32, #tpu.memory_space<vmem>>, vector<16xf32>,
      tpu.vector_store_idx %arg13[%get3A_172], %exp3A {add = true} : memref<10240xf32, #tpu.memory_space<vmem>>[vector<16xi32>], vector<16xf32>,
      %scan3A_190 = arith.constant 0 : i32
      scf.yield %scan3A_190 : i32
    }
    %scan3A_14 = arith.constant 632 : i32
    "tpu.region"() ({
      %run_scoped3A_137 = tpu.sem_alloc : memref<!tpu.dma_semaphore, #tpu.memory_space<semaphore_mem>>
      %dma_start3A = arith.constant 0 : i32
      %dma_start3A_138 = arith.constant 0 : i32
      %dma_start3A_139 = tpu.memref_slice %arg6[%add3A, %dma_start3A, %dma_start3A_138] : memref<32x79x128xf32, #tpu.memory_space<hbm>> -> memref<1x79x128xf32, #tpu.memory_space<hbm>>
      %dma_start3A_140 = tpu.memref_squeeze %dma_start3A_139 : memref<1x79x128xf32, #tpu.memory_space<hbm>> -> memref<79x128xf32, #tpu.memory_space<hbm>>
      %dma_start3A_141 = arith.constant 0 : i32
      %dma_start3A_142 = arith.constant 0 : i32
      %dma_start3A_143 = tpu.memref_slice %arg6[%add3A, %dma_start3A_141, %dma_start3A_142] : memref<32x79x128xf32, #tpu.memory_space<hbm>> -> memref<1x79x128xf32, #tpu.memory_space<hbm>>
      %dma_start3A_144 = tpu.memref_squeeze %dma_start3A_143 : memref<1x79x128xf32, #tpu.memory_space<hbm>> -> memref<79x128xf32, #tpu.memory_space<hbm>>
      tpu.enqueue_dma source(%arg12 : memref<79x128xf32, #tpu.memory_space<vmem>>) target(%dma_start3A_144 : memref<79x128xf32, #tpu.memory_space<hbm>>) target_semaphore(%run_scoped3A_137 : memref<!tpu.dma_semaphore, #tpu.memory_space<semaphore_mem>>)
      %dma_wait3A = arith.constant 0 : i32
      %dma_wait3A_145 = arith.constant 0 : i32
      %dma_wait3A_146 = tpu.memref_slice %arg6[%add3A, %dma_wait3A, %dma_wait3A_145] : memref<32x79x128xf32, #tpu.memory_space<hbm>> -> memref<1x79x128xf32, #tpu.memory_space<hbm>>
      %dma_wait3A_147 = tpu.memref_squeeze %dma_wait3A_146 : memref<1x79x128xf32, #tpu.memory_space<hbm>> -> memref<79x128xf32, #tpu.memory_space<hbm>>
      %dma_wait3A_148 = arith.constant 0 : i32
      %dma_wait3A_149 = arith.constant 0 : i32
      %dma_wait3A_150 = tpu.memref_slice %arg6[%add3A, %dma_wait3A_148, %dma_wait3A_149] : memref<32x79x128xf32, #tpu.memory_space<hbm>> -> memref<1x79x128xf32, #tpu.memory_space<hbm>>
      %dma_wait3A_151 = tpu.memref_squeeze %dma_wait3A_150 : memref<1x79x128xf32, #tpu.memory_space<hbm>> -> memref<79x128xf32, #tpu.memory_space<hbm>>
      tpu.wait_dma2 semaphore(%run_scoped3A_137 : memref<!tpu.dma_semaphore, #tpu.memory_space<semaphore_mem>>) src(%arg12 : memref<79x128xf32, #tpu.memory_space<vmem>>) dst(%dma_wait3A_151 : memref<79x128xf32, #tpu.memory_space<hbm>>)
      tpu.yield
    }) : () -> ()
    "tpu.region"() ({
      %run_scoped3A_137 = tpu.sem_alloc : memref<!tpu.dma_semaphore, #tpu.memory_space<semaphore_mem>>
      %dma_start3A = arith.constant 0 : i32
      %dma_start3A_138 = tpu.memref_slice %arg15[%arg1, %dma_start3A] : memref<16x10240xf32, #tpu.memory_space<vmem_shared>> -> memref<1x10240xf32, #tpu.memory_space<vmem_shared>>
      %dma_start3A_139 = tpu.memref_squeeze %dma_start3A_138 : memref<1x10240xf32, #tpu.memory_space<vmem_shared>> -> memref<10240xf32, #tpu.memory_space<vmem_shared>>
      %dma_start3A_140 = arith.constant 0 : i32
      %dma_start3A_141 = tpu.memref_slice %arg15[%arg1, %dma_start3A_140] : memref<16x10240xf32, #tpu.memory_space<vmem_shared>> -> memref<1x10240xf32, #tpu.memory_space<vmem_shared>>
      %dma_start3A_142 = tpu.memref_squeeze %dma_start3A_141 : memref<1x10240xf32, #tpu.memory_space<vmem_shared>> -> memref<10240xf32, #tpu.memory_space<vmem_shared>>
      tpu.enqueue_dma source(%arg13 : memref<10240xf32, #tpu.memory_space<vmem>>) target(%dma_start3A_142 : memref<10240xf32, #tpu.memory_space<vmem_shared>>) target_semaphore(%run_scoped3A_137 : memref<!tpu.dma_semaphore, #tpu.memory_space<semaphore_mem>>)
      %dma_wait3A = arith.constant 0 : i32
      %dma_wait3A_143 = tpu.memref_slice %arg15[%arg1, %dma_wait3A] : memref<16x10240xf32, #tpu.memory_space<vmem_shared>> -> memref<1x10240xf32, #tpu.memory_space<vmem_shared>>
      %dma_wait3A_144 = tpu.memref_squeeze %dma_wait3A_143 : memref<1x10240xf32, #tpu.memory_space<vmem_shared>> -> memref<10240xf32, #tpu.memory_space<vmem_shared>>
      %dma_wait3A_145 = arith.constant 0 : i32
      %dma_wait3A_146 = tpu.memref_slice %arg15[%arg1, %dma_wait3A_145] : memref<16x10240xf32, #tpu.memory_space<vmem_shared>> -> memref<1x10240xf32, #tpu.memory_space<vmem_shared>>
      %dma_wait3A_147 = tpu.memref_squeeze %dma_wait3A_146 : memref<1x10240xf32, #tpu.memory_space<vmem_shared>> -> memref<10240xf32, #tpu.memory_space<vmem_shared>>
      tpu.wait_dma2 semaphore(%run_scoped3A_137 : memref<!tpu.dma_semaphore, #tpu.memory_space<semaphore_mem>>) src(%arg13 : memref<10240xf32, #tpu.memory_space<vmem>>) dst(%dma_wait3A_147 : memref<10240xf32, #tpu.memory_space<vmem_shared>>)
      tpu.yield
    }) : () -> ()
    %barrier3A = arith.constant 0 : index
    tpu.barrier barrier_id(%barrier3A)
    %mul3A_15 = arith.constant 640 : i32
    %mul3A_16 = arith.muli %arg1, %mul3A_15 : i32
    %run_scoped3A = arith.constant 0 : i32
    "tpu.region"() ({
      %run_scoped3A_137 = tpu.sem_alloc : memref<!tpu.dma_semaphore, #tpu.memory_space<semaphore_mem>>
      %dma_start3A = arith.constant 0 : i32
      %dma_start3A_138 = tpu.memref_slice %arg14[%dma_start3A] : memref<10240xf32, #tpu.memory_space<vmem>> -> memref<640xf32, #tpu.memory_space<vmem>>
      %dma_start3A_139 = tpu.memref_slice %arg15[%run_scoped3A, %mul3A_16] : memref<16x10240xf32, #tpu.memory_space<vmem_shared>> -> memref<1x640xf32, #tpu.memory_space<vmem_shared>>
      %dma_start3A_140 = tpu.memref_squeeze %dma_start3A_139 : memref<1x640xf32, #tpu.memory_space<vmem_shared>> -> memref<640xf32, #tpu.memory_space<vmem_shared>>
      %dma_start3A_141 = arith.constant 0 : i32
      %dma_start3A_142 = tpu.memref_slice %arg14[%dma_start3A_141] : memref<10240xf32, #tpu.memory_space<vmem>> -> memref<640xf32, #tpu.memory_space<vmem>>
      %dma_start3A_143 = tpu.memref_slice %arg15[%run_scoped3A, %mul3A_16] : memref<16x10240xf32, #tpu.memory_space<vmem_shared>> -> memref<1x640xf32, #tpu.memory_space<vmem_shared>>
      %dma_start3A_144 = tpu.memref_squeeze %dma_start3A_143 : memref<1x640xf32, #tpu.memory_space<vmem_shared>> -> memref<640xf32, #tpu.memory_space<vmem_shared>>
      tpu.enqueue_dma source(%dma_start3A_144 : memref<640xf32, #tpu.memory_space<vmem_shared>>) target(%dma_start3A_142 : memref<640xf32, #tpu.memory_space<vmem>>) target_semaphore(%run_scoped3A_137 : memref<!tpu.dma_semaphore, #tpu.memory_space<semaphore_mem>>)
      %dma_wait3A = arith.constant 0 : i32
      %dma_wait3A_145 = tpu.memref_slice %arg14[%dma_wait3A] : memref<10240xf32, #tpu.memory_space<vmem>> -> memref<640xf32, #tpu.memory_space<vmem>>
      %dma_wait3A_146 = tpu.memref_slice %arg15[%run_scoped3A, %mul3A_16] : memref<16x10240xf32, #tpu.memory_space<vmem_shared>> -> memref<1x640xf32, #tpu.memory_space<vmem_shared>>
      %dma_wait3A_147 = tpu.memref_squeeze %dma_wait3A_146 : memref<1x640xf32, #tpu.memory_space<vmem_shared>> -> memref<640xf32, #tpu.memory_space<vmem_shared>>
      %dma_wait3A_148 = arith.constant 0 : i32
      %dma_wait3A_149 = tpu.memref_slice %arg14[%dma_wait3A_148] : memref<10240xf32, #tpu.memory_space<vmem>> -> memref<640xf32, #tpu.memory_space<vmem>>
      %dma_wait3A_150 = tpu.memref_slice %arg15[%run_scoped3A, %mul3A_16] : memref<16x10240xf32, #tpu.memory_space<vmem_shared>> -> memref<1x640xf32, #tpu.memory_space<vmem_shared>>
      %dma_wait3A_151 = tpu.memref_squeeze %dma_wait3A_150 : memref<1x640xf32, #tpu.memory_space<vmem_shared>> -> memref<640xf32, #tpu.memory_space<vmem_shared>>
      tpu.wait_dma2 semaphore(%run_scoped3A_137 : memref<!tpu.dma_semaphore, #tpu.memory_space<semaphore_mem>>) src(%dma_wait3A_151 : memref<640xf32, #tpu.memory_space<vmem_shared>>) dst(%dma_wait3A_149 : memref<640xf32, #tpu.memory_space<vmem>>)
      tpu.yield
    }) : () -> ()
    %run_scoped3A_17 = arith.constant 1 : i32
    "tpu.region"() ({
      %run_scoped3A_137 = tpu.sem_alloc : memref<!tpu.dma_semaphore, #tpu.memory_space<semaphore_mem>>
      %dma_start3A = arith.constant 0 : i32
      %dma_start3A_138 = tpu.memref_slice %arg13[%dma_start3A] : memref<10240xf32, #tpu.memory_space<vmem>> -> memref<640xf32, #tpu.memory_space<vmem>>
      %dma_start3A_139 = tpu.memref_slice %arg15[%run_scoped3A_17, %mul3A_16] : memref<16x10240xf32, #tpu.memory_space<vmem_shared>> -> memref<1x640xf32, #tpu.memory_space<vmem_shared>>
      %dma_start3A_140 = tpu.memref_squeeze %dma_start3A_139 : memref<1x640xf32, #tpu.memory_space<vmem_shared>> -> memref<640xf32, #tpu.memory_space<vmem_shared>>
      %dma_start3A_141 = arith.constant 0 : i32
      %dma_start3A_142 = tpu.memref_slice %arg13[%dma_start3A_141] : memref<10240xf32, #tpu.memory_space<vmem>> -> memref<640xf32, #tpu.memory_space<vmem>>
      %dma_start3A_143 = tpu.memref_slice %arg15[%run_scoped3A_17, %mul3A_16] : memref<16x10240xf32, #tpu.memory_space<vmem_shared>> -> memref<1x640xf32, #tpu.memory_space<vmem_shared>>
      %dma_start3A_144 = tpu.memref_squeeze %dma_start3A_143 : memref<1x640xf32, #tpu.memory_space<vmem_shared>> -> memref<640xf32, #tpu.memory_space<vmem_shared>>
      tpu.enqueue_dma source(%dma_start3A_144 : memref<640xf32, #tpu.memory_space<vmem_shared>>) target(%dma_start3A_142 : memref<640xf32, #tpu.memory_space<vmem>>) target_semaphore(%run_scoped3A_137 : memref<!tpu.dma_semaphore, #tpu.memory_space<semaphore_mem>>)
      %dma_wait3A = arith.constant 0 : i32
      %dma_wait3A_145 = tpu.memref_slice %arg13[%dma_wait3A] : memref<10240xf32, #tpu.memory_space<vmem>> -> memref<640xf32, #tpu.memory_space<vmem>>
      %dma_wait3A_146 = tpu.memref_slice %arg15[%run_scoped3A_17, %mul3A_16] : memref<16x10240xf32, #tpu.memory_space<vmem_shared>> -> memref<1x640xf32, #tpu.memory_space<vmem_shared>>
      %dma_wait3A_147 = tpu.memref_squeeze %dma_wait3A_146 : memref<1x640xf32, #tpu.memory_space<vmem_shared>> -> memref<640xf32, #tpu.memory_space<vmem_shared>>
      %dma_wait3A_148 = arith.constant 0 : i32
      %dma_wait3A_149 = tpu.memref_slice %arg13[%dma_wait3A_148] : memref<10240xf32, #tpu.memory_space<vmem>> -> memref<640xf32, #tpu.memory_space<vmem>>
      %dma_wait3A_150 = tpu.memref_slice %arg15[%run_scoped3A_17, %mul3A_16] : memref<16x10240xf32, #tpu.memory_space<vmem_shared>> -> memref<1x640xf32, #tpu.memory_space<vmem_shared>>
      %dma_wait3A_151 = tpu.memref_squeeze %dma_wait3A_150 : memref<1x640xf32, #tpu.memory_space<vmem_shared>> -> memref<640xf32, #tpu.memory_space<vmem_shared>>
      tpu.wait_dma2 semaphore(%run_scoped3A_137 : memref<!tpu.dma_semaphore, #tpu.memory_space<semaphore_mem>>) src(%dma_wait3A_151 : memref<640xf32, #tpu.memory_space<vmem_shared>>) dst(%dma_wait3A_149 : memref<640xf32, #tpu.memory_space<vmem>>)
      tpu.yield
    }) : () -> ()
    %scan3A_18 = arith.constant 0 : i32
    %scan3A_19 = arith.constant 0 : i32
    %scan3A_20 = arith.constant 40 : i32
    %scan3A_21 = arith.addi %scan3A_19, %scan3A_20 : i32
    %scan3A_22 = arith.constant 1 : i32
    %scan3A_23 = scf.for %scan3A_137 = %scan3A_19 to %scan3A_21 step %scan3A_22 iter_args(%scan3A_138 = %scan3A_18) -> (i32)  : i32 {
      %mul3A_139 = arith.constant 16 : i32
      %mul3A_140 = arith.muli %scan3A_137, %mul3A_139 : i32
      %get3A = arith.index_cast %mul3A_140 : i32 to index
      %get3A_141 = tpu.vector_load %arg14[%get3A] {strides = array<i32>} : memref<10240xf32, #tpu.memory_space<vmem>>, vector<16xf32>,
      %get3A_142 = arith.index_cast %mul3A_140 : i32 to index
      %get3A_143 = tpu.vector_load %arg13[%get3A_142] {strides = array<i32>} : memref<10240xf32, #tpu.memory_space<vmem>>, vector<16xf32>,
      %add3A_144 = arith.addf %get3A_141, %get3A_143 : vector<16xf32>
      %swap3A = arith.index_cast %mul3A_140 : i32 to index
      %swap3A_145 = tpu.vector_load %arg14[%swap3A] {strides = array<i32>} : memref<10240xf32, #tpu.memory_space<vmem>>, vector<16xf32>,
      tpu.vector_store %arg14[%swap3A], %add3A_144 {strides = array<i32>} : memref<10240xf32, #tpu.memory_space<vmem>>, vector<16xf32>,
      %scan3A_146 = arith.constant 0 : i32
      scf.yield %scan3A_146 : i32
    }
    %scan3A_24 = arith.constant 40 : i32
    %run_scoped3A_25 = arith.constant 2 : i32
    "tpu.region"() ({
      %run_scoped3A_137 = tpu.sem_alloc : memref<!tpu.dma_semaphore, #tpu.memory_space<semaphore_mem>>
      %dma_start3A = arith.constant 0 : i32
      %dma_start3A_138 = tpu.memref_slice %arg13[%dma_start3A] : memref<10240xf32, #tpu.memory_space<vmem>> -> memref<640xf32, #tpu.memory_space<vmem>>
      %dma_start3A_139 = tpu.memref_slice %arg15[%run_scoped3A_25, %mul3A_16] : memref<16x10240xf32, #tpu.memory_space<vmem_shared>> -> memref<1x640xf32, #tpu.memory_space<vmem_shared>>
      %dma_start3A_140 = tpu.memref_squeeze %dma_start3A_139 : memref<1x640xf32, #tpu.memory_space<vmem_shared>> -> memref<640xf32, #tpu.memory_space<vmem_shared>>
      %dma_start3A_141 = arith.constant 0 : i32
      %dma_start3A_142 = tpu.memref_slice %arg13[%dma_start3A_141] : memref<10240xf32, #tpu.memory_space<vmem>> -> memref<640xf32, #tpu.memory_space<vmem>>
      %dma_start3A_143 = tpu.memref_slice %arg15[%run_scoped3A_25, %mul3A_16] : memref<16x10240xf32, #tpu.memory_space<vmem_shared>> -> memref<1x640xf32, #tpu.memory_space<vmem_shared>>
      %dma_start3A_144 = tpu.memref_squeeze %dma_start3A_143 : memref<1x640xf32, #tpu.memory_space<vmem_shared>> -> memref<640xf32, #tpu.memory_space<vmem_shared>>
      tpu.enqueue_dma source(%dma_start3A_144 : memref<640xf32, #tpu.memory_space<vmem_shared>>) target(%dma_start3A_142 : memref<640xf32, #tpu.memory_space<vmem>>) target_semaphore(%run_scoped3A_137 : memref<!tpu.dma_semaphore, #tpu.memory_space<semaphore_mem>>)
      %dma_wait3A = arith.constant 0 : i32
      %dma_wait3A_145 = tpu.memref_slice %arg13[%dma_wait3A] : memref<10240xf32, #tpu.memory_space<vmem>> -> memref<640xf32, #tpu.memory_space<vmem>>
      %dma_wait3A_146 = tpu.memref_slice %arg15[%run_scoped3A_25, %mul3A_16] : memref<16x10240xf32, #tpu.memory_space<vmem_shared>> -> memref<1x640xf32, #tpu.memory_space<vmem_shared>>
      %dma_wait3A_147 = tpu.memref_squeeze %dma_wait3A_146 : memref<1x640xf32, #tpu.memory_space<vmem_shared>> -> memref<640xf32, #tpu.memory_space<vmem_shared>>
      %dma_wait3A_148 = arith.constant 0 : i32
      %dma_wait3A_149 = tpu.memref_slice %arg13[%dma_wait3A_148] : memref<10240xf32, #tpu.memory_space<vmem>> -> memref<640xf32, #tpu.memory_space<vmem>>
      %dma_wait3A_150 = tpu.memref_slice %arg15[%run_scoped3A_25, %mul3A_16] : memref<16x10240xf32, #tpu.memory_space<vmem_shared>> -> memref<1x640xf32, #tpu.memory_space<vmem_shared>>
      %dma_wait3A_151 = tpu.memref_squeeze %dma_wait3A_150 : memref<1x640xf32, #tpu.memory_space<vmem_shared>> -> memref<640xf32, #tpu.memory_space<vmem_shared>>
      tpu.wait_dma2 semaphore(%run_scoped3A_137 : memref<!tpu.dma_semaphore, #tpu.memory_space<semaphore_mem>>) src(%dma_wait3A_151 : memref<640xf32, #tpu.memory_space<vmem_shared>>) dst(%dma_wait3A_149 : memref<640xf32, #tpu.memory_space<vmem>>)
      tpu.yield
    }) : () -> ()
    %scan3A_26 = arith.constant 0 : i32
    %scan3A_27 = arith.constant 0 : i32
    %scan3A_28 = arith.constant 40 : i32
    %scan3A_29 = arith.addi %scan3A_27, %scan3A_28 : i32
    %scan3A_30 = arith.constant 1 : i32
    %scan3A_31 = scf.for %scan3A_137 = %scan3A_27 to %scan3A_29 step %scan3A_30 iter_args(%scan3A_138 = %scan3A_26) -> (i32)  : i32 {
      %mul3A_139 = arith.constant 16 : i32
      %mul3A_140 = arith.muli %scan3A_137, %mul3A_139 : i32
      %get3A = arith.index_cast %mul3A_140 : i32 to index
      %get3A_141 = tpu.vector_load %arg14[%get3A] {strides = array<i32>} : memref<10240xf32, #tpu.memory_space<vmem>>, vector<16xf32>,
      %get3A_142 = arith.index_cast %mul3A_140 : i32 to index
      %get3A_143 = tpu.vector_load %arg13[%get3A_142] {strides = array<i32>} : memref<10240xf32, #tpu.memory_space<vmem>>, vector<16xf32>,
      %add3A_144 = arith.addf %get3A_141, %get3A_143 : vector<16xf32>
      %swap3A = arith.index_cast %mul3A_140 : i32 to index
      %swap3A_145 = tpu.vector_load %arg14[%swap3A] {strides = array<i32>} : memref<10240xf32, #tpu.memory_space<vmem>>, vector<16xf32>,
      tpu.vector_store %arg14[%swap3A], %add3A_144 {strides = array<i32>} : memref<10240xf32, #tpu.memory_space<vmem>>, vector<16xf32>,
      %scan3A_146 = arith.constant 0 : i32
      scf.yield %scan3A_146 : i32
    }
    %scan3A_32 = arith.constant 40 : i32
    %run_scoped3A_33 = arith.constant 3 : i32
    "tpu.region"() ({
      %run_scoped3A_137 = tpu.sem_alloc : memref<!tpu.dma_semaphore, #tpu.memory_space<semaphore_mem>>
      %dma_start3A = arith.constant 0 : i32
      %dma_start3A_138 = tpu.memref_slice %arg13[%dma_start3A] : memref<10240xf32, #tpu.memory_space<vmem>> -> memref<640xf32, #tpu.memory_space<vmem>>
      %dma_start3A_139 = tpu.memref_slice %arg15[%run_scoped3A_33, %mul3A_16] : memref<16x10240xf32, #tpu.memory_space<vmem_shared>> -> memref<1x640xf32, #tpu.memory_space<vmem_shared>>
      %dma_start3A_140 = tpu.memref_squeeze %dma_start3A_139 : memref<1x640xf32, #tpu.memory_space<vmem_shared>> -> memref<640xf32, #tpu.memory_space<vmem_shared>>
      %dma_start3A_141 = arith.constant 0 : i32
      %dma_start3A_142 = tpu.memref_slice %arg13[%dma_start3A_141] : memref<10240xf32, #tpu.memory_space<vmem>> -> memref<640xf32, #tpu.memory_space<vmem>>
      %dma_start3A_143 = tpu.memref_slice %arg15[%run_scoped3A_33, %mul3A_16] : memref<16x10240xf32, #tpu.memory_space<vmem_shared>> -> memref<1x640xf32, #tpu.memory_space<vmem_shared>>
      %dma_start3A_144 = tpu.memref_squeeze %dma_start3A_143 : memref<1x640xf32, #tpu.memory_space<vmem_shared>> -> memref<640xf32, #tpu.memory_space<vmem_shared>>
      tpu.enqueue_dma source(%dma_start3A_144 : memref<640xf32, #tpu.memory_space<vmem_shared>>) target(%dma_start3A_142 : memref<640xf32, #tpu.memory_space<vmem>>) target_semaphore(%run_scoped3A_137 : memref<!tpu.dma_semaphore, #tpu.memory_space<semaphore_mem>>)
      %dma_wait3A = arith.constant 0 : i32
      %dma_wait3A_145 = tpu.memref_slice %arg13[%dma_wait3A] : memref<10240xf32, #tpu.memory_space<vmem>> -> memref<640xf32, #tpu.memory_space<vmem>>
      %dma_wait3A_146 = tpu.memref_slice %arg15[%run_scoped3A_33, %mul3A_16] : memref<16x10240xf32, #tpu.memory_space<vmem_shared>> -> memref<1x640xf32, #tpu.memory_space<vmem_shared>>
      %dma_wait3A_147 = tpu.memref_squeeze %dma_wait3A_146 : memref<1x640xf32, #tpu.memory_space<vmem_shared>> -> memref<640xf32, #tpu.memory_space<vmem_shared>>
      %dma_wait3A_148 = arith.constant 0 : i32
      %dma_wait3A_149 = tpu.memref_slice %arg13[%dma_wait3A_148] : memref<10240xf32, #tpu.memory_space<vmem>> -> memref<640xf32, #tpu.memory_space<vmem>>
      %dma_wait3A_150 = tpu.memref_slice %arg15[%run_scoped3A_33, %mul3A_16] : memref<16x10240xf32, #tpu.memory_space<vmem_shared>> -> memref<1x640xf32, #tpu.memory_space<vmem_shared>>
      %dma_wait3A_151 = tpu.memref_squeeze %dma_wait3A_150 : memref<1x640xf32, #tpu.memory_space<vmem_shared>> -> memref<640xf32, #tpu.memory_space<vmem_shared>>
      tpu.wait_dma2 semaphore(%run_scoped3A_137 : memref<!tpu.dma_semaphore, #tpu.memory_space<semaphore_mem>>) src(%dma_wait3A_151 : memref<640xf32, #tpu.memory_space<vmem_shared>>) dst(%dma_wait3A_149 : memref<640xf32, #tpu.memory_space<vmem>>)
      tpu.yield
    }) : () -> ()
    %scan3A_34 = arith.constant 0 : i32
    %scan3A_35 = arith.constant 0 : i32
    %scan3A_36 = arith.constant 40 : i32
    %scan3A_37 = arith.addi %scan3A_35, %scan3A_36 : i32
    %scan3A_38 = arith.constant 1 : i32
    %scan3A_39 = scf.for %scan3A_137 = %scan3A_35 to %scan3A_37 step %scan3A_38 iter_args(%scan3A_138 = %scan3A_34) -> (i32)  : i32 {
      %mul3A_139 = arith.constant 16 : i32
      %mul3A_140 = arith.muli %scan3A_137, %mul3A_139 : i32
      %get3A = arith.index_cast %mul3A_140 : i32 to index
      %get3A_141 = tpu.vector_load %arg14[%get3A] {strides = array<i32>} : memref<10240xf32, #tpu.memory_space<vmem>>, vector<16xf32>,
      %get3A_142 = arith.index_cast %mul3A_140 : i32 to index
      %get3A_143 = tpu.vector_load %arg13[%get3A_142] {strides = array<i32>} : memref<10240xf32, #tpu.memory_space<vmem>>, vector<16xf32>,
      %add3A_144 = arith.addf %get3A_141, %get3A_143 : vector<16xf32>
      %swap3A = arith.index_cast %mul3A_140 : i32 to index
      %swap3A_145 = tpu.vector_load %arg14[%swap3A] {strides = array<i32>} : memref<10240xf32, #tpu.memory_space<vmem>>, vector<16xf32>,
      tpu.vector_store %arg14[%swap3A], %add3A_144 {strides = array<i32>} : memref<10240xf32, #tpu.memory_space<vmem>>, vector<16xf32>,
      %scan3A_146 = arith.constant 0 : i32
      scf.yield %scan3A_146 : i32
    }
    %scan3A_40 = arith.constant 40 : i32
    %run_scoped3A_41 = arith.constant 4 : i32
    "tpu.region"() ({
      %run_scoped3A_137 = tpu.sem_alloc : memref<!tpu.dma_semaphore, #tpu.memory_space<semaphore_mem>>
      %dma_start3A = arith.constant 0 : i32
      %dma_start3A_138 = tpu.memref_slice %arg13[%dma_start3A] : memref<10240xf32, #tpu.memory_space<vmem>> -> memref<640xf32, #tpu.memory_space<vmem>>
      %dma_start3A_139 = tpu.memref_slice %arg15[%run_scoped3A_41, %mul3A_16] : memref<16x10240xf32, #tpu.memory_space<vmem_shared>> -> memref<1x640xf32, #tpu.memory_space<vmem_shared>>
      %dma_start3A_140 = tpu.memref_squeeze %dma_start3A_139 : memref<1x640xf32, #tpu.memory_space<vmem_shared>> -> memref<640xf32, #tpu.memory_space<vmem_shared>>
      %dma_start3A_141 = arith.constant 0 : i32
      %dma_start3A_142 = tpu.memref_slice %arg13[%dma_start3A_141] : memref<10240xf32, #tpu.memory_space<vmem>> -> memref<640xf32, #tpu.memory_space<vmem>>
      %dma_start3A_143 = tpu.memref_slice %arg15[%run_scoped3A_41, %mul3A_16] : memref<16x10240xf32, #tpu.memory_space<vmem_shared>> -> memref<1x640xf32, #tpu.memory_space<vmem_shared>>
      %dma_start3A_144 = tpu.memref_squeeze %dma_start3A_143 : memref<1x640xf32, #tpu.memory_space<vmem_shared>> -> memref<640xf32, #tpu.memory_space<vmem_shared>>
      tpu.enqueue_dma source(%dma_start3A_144 : memref<640xf32, #tpu.memory_space<vmem_shared>>) target(%dma_start3A_142 : memref<640xf32, #tpu.memory_space<vmem>>) target_semaphore(%run_scoped3A_137 : memref<!tpu.dma_semaphore, #tpu.memory_space<semaphore_mem>>)
      %dma_wait3A = arith.constant 0 : i32
      %dma_wait3A_145 = tpu.memref_slice %arg13[%dma_wait3A] : memref<10240xf32, #tpu.memory_space<vmem>> -> memref<640xf32, #tpu.memory_space<vmem>>
      %dma_wait3A_146 = tpu.memref_slice %arg15[%run_scoped3A_41, %mul3A_16] : memref<16x10240xf32, #tpu.memory_space<vmem_shared>> -> memref<1x640xf32, #tpu.memory_space<vmem_shared>>
      %dma_wait3A_147 = tpu.memref_squeeze %dma_wait3A_146 : memref<1x640xf32, #tpu.memory_space<vmem_shared>> -> memref<640xf32, #tpu.memory_space<vmem_shared>>
      %dma_wait3A_148 = arith.constant 0 : i32
      %dma_wait3A_149 = tpu.memref_slice %arg13[%dma_wait3A_148] : memref<10240xf32, #tpu.memory_space<vmem>> -> memref<640xf32, #tpu.memory_space<vmem>>
      %dma_wait3A_150 = tpu.memref_slice %arg15[%run_scoped3A_41, %mul3A_16] : memref<16x10240xf32, #tpu.memory_space<vmem_shared>> -> memref<1x640xf32, #tpu.memory_space<vmem_shared>>
      %dma_wait3A_151 = tpu.memref_squeeze %dma_wait3A_150 : memref<1x640xf32, #tpu.memory_space<vmem_shared>> -> memref<640xf32, #tpu.memory_space<vmem_shared>>
      tpu.wait_dma2 semaphore(%run_scoped3A_137 : memref<!tpu.dma_semaphore, #tpu.memory_space<semaphore_mem>>) src(%dma_wait3A_151 : memref<640xf32, #tpu.memory_space<vmem_shared>>) dst(%dma_wait3A_149 : memref<640xf32, #tpu.memory_space<vmem>>)
      tpu.yield
    }) : () -> ()
    %scan3A_42 = arith.constant 0 : i32
    %scan3A_43 = arith.constant 0 : i32
    %scan3A_44 = arith.constant 40 : i32
    %scan3A_45 = arith.addi %scan3A_43, %scan3A_44 : i32
    %scan3A_46 = arith.constant 1 : i32
    %scan3A_47 = scf.for %scan3A_137 = %scan3A_43 to %scan3A_45 step %scan3A_46 iter_args(%scan3A_138 = %scan3A_42) -> (i32)  : i32 {
      %mul3A_139 = arith.constant 16 : i32
      %mul3A_140 = arith.muli %scan3A_137, %mul3A_139 : i32
      %get3A = arith.index_cast %mul3A_140 : i32 to index
      %get3A_141 = tpu.vector_load %arg14[%get3A] {strides = array<i32>} : memref<10240xf32, #tpu.memory_space<vmem>>, vector<16xf32>,
      %get3A_142 = arith.index_cast %mul3A_140 : i32 to index
      %get3A_143 = tpu.vector_load %arg13[%get3A_142] {strides = array<i32>} : memref<10240xf32, #tpu.memory_space<vmem>>, vector<16xf32>,
      %add3A_144 = arith.addf %get3A_141, %get3A_143 : vector<16xf32>
      %swap3A = arith.index_cast %mul3A_140 : i32 to index
      %swap3A_145 = tpu.vector_load %arg14[%swap3A] {strides = array<i32>} : memref<10240xf32, #tpu.memory_space<vmem>>, vector<16xf32>,
      tpu.vector_store %arg14[%swap3A], %add3A_144 {strides = array<i32>} : memref<10240xf32, #tpu.memory_space<vmem>>, vector<16xf32>,
      %scan3A_146 = arith.constant 0 : i32
      scf.yield %scan3A_146 : i32
    }
    %scan3A_48 = arith.constant 40 : i32
    %run_scoped3A_49 = arith.constant 5 : i32
    "tpu.region"() ({
      %run_scoped3A_137 = tpu.sem_alloc : memref<!tpu.dma_semaphore, #tpu.memory_space<semaphore_mem>>
      %dma_start3A = arith.constant 0 : i32
      %dma_start3A_138 = tpu.memref_slice %arg13[%dma_start3A] : memref<10240xf32, #tpu.memory_space<vmem>> -> memref<640xf32, #tpu.memory_space<vmem>>
      %dma_start3A_139 = tpu.memref_slice %arg15[%run_scoped3A_49, %mul3A_16] : memref<16x10240xf32, #tpu.memory_space<vmem_shared>> -> memref<1x640xf32, #tpu.memory_space<vmem_shared>>
      %dma_start3A_140 = tpu.memref_squeeze %dma_start3A_139 : memref<1x640xf32, #tpu.memory_space<vmem_shared>> -> memref<640xf32, #tpu.memory_space<vmem_shared>>
      %dma_start3A_141 = arith.constant 0 : i32
      %dma_start3A_142 = tpu.memref_slice %arg13[%dma_start3A_141] : memref<10240xf32, #tpu.memory_space<vmem>> -> memref<640xf32, #tpu.memory_space<vmem>>
      %dma_start3A_143 = tpu.memref_slice %arg15[%run_scoped3A_49, %mul3A_16] : memref<16x10240xf32, #tpu.memory_space<vmem_shared>> -> memref<1x640xf32, #tpu.memory_space<vmem_shared>>
      %dma_start3A_144 = tpu.memref_squeeze %dma_start3A_143 : memref<1x640xf32, #tpu.memory_space<vmem_shared>> -> memref<640xf32, #tpu.memory_space<vmem_shared>>
      tpu.enqueue_dma source(%dma_start3A_144 : memref<640xf32, #tpu.memory_space<vmem_shared>>) target(%dma_start3A_142 : memref<640xf32, #tpu.memory_space<vmem>>) target_semaphore(%run_scoped3A_137 : memref<!tpu.dma_semaphore, #tpu.memory_space<semaphore_mem>>)
      %dma_wait3A = arith.constant 0 : i32
      %dma_wait3A_145 = tpu.memref_slice %arg13[%dma_wait3A] : memref<10240xf32, #tpu.memory_space<vmem>> -> memref<640xf32, #tpu.memory_space<vmem>>
      %dma_wait3A_146 = tpu.memref_slice %arg15[%run_scoped3A_49, %mul3A_16] : memref<16x10240xf32, #tpu.memory_space<vmem_shared>> -> memref<1x640xf32, #tpu.memory_space<vmem_shared>>
      %dma_wait3A_147 = tpu.memref_squeeze %dma_wait3A_146 : memref<1x640xf32, #tpu.memory_space<vmem_shared>> -> memref<640xf32, #tpu.memory_space<vmem_shared>>
      %dma_wait3A_148 = arith.constant 0 : i32
      %dma_wait3A_149 = tpu.memref_slice %arg13[%dma_wait3A_148] : memref<10240xf32, #tpu.memory_space<vmem>> -> memref<640xf32, #tpu.memory_space<vmem>>
      %dma_wait3A_150 = tpu.memref_slice %arg15[%run_scoped3A_49, %mul3A_16] : memref<16x10240xf32, #tpu.memory_space<vmem_shared>> -> memref<1x640xf32, #tpu.memory_space<vmem_shared>>
      %dma_wait3A_151 = tpu.memref_squeeze %dma_wait3A_150 : memref<1x640xf32, #tpu.memory_space<vmem_shared>> -> memref<640xf32, #tpu.memory_space<vmem_shared>>
      tpu.wait_dma2 semaphore(%run_scoped3A_137 : memref<!tpu.dma_semaphore, #tpu.memory_space<semaphore_mem>>) src(%dma_wait3A_151 : memref<640xf32, #tpu.memory_space<vmem_shared>>) dst(%dma_wait3A_149 : memref<640xf32, #tpu.memory_space<vmem>>)
      tpu.yield
    }) : () -> ()
    %scan3A_50 = arith.constant 0 : i32
    %scan3A_51 = arith.constant 0 : i32
    %scan3A_52 = arith.constant 40 : i32
    %scan3A_53 = arith.addi %scan3A_51, %scan3A_52 : i32
    %scan3A_54 = arith.constant 1 : i32
    %scan3A_55 = scf.for %scan3A_137 = %scan3A_51 to %scan3A_53 step %scan3A_54 iter_args(%scan3A_138 = %scan3A_50) -> (i32)  : i32 {
      %mul3A_139 = arith.constant 16 : i32
      %mul3A_140 = arith.muli %scan3A_137, %mul3A_139 : i32
      %get3A = arith.index_cast %mul3A_140 : i32 to index
      %get3A_141 = tpu.vector_load %arg14[%get3A] {strides = array<i32>} : memref<10240xf32, #tpu.memory_space<vmem>>, vector<16xf32>,
      %get3A_142 = arith.index_cast %mul3A_140 : i32 to index
      %get3A_143 = tpu.vector_load %arg13[%get3A_142] {strides = array<i32>} : memref<10240xf32, #tpu.memory_space<vmem>>, vector<16xf32>,
      %add3A_144 = arith.addf %get3A_141, %get3A_143 : vector<16xf32>
      %swap3A = arith.index_cast %mul3A_140 : i32 to index
      %swap3A_145 = tpu.vector_load %arg14[%swap3A] {strides = array<i32>} : memref<10240xf32, #tpu.memory_space<vmem>>, vector<16xf32>,
      tpu.vector_store %arg14[%swap3A], %add3A_144 {strides = array<i32>} : memref<10240xf32, #tpu.memory_space<vmem>>, vector<16xf32>,
      %scan3A_146 = arith.constant 0 : i32
      scf.yield %scan3A_146 : i32
    }
    %scan3A_56 = arith.constant 40 : i32
    %run_scoped3A_57 = arith.constant 6 : i32
    "tpu.region"() ({
      %run_scoped3A_137 = tpu.sem_alloc : memref<!tpu.dma_semaphore, #tpu.memory_space<semaphore_mem>>
      %dma_start3A = arith.constant 0 : i32
      %dma_start3A_138 = tpu.memref_slice %arg13[%dma_start3A] : memref<10240xf32, #tpu.memory_space<vmem>> -> memref<640xf32, #tpu.memory_space<vmem>>
      %dma_start3A_139 = tpu.memref_slice %arg15[%run_scoped3A_57, %mul3A_16] : memref<16x10240xf32, #tpu.memory_space<vmem_shared>> -> memref<1x640xf32, #tpu.memory_space<vmem_shared>>
      %dma_start3A_140 = tpu.memref_squeeze %dma_start3A_139 : memref<1x640xf32, #tpu.memory_space<vmem_shared>> -> memref<640xf32, #tpu.memory_space<vmem_shared>>
      %dma_start3A_141 = arith.constant 0 : i32
      %dma_start3A_142 = tpu.memref_slice %arg13[%dma_start3A_141] : memref<10240xf32, #tpu.memory_space<vmem>> -> memref<640xf32, #tpu.memory_space<vmem>>
      %dma_start3A_143 = tpu.memref_slice %arg15[%run_scoped3A_57, %mul3A_16] : memref<16x10240xf32, #tpu.memory_space<vmem_shared>> -> memref<1x640xf32, #tpu.memory_space<vmem_shared>>
      %dma_start3A_144 = tpu.memref_squeeze %dma_start3A_143 : memref<1x640xf32, #tpu.memory_space<vmem_shared>> -> memref<640xf32, #tpu.memory_space<vmem_shared>>
      tpu.enqueue_dma source(%dma_start3A_144 : memref<640xf32, #tpu.memory_space<vmem_shared>>) target(%dma_start3A_142 : memref<640xf32, #tpu.memory_space<vmem>>) target_semaphore(%run_scoped3A_137 : memref<!tpu.dma_semaphore, #tpu.memory_space<semaphore_mem>>)
      %dma_wait3A = arith.constant 0 : i32
      %dma_wait3A_145 = tpu.memref_slice %arg13[%dma_wait3A] : memref<10240xf32, #tpu.memory_space<vmem>> -> memref<640xf32, #tpu.memory_space<vmem>>
      %dma_wait3A_146 = tpu.memref_slice %arg15[%run_scoped3A_57, %mul3A_16] : memref<16x10240xf32, #tpu.memory_space<vmem_shared>> -> memref<1x640xf32, #tpu.memory_space<vmem_shared>>
      %dma_wait3A_147 = tpu.memref_squeeze %dma_wait3A_146 : memref<1x640xf32, #tpu.memory_space<vmem_shared>> -> memref<640xf32, #tpu.memory_space<vmem_shared>>
      %dma_wait3A_148 = arith.constant 0 : i32
      %dma_wait3A_149 = tpu.memref_slice %arg13[%dma_wait3A_148] : memref<10240xf32, #tpu.memory_space<vmem>> -> memref<640xf32, #tpu.memory_space<vmem>>
      %dma_wait3A_150 = tpu.memref_slice %arg15[%run_scoped3A_57, %mul3A_16] : memref<16x10240xf32, #tpu.memory_space<vmem_shared>> -> memref<1x640xf32, #tpu.memory_space<vmem_shared>>
      %dma_wait3A_151 = tpu.memref_squeeze %dma_wait3A_150 : memref<1x640xf32, #tpu.memory_space<vmem_shared>> -> memref<640xf32, #tpu.memory_space<vmem_shared>>
      tpu.wait_dma2 semaphore(%run_scoped3A_137 : memref<!tpu.dma_semaphore, #tpu.memory_space<semaphore_mem>>) src(%dma_wait3A_151 : memref<640xf32, #tpu.memory_space<vmem_shared>>) dst(%dma_wait3A_149 : memref<640xf32, #tpu.memory_space<vmem>>)
      tpu.yield
    }) : () -> ()
    %scan3A_58 = arith.constant 0 : i32
    %scan3A_59 = arith.constant 0 : i32
    %scan3A_60 = arith.constant 40 : i32
    %scan3A_61 = arith.addi %scan3A_59, %scan3A_60 : i32
    %scan3A_62 = arith.constant 1 : i32
    %scan3A_63 = scf.for %scan3A_137 = %scan3A_59 to %scan3A_61 step %scan3A_62 iter_args(%scan3A_138 = %scan3A_58) -> (i32)  : i32 {
      %mul3A_139 = arith.constant 16 : i32
      %mul3A_140 = arith.muli %scan3A_137, %mul3A_139 : i32
      %get3A = arith.index_cast %mul3A_140 : i32 to index
      %get3A_141 = tpu.vector_load %arg14[%get3A] {strides = array<i32>} : memref<10240xf32, #tpu.memory_space<vmem>>, vector<16xf32>,
      %get3A_142 = arith.index_cast %mul3A_140 : i32 to index
      %get3A_143 = tpu.vector_load %arg13[%get3A_142] {strides = array<i32>} : memref<10240xf32, #tpu.memory_space<vmem>>, vector<16xf32>,
      %add3A_144 = arith.addf %get3A_141, %get3A_143 : vector<16xf32>
      %swap3A = arith.index_cast %mul3A_140 : i32 to index
      %swap3A_145 = tpu.vector_load %arg14[%swap3A] {strides = array<i32>} : memref<10240xf32, #tpu.memory_space<vmem>>, vector<16xf32>,
      tpu.vector_store %arg14[%swap3A], %add3A_144 {strides = array<i32>} : memref<10240xf32, #tpu.memory_space<vmem>>, vector<16xf32>,
      %scan3A_146 = arith.constant 0 : i32
      scf.yield %scan3A_146 : i32
    }
    %scan3A_64 = arith.constant 40 : i32
    %run_scoped3A_65 = arith.constant 7 : i32
    "tpu.region"() ({
      %run_scoped3A_137 = tpu.sem_alloc : memref<!tpu.dma_semaphore, #tpu.memory_space<semaphore_mem>>
      %dma_start3A = arith.constant 0 : i32
      %dma_start3A_138 = tpu.memref_slice %arg13[%dma_start3A] : memref<10240xf32, #tpu.memory_space<vmem>> -> memref<640xf32, #tpu.memory_space<vmem>>
      %dma_start3A_139 = tpu.memref_slice %arg15[%run_scoped3A_65, %mul3A_16] : memref<16x10240xf32, #tpu.memory_space<vmem_shared>> -> memref<1x640xf32, #tpu.memory_space<vmem_shared>>
      %dma_start3A_140 = tpu.memref_squeeze %dma_start3A_139 : memref<1x640xf32, #tpu.memory_space<vmem_shared>> -> memref<640xf32, #tpu.memory_space<vmem_shared>>
      %dma_start3A_141 = arith.constant 0 : i32
      %dma_start3A_142 = tpu.memref_slice %arg13[%dma_start3A_141] : memref<10240xf32, #tpu.memory_space<vmem>> -> memref<640xf32, #tpu.memory_space<vmem>>
      %dma_start3A_143 = tpu.memref_slice %arg15[%run_scoped3A_65, %mul3A_16] : memref<16x10240xf32, #tpu.memory_space<vmem_shared>> -> memref<1x640xf32, #tpu.memory_space<vmem_shared>>
      %dma_start3A_144 = tpu.memref_squeeze %dma_start3A_143 : memref<1x640xf32, #tpu.memory_space<vmem_shared>> -> memref<640xf32, #tpu.memory_space<vmem_shared>>
      tpu.enqueue_dma source(%dma_start3A_144 : memref<640xf32, #tpu.memory_space<vmem_shared>>) target(%dma_start3A_142 : memref<640xf32, #tpu.memory_space<vmem>>) target_semaphore(%run_scoped3A_137 : memref<!tpu.dma_semaphore, #tpu.memory_space<semaphore_mem>>)
      %dma_wait3A = arith.constant 0 : i32
      %dma_wait3A_145 = tpu.memref_slice %arg13[%dma_wait3A] : memref<10240xf32, #tpu.memory_space<vmem>> -> memref<640xf32, #tpu.memory_space<vmem>>
      %dma_wait3A_146 = tpu.memref_slice %arg15[%run_scoped3A_65, %mul3A_16] : memref<16x10240xf32, #tpu.memory_space<vmem_shared>> -> memref<1x640xf32, #tpu.memory_space<vmem_shared>>
      %dma_wait3A_147 = tpu.memref_squeeze %dma_wait3A_146 : memref<1x640xf32, #tpu.memory_space<vmem_shared>> -> memref<640xf32, #tpu.memory_space<vmem_shared>>
      %dma_wait3A_148 = arith.constant 0 : i32
      %dma_wait3A_149 = tpu.memref_slice %arg13[%dma_wait3A_148] : memref<10240xf32, #tpu.memory_space<vmem>> -> memref<640xf32, #tpu.memory_space<vmem>>
      %dma_wait3A_150 = tpu.memref_slice %arg15[%run_scoped3A_65, %mul3A_16] : memref<16x10240xf32, #tpu.memory_space<vmem_shared>> -> memref<1x640xf32, #tpu.memory_space<vmem_shared>>
      %dma_wait3A_151 = tpu.memref_squeeze %dma_wait3A_150 : memref<1x640xf32, #tpu.memory_space<vmem_shared>> -> memref<640xf32, #tpu.memory_space<vmem_shared>>
      tpu.wait_dma2 semaphore(%run_scoped3A_137 : memref<!tpu.dma_semaphore, #tpu.memory_space<semaphore_mem>>) src(%dma_wait3A_151 : memref<640xf32, #tpu.memory_space<vmem_shared>>) dst(%dma_wait3A_149 : memref<640xf32, #tpu.memory_space<vmem>>)
      tpu.yield
    }) : () -> ()
    %scan3A_66 = arith.constant 0 : i32
    %scan3A_67 = arith.constant 0 : i32
    %scan3A_68 = arith.constant 40 : i32
    %scan3A_69 = arith.addi %scan3A_67, %scan3A_68 : i32
    %scan3A_70 = arith.constant 1 : i32
    %scan3A_71 = scf.for %scan3A_137 = %scan3A_67 to %scan3A_69 step %scan3A_70 iter_args(%scan3A_138 = %scan3A_66) -> (i32)  : i32 {
      %mul3A_139 = arith.constant 16 : i32
      %mul3A_140 = arith.muli %scan3A_137, %mul3A_139 : i32
      %get3A = arith.index_cast %mul3A_140 : i32 to index
      %get3A_141 = tpu.vector_load %arg14[%get3A] {strides = array<i32>} : memref<10240xf32, #tpu.memory_space<vmem>>, vector<16xf32>,
      %get3A_142 = arith.index_cast %mul3A_140 : i32 to index
      %get3A_143 = tpu.vector_load %arg13[%get3A_142] {strides = array<i32>} : memref<10240xf32, #tpu.memory_space<vmem>>, vector<16xf32>,
      %add3A_144 = arith.addf %get3A_141, %get3A_143 : vector<16xf32>
      %swap3A = arith.index_cast %mul3A_140 : i32 to index
      %swap3A_145 = tpu.vector_load %arg14[%swap3A] {strides = array<i32>} : memref<10240xf32, #tpu.memory_space<vmem>>, vector<16xf32>,
      tpu.vector_store %arg14[%swap3A], %add3A_144 {strides = array<i32>} : memref<10240xf32, #tpu.memory_space<vmem>>, vector<16xf32>,
      %scan3A_146 = arith.constant 0 : i32
      scf.yield %scan3A_146 : i32
    }
    %scan3A_72 = arith.constant 40 : i32
    %run_scoped3A_73 = arith.constant 8 : i32
    "tpu.region"() ({
      %run_scoped3A_137 = tpu.sem_alloc : memref<!tpu.dma_semaphore, #tpu.memory_space<semaphore_mem>>
      %dma_start3A = arith.constant 0 : i32
      %dma_start3A_138 = tpu.memref_slice %arg13[%dma_start3A] : memref<10240xf32, #tpu.memory_space<vmem>> -> memref<640xf32, #tpu.memory_space<vmem>>
      %dma_start3A_139 = tpu.memref_slice %arg15[%run_scoped3A_73, %mul3A_16] : memref<16x10240xf32, #tpu.memory_space<vmem_shared>> -> memref<1x640xf32, #tpu.memory_space<vmem_shared>>
      %dma_start3A_140 = tpu.memref_squeeze %dma_start3A_139 : memref<1x640xf32, #tpu.memory_space<vmem_shared>> -> memref<640xf32, #tpu.memory_space<vmem_shared>>
      %dma_start3A_141 = arith.constant 0 : i32
      %dma_start3A_142 = tpu.memref_slice %arg13[%dma_start3A_141] : memref<10240xf32, #tpu.memory_space<vmem>> -> memref<640xf32, #tpu.memory_space<vmem>>
      %dma_start3A_143 = tpu.memref_slice %arg15[%run_scoped3A_73, %mul3A_16] : memref<16x10240xf32, #tpu.memory_space<vmem_shared>> -> memref<1x640xf32, #tpu.memory_space<vmem_shared>>
      %dma_start3A_144 = tpu.memref_squeeze %dma_start3A_143 : memref<1x640xf32, #tpu.memory_space<vmem_shared>> -> memref<640xf32, #tpu.memory_space<vmem_shared>>
      tpu.enqueue_dma source(%dma_start3A_144 : memref<640xf32, #tpu.memory_space<vmem_shared>>) target(%dma_start3A_142 : memref<640xf32, #tpu.memory_space<vmem>>) target_semaphore(%run_scoped3A_137 : memref<!tpu.dma_semaphore, #tpu.memory_space<semaphore_mem>>)
      %dma_wait3A = arith.constant 0 : i32
      %dma_wait3A_145 = tpu.memref_slice %arg13[%dma_wait3A] : memref<10240xf32, #tpu.memory_space<vmem>> -> memref<640xf32, #tpu.memory_space<vmem>>
      %dma_wait3A_146 = tpu.memref_slice %arg15[%run_scoped3A_73, %mul3A_16] : memref<16x10240xf32, #tpu.memory_space<vmem_shared>> -> memref<1x640xf32, #tpu.memory_space<vmem_shared>>
      %dma_wait3A_147 = tpu.memref_squeeze %dma_wait3A_146 : memref<1x640xf32, #tpu.memory_space<vmem_shared>> -> memref<640xf32, #tpu.memory_space<vmem_shared>>
      %dma_wait3A_148 = arith.constant 0 : i32
      %dma_wait3A_149 = tpu.memref_slice %arg13[%dma_wait3A_148] : memref<10240xf32, #tpu.memory_space<vmem>> -> memref<640xf32, #tpu.memory_space<vmem>>
      %dma_wait3A_150 = tpu.memref_slice %arg15[%run_scoped3A_73, %mul3A_16] : memref<16x10240xf32, #tpu.memory_space<vmem_shared>> -> memref<1x640xf32, #tpu.memory_space<vmem_shared>>
      %dma_wait3A_151 = tpu.memref_squeeze %dma_wait3A_150 : memref<1x640xf32, #tpu.memory_space<vmem_shared>> -> memref<640xf32, #tpu.memory_space<vmem_shared>>
      tpu.wait_dma2 semaphore(%run_scoped3A_137 : memref<!tpu.dma_semaphore, #tpu.memory_space<semaphore_mem>>) src(%dma_wait3A_151 : memref<640xf32, #tpu.memory_space<vmem_shared>>) dst(%dma_wait3A_149 : memref<640xf32, #tpu.memory_space<vmem>>)
      tpu.yield
    }) : () -> ()
    %scan3A_74 = arith.constant 0 : i32
    %scan3A_75 = arith.constant 0 : i32
    %scan3A_76 = arith.constant 40 : i32
    %scan3A_77 = arith.addi %scan3A_75, %scan3A_76 : i32
    %scan3A_78 = arith.constant 1 : i32
    %scan3A_79 = scf.for %scan3A_137 = %scan3A_75 to %scan3A_77 step %scan3A_78 iter_args(%scan3A_138 = %scan3A_74) -> (i32)  : i32 {
      %mul3A_139 = arith.constant 16 : i32
      %mul3A_140 = arith.muli %scan3A_137, %mul3A_139 : i32
      %get3A = arith.index_cast %mul3A_140 : i32 to index
      %get3A_141 = tpu.vector_load %arg14[%get3A] {strides = array<i32>} : memref<10240xf32, #tpu.memory_space<vmem>>, vector<16xf32>,
      %get3A_142 = arith.index_cast %mul3A_140 : i32 to index
      %get3A_143 = tpu.vector_load %arg13[%get3A_142] {strides = array<i32>} : memref<10240xf32, #tpu.memory_space<vmem>>, vector<16xf32>,
      %add3A_144 = arith.addf %get3A_141, %get3A_143 : vector<16xf32>
      %swap3A = arith.index_cast %mul3A_140 : i32 to index
      %swap3A_145 = tpu.vector_load %arg14[%swap3A] {strides = array<i32>} : memref<10240xf32, #tpu.memory_space<vmem>>, vector<16xf32>,
      tpu.vector_store %arg14[%swap3A], %add3A_144 {strides = array<i32>} : memref<10240xf32, #tpu.memory_space<vmem>>, vector<16xf32>,
      %scan3A_146 = arith.constant 0 : i32
      scf.yield %scan3A_146 : i32
    }
    %scan3A_80 = arith.constant 40 : i32
    %run_scoped3A_81 = arith.constant 9 : i32
    "tpu.region"() ({
      %run_scoped3A_137 = tpu.sem_alloc : memref<!tpu.dma_semaphore, #tpu.memory_space<semaphore_mem>>
      %dma_start3A = arith.constant 0 : i32
      %dma_start3A_138 = tpu.memref_slice %arg13[%dma_start3A] : memref<10240xf32, #tpu.memory_space<vmem>> -> memref<640xf32, #tpu.memory_space<vmem>>
      %dma_start3A_139 = tpu.memref_slice %arg15[%run_scoped3A_81, %mul3A_16] : memref<16x10240xf32, #tpu.memory_space<vmem_shared>> -> memref<1x640xf32, #tpu.memory_space<vmem_shared>>
      %dma_start3A_140 = tpu.memref_squeeze %dma_start3A_139 : memref<1x640xf32, #tpu.memory_space<vmem_shared>> -> memref<640xf32, #tpu.memory_space<vmem_shared>>
      %dma_start3A_141 = arith.constant 0 : i32
      %dma_start3A_142 = tpu.memref_slice %arg13[%dma_start3A_141] : memref<10240xf32, #tpu.memory_space<vmem>> -> memref<640xf32, #tpu.memory_space<vmem>>
      %dma_start3A_143 = tpu.memref_slice %arg15[%run_scoped3A_81, %mul3A_16] : memref<16x10240xf32, #tpu.memory_space<vmem_shared>> -> memref<1x640xf32, #tpu.memory_space<vmem_shared>>
      %dma_start3A_144 = tpu.memref_squeeze %dma_start3A_143 : memref<1x640xf32, #tpu.memory_space<vmem_shared>> -> memref<640xf32, #tpu.memory_space<vmem_shared>>
      tpu.enqueue_dma source(%dma_start3A_144 : memref<640xf32, #tpu.memory_space<vmem_shared>>) target(%dma_start3A_142 : memref<640xf32, #tpu.memory_space<vmem>>) target_semaphore(%run_scoped3A_137 : memref<!tpu.dma_semaphore, #tpu.memory_space<semaphore_mem>>)
      %dma_wait3A = arith.constant 0 : i32
      %dma_wait3A_145 = tpu.memref_slice %arg13[%dma_wait3A] : memref<10240xf32, #tpu.memory_space<vmem>> -> memref<640xf32, #tpu.memory_space<vmem>>
      %dma_wait3A_146 = tpu.memref_slice %arg15[%run_scoped3A_81, %mul3A_16] : memref<16x10240xf32, #tpu.memory_space<vmem_shared>> -> memref<1x640xf32, #tpu.memory_space<vmem_shared>>
      %dma_wait3A_147 = tpu.memref_squeeze %dma_wait3A_146 : memref<1x640xf32, #tpu.memory_space<vmem_shared>> -> memref<640xf32, #tpu.memory_space<vmem_shared>>
      %dma_wait3A_148 = arith.constant 0 : i32
      %dma_wait3A_149 = tpu.memref_slice %arg13[%dma_wait3A_148] : memref<10240xf32, #tpu.memory_space<vmem>> -> memref<640xf32, #tpu.memory_space<vmem>>
      %dma_wait3A_150 = tpu.memref_slice %arg15[%run_scoped3A_81, %mul3A_16] : memref<16x10240xf32, #tpu.memory_space<vmem_shared>> -> memref<1x640xf32, #tpu.memory_space<vmem_shared>>
      %dma_wait3A_151 = tpu.memref_squeeze %dma_wait3A_150 : memref<1x640xf32, #tpu.memory_space<vmem_shared>> -> memref<640xf32, #tpu.memory_space<vmem_shared>>
      tpu.wait_dma2 semaphore(%run_scoped3A_137 : memref<!tpu.dma_semaphore, #tpu.memory_space<semaphore_mem>>) src(%dma_wait3A_151 : memref<640xf32, #tpu.memory_space<vmem_shared>>) dst(%dma_wait3A_149 : memref<640xf32, #tpu.memory_space<vmem>>)
      tpu.yield
    }) : () -> ()
    %scan3A_82 = arith.constant 0 : i32
    %scan3A_83 = arith.constant 0 : i32
    %scan3A_84 = arith.constant 40 : i32
    %scan3A_85 = arith.addi %scan3A_83, %scan3A_84 : i32
    %scan3A_86 = arith.constant 1 : i32
    %scan3A_87 = scf.for %scan3A_137 = %scan3A_83 to %scan3A_85 step %scan3A_86 iter_args(%scan3A_138 = %scan3A_82) -> (i32)  : i32 {
      %mul3A_139 = arith.constant 16 : i32
      %mul3A_140 = arith.muli %scan3A_137, %mul3A_139 : i32
      %get3A = arith.index_cast %mul3A_140 : i32 to index
      %get3A_141 = tpu.vector_load %arg14[%get3A] {strides = array<i32>} : memref<10240xf32, #tpu.memory_space<vmem>>, vector<16xf32>,
      %get3A_142 = arith.index_cast %mul3A_140 : i32 to index
      %get3A_143 = tpu.vector_load %arg13[%get3A_142] {strides = array<i32>} : memref<10240xf32, #tpu.memory_space<vmem>>, vector<16xf32>,
      %add3A_144 = arith.addf %get3A_141, %get3A_143 : vector<16xf32>
      %swap3A = arith.index_cast %mul3A_140 : i32 to index
      %swap3A_145 = tpu.vector_load %arg14[%swap3A] {strides = array<i32>} : memref<10240xf32, #tpu.memory_space<vmem>>, vector<16xf32>,
      tpu.vector_store %arg14[%swap3A], %add3A_144 {strides = array<i32>} : memref<10240xf32, #tpu.memory_space<vmem>>, vector<16xf32>,
      %scan3A_146 = arith.constant 0 : i32
      scf.yield %scan3A_146 : i32
    }
    %scan3A_88 = arith.constant 40 : i32
    %run_scoped3A_89 = arith.constant 10 : i32
    "tpu.region"() ({
      %run_scoped3A_137 = tpu.sem_alloc : memref<!tpu.dma_semaphore, #tpu.memory_space<semaphore_mem>>
      %dma_start3A = arith.constant 0 : i32
      %dma_start3A_138 = tpu.memref_slice %arg13[%dma_start3A] : memref<10240xf32, #tpu.memory_space<vmem>> -> memref<640xf32, #tpu.memory_space<vmem>>
      %dma_start3A_139 = tpu.memref_slice %arg15[%run_scoped3A_89, %mul3A_16] : memref<16x10240xf32, #tpu.memory_space<vmem_shared>> -> memref<1x640xf32, #tpu.memory_space<vmem_shared>>
      %dma_start3A_140 = tpu.memref_squeeze %dma_start3A_139 : memref<1x640xf32, #tpu.memory_space<vmem_shared>> -> memref<640xf32, #tpu.memory_space<vmem_shared>>
      %dma_start3A_141 = arith.constant 0 : i32
      %dma_start3A_142 = tpu.memref_slice %arg13[%dma_start3A_141] : memref<10240xf32, #tpu.memory_space<vmem>> -> memref<640xf32, #tpu.memory_space<vmem>>
      %dma_start3A_143 = tpu.memref_slice %arg15[%run_scoped3A_89, %mul3A_16] : memref<16x10240xf32, #tpu.memory_space<vmem_shared>> -> memref<1x640xf32, #tpu.memory_space<vmem_shared>>
      %dma_start3A_144 = tpu.memref_squeeze %dma_start3A_143 : memref<1x640xf32, #tpu.memory_space<vmem_shared>> -> memref<640xf32, #tpu.memory_space<vmem_shared>>
      tpu.enqueue_dma source(%dma_start3A_144 : memref<640xf32, #tpu.memory_space<vmem_shared>>) target(%dma_start3A_142 : memref<640xf32, #tpu.memory_space<vmem>>) target_semaphore(%run_scoped3A_137 : memref<!tpu.dma_semaphore, #tpu.memory_space<semaphore_mem>>)
      %dma_wait3A = arith.constant 0 : i32
      %dma_wait3A_145 = tpu.memref_slice %arg13[%dma_wait3A] : memref<10240xf32, #tpu.memory_space<vmem>> -> memref<640xf32, #tpu.memory_space<vmem>>
      %dma_wait3A_146 = tpu.memref_slice %arg15[%run_scoped3A_89, %mul3A_16] : memref<16x10240xf32, #tpu.memory_space<vmem_shared>> -> memref<1x640xf32, #tpu.memory_space<vmem_shared>>
      %dma_wait3A_147 = tpu.memref_squeeze %dma_wait3A_146 : memref<1x640xf32, #tpu.memory_space<vmem_shared>> -> memref<640xf32, #tpu.memory_space<vmem_shared>>
      %dma_wait3A_148 = arith.constant 0 : i32
      %dma_wait3A_149 = tpu.memref_slice %arg13[%dma_wait3A_148] : memref<10240xf32, #tpu.memory_space<vmem>> -> memref<640xf32, #tpu.memory_space<vmem>>
      %dma_wait3A_150 = tpu.memref_slice %arg15[%run_scoped3A_89, %mul3A_16] : memref<16x10240xf32, #tpu.memory_space<vmem_shared>> -> memref<1x640xf32, #tpu.memory_space<vmem_shared>>
      %dma_wait3A_151 = tpu.memref_squeeze %dma_wait3A_150 : memref<1x640xf32, #tpu.memory_space<vmem_shared>> -> memref<640xf32, #tpu.memory_space<vmem_shared>>
      tpu.wait_dma2 semaphore(%run_scoped3A_137 : memref<!tpu.dma_semaphore, #tpu.memory_space<semaphore_mem>>) src(%dma_wait3A_151 : memref<640xf32, #tpu.memory_space<vmem_shared>>) dst(%dma_wait3A_149 : memref<640xf32, #tpu.memory_space<vmem>>)
      tpu.yield
    }) : () -> ()
    %scan3A_90 = arith.constant 0 : i32
    %scan3A_91 = arith.constant 0 : i32
    %scan3A_92 = arith.constant 40 : i32
    %scan3A_93 = arith.addi %scan3A_91, %scan3A_92 : i32
    %scan3A_94 = arith.constant 1 : i32
    %scan3A_95 = scf.for %scan3A_137 = %scan3A_91 to %scan3A_93 step %scan3A_94 iter_args(%scan3A_138 = %scan3A_90) -> (i32)  : i32 {
      %mul3A_139 = arith.constant 16 : i32
      %mul3A_140 = arith.muli %scan3A_137, %mul3A_139 : i32
      %get3A = arith.index_cast %mul3A_140 : i32 to index
      %get3A_141 = tpu.vector_load %arg14[%get3A] {strides = array<i32>} : memref<10240xf32, #tpu.memory_space<vmem>>, vector<16xf32>,
      %get3A_142 = arith.index_cast %mul3A_140 : i32 to index
      %get3A_143 = tpu.vector_load %arg13[%get3A_142] {strides = array<i32>} : memref<10240xf32, #tpu.memory_space<vmem>>, vector<16xf32>,
      %add3A_144 = arith.addf %get3A_141, %get3A_143 : vector<16xf32>
      %swap3A = arith.index_cast %mul3A_140 : i32 to index
      %swap3A_145 = tpu.vector_load %arg14[%swap3A] {strides = array<i32>} : memref<10240xf32, #tpu.memory_space<vmem>>, vector<16xf32>,
      tpu.vector_store %arg14[%swap3A], %add3A_144 {strides = array<i32>} : memref<10240xf32, #tpu.memory_space<vmem>>, vector<16xf32>,
      %scan3A_146 = arith.constant 0 : i32
      scf.yield %scan3A_146 : i32
    }
    %scan3A_96 = arith.constant 40 : i32
    %run_scoped3A_97 = arith.constant 11 : i32
    "tpu.region"() ({
      %run_scoped3A_137 = tpu.sem_alloc : memref<!tpu.dma_semaphore, #tpu.memory_space<semaphore_mem>>
      %dma_start3A = arith.constant 0 : i32
      %dma_start3A_138 = tpu.memref_slice %arg13[%dma_start3A] : memref<10240xf32, #tpu.memory_space<vmem>> -> memref<640xf32, #tpu.memory_space<vmem>>
      %dma_start3A_139 = tpu.memref_slice %arg15[%run_scoped3A_97, %mul3A_16] : memref<16x10240xf32, #tpu.memory_space<vmem_shared>> -> memref<1x640xf32, #tpu.memory_space<vmem_shared>>
      %dma_start3A_140 = tpu.memref_squeeze %dma_start3A_139 : memref<1x640xf32, #tpu.memory_space<vmem_shared>> -> memref<640xf32, #tpu.memory_space<vmem_shared>>
      %dma_start3A_141 = arith.constant 0 : i32
      %dma_start3A_142 = tpu.memref_slice %arg13[%dma_start3A_141] : memref<10240xf32, #tpu.memory_space<vmem>> -> memref<640xf32, #tpu.memory_space<vmem>>
      %dma_start3A_143 = tpu.memref_slice %arg15[%run_scoped3A_97, %mul3A_16] : memref<16x10240xf32, #tpu.memory_space<vmem_shared>> -> memref<1x640xf32, #tpu.memory_space<vmem_shared>>
      %dma_start3A_144 = tpu.memref_squeeze %dma_start3A_143 : memref<1x640xf32, #tpu.memory_space<vmem_shared>> -> memref<640xf32, #tpu.memory_space<vmem_shared>>
      tpu.enqueue_dma source(%dma_start3A_144 : memref<640xf32, #tpu.memory_space<vmem_shared>>) target(%dma_start3A_142 : memref<640xf32, #tpu.memory_space<vmem>>) target_semaphore(%run_scoped3A_137 : memref<!tpu.dma_semaphore, #tpu.memory_space<semaphore_mem>>)
      %dma_wait3A = arith.constant 0 : i32
      %dma_wait3A_145 = tpu.memref_slice %arg13[%dma_wait3A] : memref<10240xf32, #tpu.memory_space<vmem>> -> memref<640xf32, #tpu.memory_space<vmem>>
      %dma_wait3A_146 = tpu.memref_slice %arg15[%run_scoped3A_97, %mul3A_16] : memref<16x10240xf32, #tpu.memory_space<vmem_shared>> -> memref<1x640xf32, #tpu.memory_space<vmem_shared>>
      %dma_wait3A_147 = tpu.memref_squeeze %dma_wait3A_146 : memref<1x640xf32, #tpu.memory_space<vmem_shared>> -> memref<640xf32, #tpu.memory_space<vmem_shared>>
      %dma_wait3A_148 = arith.constant 0 : i32
      %dma_wait3A_149 = tpu.memref_slice %arg13[%dma_wait3A_148] : memref<10240xf32, #tpu.memory_space<vmem>> -> memref<640xf32, #tpu.memory_space<vmem>>
      %dma_wait3A_150 = tpu.memref_slice %arg15[%run_scoped3A_97, %mul3A_16] : memref<16x10240xf32, #tpu.memory_space<vmem_shared>> -> memref<1x640xf32, #tpu.memory_space<vmem_shared>>
      %dma_wait3A_151 = tpu.memref_squeeze %dma_wait3A_150 : memref<1x640xf32, #tpu.memory_space<vmem_shared>> -> memref<640xf32, #tpu.memory_space<vmem_shared>>
      tpu.wait_dma2 semaphore(%run_scoped3A_137 : memref<!tpu.dma_semaphore, #tpu.memory_space<semaphore_mem>>) src(%dma_wait3A_151 : memref<640xf32, #tpu.memory_space<vmem_shared>>) dst(%dma_wait3A_149 : memref<640xf32, #tpu.memory_space<vmem>>)
      tpu.yield
    }) : () -> ()
    %scan3A_98 = arith.constant 0 : i32
    %scan3A_99 = arith.constant 0 : i32
    %scan3A_100 = arith.constant 40 : i32
    %scan3A_101 = arith.addi %scan3A_99, %scan3A_100 : i32
    %scan3A_102 = arith.constant 1 : i32
    %scan3A_103 = scf.for %scan3A_137 = %scan3A_99 to %scan3A_101 step %scan3A_102 iter_args(%scan3A_138 = %scan3A_98) -> (i32)  : i32 {
      %mul3A_139 = arith.constant 16 : i32
      %mul3A_140 = arith.muli %scan3A_137, %mul3A_139 : i32
      %get3A = arith.index_cast %mul3A_140 : i32 to index
      %get3A_141 = tpu.vector_load %arg14[%get3A] {strides = array<i32>} : memref<10240xf32, #tpu.memory_space<vmem>>, vector<16xf32>,
      %get3A_142 = arith.index_cast %mul3A_140 : i32 to index
      %get3A_143 = tpu.vector_load %arg13[%get3A_142] {strides = array<i32>} : memref<10240xf32, #tpu.memory_space<vmem>>, vector<16xf32>,
      %add3A_144 = arith.addf %get3A_141, %get3A_143 : vector<16xf32>
      %swap3A = arith.index_cast %mul3A_140 : i32 to index
      %swap3A_145 = tpu.vector_load %arg14[%swap3A] {strides = array<i32>} : memref<10240xf32, #tpu.memory_space<vmem>>, vector<16xf32>,
      tpu.vector_store %arg14[%swap3A], %add3A_144 {strides = array<i32>} : memref<10240xf32, #tpu.memory_space<vmem>>, vector<16xf32>,
      %scan3A_146 = arith.constant 0 : i32
      scf.yield %scan3A_146 : i32
    }
    %scan3A_104 = arith.constant 40 : i32
    %run_scoped3A_105 = arith.constant 12 : i32
    "tpu.region"() ({
      %run_scoped3A_137 = tpu.sem_alloc : memref<!tpu.dma_semaphore, #tpu.memory_space<semaphore_mem>>
      %dma_start3A = arith.constant 0 : i32
      %dma_start3A_138 = tpu.memref_slice %arg13[%dma_start3A] : memref<10240xf32, #tpu.memory_space<vmem>> -> memref<640xf32, #tpu.memory_space<vmem>>
      %dma_start3A_139 = tpu.memref_slice %arg15[%run_scoped3A_105, %mul3A_16] : memref<16x10240xf32, #tpu.memory_space<vmem_shared>> -> memref<1x640xf32, #tpu.memory_space<vmem_shared>>
      %dma_start3A_140 = tpu.memref_squeeze %dma_start3A_139 : memref<1x640xf32, #tpu.memory_space<vmem_shared>> -> memref<640xf32, #tpu.memory_space<vmem_shared>>
      %dma_start3A_141 = arith.constant 0 : i32
      %dma_start3A_142 = tpu.memref_slice %arg13[%dma_start3A_141] : memref<10240xf32, #tpu.memory_space<vmem>> -> memref<640xf32, #tpu.memory_space<vmem>>
      %dma_start3A_143 = tpu.memref_slice %arg15[%run_scoped3A_105, %mul3A_16] : memref<16x10240xf32, #tpu.memory_space<vmem_shared>> -> memref<1x640xf32, #tpu.memory_space<vmem_shared>>
      %dma_start3A_144 = tpu.memref_squeeze %dma_start3A_143 : memref<1x640xf32, #tpu.memory_space<vmem_shared>> -> memref<640xf32, #tpu.memory_space<vmem_shared>>
      tpu.enqueue_dma source(%dma_start3A_144 : memref<640xf32, #tpu.memory_space<vmem_shared>>) target(%dma_start3A_142 : memref<640xf32, #tpu.memory_space<vmem>>) target_semaphore(%run_scoped3A_137 : memref<!tpu.dma_semaphore, #tpu.memory_space<semaphore_mem>>)
      %dma_wait3A = arith.constant 0 : i32
      %dma_wait3A_145 = tpu.memref_slice %arg13[%dma_wait3A] : memref<10240xf32, #tpu.memory_space<vmem>> -> memref<640xf32, #tpu.memory_space<vmem>>
      %dma_wait3A_146 = tpu.memref_slice %arg15[%run_scoped3A_105, %mul3A_16] : memref<16x10240xf32, #tpu.memory_space<vmem_shared>> -> memref<1x640xf32, #tpu.memory_space<vmem_shared>>
      %dma_wait3A_147 = tpu.memref_squeeze %dma_wait3A_146 : memref<1x640xf32, #tpu.memory_space<vmem_shared>> -> memref<640xf32, #tpu.memory_space<vmem_shared>>
      %dma_wait3A_148 = arith.constant 0 : i32
      %dma_wait3A_149 = tpu.memref_slice %arg13[%dma_wait3A_148] : memref<10240xf32, #tpu.memory_space<vmem>> -> memref<640xf32, #tpu.memory_space<vmem>>
      %dma_wait3A_150 = tpu.memref_slice %arg15[%run_scoped3A_105, %mul3A_16] : memref<16x10240xf32, #tpu.memory_space<vmem_shared>> -> memref<1x640xf32, #tpu.memory_space<vmem_shared>>
      %dma_wait3A_151 = tpu.memref_squeeze %dma_wait3A_150 : memref<1x640xf32, #tpu.memory_space<vmem_shared>> -> memref<640xf32, #tpu.memory_space<vmem_shared>>
      tpu.wait_dma2 semaphore(%run_scoped3A_137 : memref<!tpu.dma_semaphore, #tpu.memory_space<semaphore_mem>>) src(%dma_wait3A_151 : memref<640xf32, #tpu.memory_space<vmem_shared>>) dst(%dma_wait3A_149 : memref<640xf32, #tpu.memory_space<vmem>>)
      tpu.yield
    }) : () -> ()
    %scan3A_106 = arith.constant 0 : i32
    %scan3A_107 = arith.constant 0 : i32
    %scan3A_108 = arith.constant 40 : i32
    %scan3A_109 = arith.addi %scan3A_107, %scan3A_108 : i32
    %scan3A_110 = arith.constant 1 : i32
    %scan3A_111 = scf.for %scan3A_137 = %scan3A_107 to %scan3A_109 step %scan3A_110 iter_args(%scan3A_138 = %scan3A_106) -> (i32)  : i32 {
      %mul3A_139 = arith.constant 16 : i32
      %mul3A_140 = arith.muli %scan3A_137, %mul3A_139 : i32
      %get3A = arith.index_cast %mul3A_140 : i32 to index
      %get3A_141 = tpu.vector_load %arg14[%get3A] {strides = array<i32>} : memref<10240xf32, #tpu.memory_space<vmem>>, vector<16xf32>,
      %get3A_142 = arith.index_cast %mul3A_140 : i32 to index
      %get3A_143 = tpu.vector_load %arg13[%get3A_142] {strides = array<i32>} : memref<10240xf32, #tpu.memory_space<vmem>>, vector<16xf32>,
      %add3A_144 = arith.addf %get3A_141, %get3A_143 : vector<16xf32>
      %swap3A = arith.index_cast %mul3A_140 : i32 to index
      %swap3A_145 = tpu.vector_load %arg14[%swap3A] {strides = array<i32>} : memref<10240xf32, #tpu.memory_space<vmem>>, vector<16xf32>,
      tpu.vector_store %arg14[%swap3A], %add3A_144 {strides = array<i32>} : memref<10240xf32, #tpu.memory_space<vmem>>, vector<16xf32>,
      %scan3A_146 = arith.constant 0 : i32
      scf.yield %scan3A_146 : i32
    }
    %scan3A_112 = arith.constant 40 : i32
    %run_scoped3A_113 = arith.constant 13 : i32
    "tpu.region"() ({
      %run_scoped3A_137 = tpu.sem_alloc : memref<!tpu.dma_semaphore, #tpu.memory_space<semaphore_mem>>
      %dma_start3A = arith.constant 0 : i32
      %dma_start3A_138 = tpu.memref_slice %arg13[%dma_start3A] : memref<10240xf32, #tpu.memory_space<vmem>> -> memref<640xf32, #tpu.memory_space<vmem>>
      %dma_start3A_139 = tpu.memref_slice %arg15[%run_scoped3A_113, %mul3A_16] : memref<16x10240xf32, #tpu.memory_space<vmem_shared>> -> memref<1x640xf32, #tpu.memory_space<vmem_shared>>
      %dma_start3A_140 = tpu.memref_squeeze %dma_start3A_139 : memref<1x640xf32, #tpu.memory_space<vmem_shared>> -> memref<640xf32, #tpu.memory_space<vmem_shared>>
      %dma_start3A_141 = arith.constant 0 : i32
      %dma_start3A_142 = tpu.memref_slice %arg13[%dma_start3A_141] : memref<10240xf32, #tpu.memory_space<vmem>> -> memref<640xf32, #tpu.memory_space<vmem>>
      %dma_start3A_143 = tpu.memref_slice %arg15[%run_scoped3A_113, %mul3A_16] : memref<16x10240xf32, #tpu.memory_space<vmem_shared>> -> memref<1x640xf32, #tpu.memory_space<vmem_shared>>
      %dma_start3A_144 = tpu.memref_squeeze %dma_start3A_143 : memref<1x640xf32, #tpu.memory_space<vmem_shared>> -> memref<640xf32, #tpu.memory_space<vmem_shared>>
      tpu.enqueue_dma source(%dma_start3A_144 : memref<640xf32, #tpu.memory_space<vmem_shared>>) target(%dma_start3A_142 : memref<640xf32, #tpu.memory_space<vmem>>) target_semaphore(%run_scoped3A_137 : memref<!tpu.dma_semaphore, #tpu.memory_space<semaphore_mem>>)
      %dma_wait3A = arith.constant 0 : i32
      %dma_wait3A_145 = tpu.memref_slice %arg13[%dma_wait3A] : memref<10240xf32, #tpu.memory_space<vmem>> -> memref<640xf32, #tpu.memory_space<vmem>>
      %dma_wait3A_146 = tpu.memref_slice %arg15[%run_scoped3A_113, %mul3A_16] : memref<16x10240xf32, #tpu.memory_space<vmem_shared>> -> memref<1x640xf32, #tpu.memory_space<vmem_shared>>
      %dma_wait3A_147 = tpu.memref_squeeze %dma_wait3A_146 : memref<1x640xf32, #tpu.memory_space<vmem_shared>> -> memref<640xf32, #tpu.memory_space<vmem_shared>>
      %dma_wait3A_148 = arith.constant 0 : i32
      %dma_wait3A_149 = tpu.memref_slice %arg13[%dma_wait3A_148] : memref<10240xf32, #tpu.memory_space<vmem>> -> memref<640xf32, #tpu.memory_space<vmem>>
      %dma_wait3A_150 = tpu.memref_slice %arg15[%run_scoped3A_113, %mul3A_16] : memref<16x10240xf32, #tpu.memory_space<vmem_shared>> -> memref<1x640xf32, #tpu.memory_space<vmem_shared>>
      %dma_wait3A_151 = tpu.memref_squeeze %dma_wait3A_150 : memref<1x640xf32, #tpu.memory_space<vmem_shared>> -> memref<640xf32, #tpu.memory_space<vmem_shared>>
      tpu.wait_dma2 semaphore(%run_scoped3A_137 : memref<!tpu.dma_semaphore, #tpu.memory_space<semaphore_mem>>) src(%dma_wait3A_151 : memref<640xf32, #tpu.memory_space<vmem_shared>>) dst(%dma_wait3A_149 : memref<640xf32, #tpu.memory_space<vmem>>)
      tpu.yield
    }) : () -> ()
    %scan3A_114 = arith.constant 0 : i32
    %scan3A_115 = arith.constant 0 : i32
    %scan3A_116 = arith.constant 40 : i32
    %scan3A_117 = arith.addi %scan3A_115, %scan3A_116 : i32
    %scan3A_118 = arith.constant 1 : i32
    %scan3A_119 = scf.for %scan3A_137 = %scan3A_115 to %scan3A_117 step %scan3A_118 iter_args(%scan3A_138 = %scan3A_114) -> (i32)  : i32 {
      %mul3A_139 = arith.constant 16 : i32
      %mul3A_140 = arith.muli %scan3A_137, %mul3A_139 : i32
      %get3A = arith.index_cast %mul3A_140 : i32 to index
      %get3A_141 = tpu.vector_load %arg14[%get3A] {strides = array<i32>} : memref<10240xf32, #tpu.memory_space<vmem>>, vector<16xf32>,
      %get3A_142 = arith.index_cast %mul3A_140 : i32 to index
      %get3A_143 = tpu.vector_load %arg13[%get3A_142] {strides = array<i32>} : memref<10240xf32, #tpu.memory_space<vmem>>, vector<16xf32>,
      %add3A_144 = arith.addf %get3A_141, %get3A_143 : vector<16xf32>
      %swap3A = arith.index_cast %mul3A_140 : i32 to index
      %swap3A_145 = tpu.vector_load %arg14[%swap3A] {strides = array<i32>} : memref<10240xf32, #tpu.memory_space<vmem>>, vector<16xf32>,
      tpu.vector_store %arg14[%swap3A], %add3A_144 {strides = array<i32>} : memref<10240xf32, #tpu.memory_space<vmem>>, vector<16xf32>,
      %scan3A_146 = arith.constant 0 : i32
      scf.yield %scan3A_146 : i32
    }
    %scan3A_120 = arith.constant 40 : i32
    %run_scoped3A_121 = arith.constant 14 : i32
    "tpu.region"() ({
      %run_scoped3A_137 = tpu.sem_alloc : memref<!tpu.dma_semaphore, #tpu.memory_space<semaphore_mem>>
      %dma_start3A = arith.constant 0 : i32
      %dma_start3A_138 = tpu.memref_slice %arg13[%dma_start3A] : memref<10240xf32, #tpu.memory_space<vmem>> -> memref<640xf32, #tpu.memory_space<vmem>>
      %dma_start3A_139 = tpu.memref_slice %arg15[%run_scoped3A_121, %mul3A_16] : memref<16x10240xf32, #tpu.memory_space<vmem_shared>> -> memref<1x640xf32, #tpu.memory_space<vmem_shared>>
      %dma_start3A_140 = tpu.memref_squeeze %dma_start3A_139 : memref<1x640xf32, #tpu.memory_space<vmem_shared>> -> memref<640xf32, #tpu.memory_space<vmem_shared>>
      %dma_start3A_141 = arith.constant 0 : i32
      %dma_start3A_142 = tpu.memref_slice %arg13[%dma_start3A_141] : memref<10240xf32, #tpu.memory_space<vmem>> -> memref<640xf32, #tpu.memory_space<vmem>>
      %dma_start3A_143 = tpu.memref_slice %arg15[%run_scoped3A_121, %mul3A_16] : memref<16x10240xf32, #tpu.memory_space<vmem_shared>> -> memref<1x640xf32, #tpu.memory_space<vmem_shared>>
      %dma_start3A_144 = tpu.memref_squeeze %dma_start3A_143 : memref<1x640xf32, #tpu.memory_space<vmem_shared>> -> memref<640xf32, #tpu.memory_space<vmem_shared>>
      tpu.enqueue_dma source(%dma_start3A_144 : memref<640xf32, #tpu.memory_space<vmem_shared>>) target(%dma_start3A_142 : memref<640xf32, #tpu.memory_space<vmem>>) target_semaphore(%run_scoped3A_137 : memref<!tpu.dma_semaphore, #tpu.memory_space<semaphore_mem>>)
      %dma_wait3A = arith.constant 0 : i32
      %dma_wait3A_145 = tpu.memref_slice %arg13[%dma_wait3A] : memref<10240xf32, #tpu.memory_space<vmem>> -> memref<640xf32, #tpu.memory_space<vmem>>
      %dma_wait3A_146 = tpu.memref_slice %arg15[%run_scoped3A_121, %mul3A_16] : memref<16x10240xf32, #tpu.memory_space<vmem_shared>> -> memref<1x640xf32, #tpu.memory_space<vmem_shared>>
      %dma_wait3A_147 = tpu.memref_squeeze %dma_wait3A_146 : memref<1x640xf32, #tpu.memory_space<vmem_shared>> -> memref<640xf32, #tpu.memory_space<vmem_shared>>
      %dma_wait3A_148 = arith.constant 0 : i32
      %dma_wait3A_149 = tpu.memref_slice %arg13[%dma_wait3A_148] : memref<10240xf32, #tpu.memory_space<vmem>> -> memref<640xf32, #tpu.memory_space<vmem>>
      %dma_wait3A_150 = tpu.memref_slice %arg15[%run_scoped3A_121, %mul3A_16] : memref<16x10240xf32, #tpu.memory_space<vmem_shared>> -> memref<1x640xf32, #tpu.memory_space<vmem_shared>>
      %dma_wait3A_151 = tpu.memref_squeeze %dma_wait3A_150 : memref<1x640xf32, #tpu.memory_space<vmem_shared>> -> memref<640xf32, #tpu.memory_space<vmem_shared>>
      tpu.wait_dma2 semaphore(%run_scoped3A_137 : memref<!tpu.dma_semaphore, #tpu.memory_space<semaphore_mem>>) src(%dma_wait3A_151 : memref<640xf32, #tpu.memory_space<vmem_shared>>) dst(%dma_wait3A_149 : memref<640xf32, #tpu.memory_space<vmem>>)
      tpu.yield
    }) : () -> ()
    %scan3A_122 = arith.constant 0 : i32
    %scan3A_123 = arith.constant 0 : i32
    %scan3A_124 = arith.constant 40 : i32
    %scan3A_125 = arith.addi %scan3A_123, %scan3A_124 : i32
    %scan3A_126 = arith.constant 1 : i32
    %scan3A_127 = scf.for %scan3A_137 = %scan3A_123 to %scan3A_125 step %scan3A_126 iter_args(%scan3A_138 = %scan3A_122) -> (i32)  : i32 {
      %mul3A_139 = arith.constant 16 : i32
      %mul3A_140 = arith.muli %scan3A_137, %mul3A_139 : i32
      %get3A = arith.index_cast %mul3A_140 : i32 to index
      %get3A_141 = tpu.vector_load %arg14[%get3A] {strides = array<i32>} : memref<10240xf32, #tpu.memory_space<vmem>>, vector<16xf32>,
      %get3A_142 = arith.index_cast %mul3A_140 : i32 to index
      %get3A_143 = tpu.vector_load %arg13[%get3A_142] {strides = array<i32>} : memref<10240xf32, #tpu.memory_space<vmem>>, vector<16xf32>,
      %add3A_144 = arith.addf %get3A_141, %get3A_143 : vector<16xf32>
      %swap3A = arith.index_cast %mul3A_140 : i32 to index
      %swap3A_145 = tpu.vector_load %arg14[%swap3A] {strides = array<i32>} : memref<10240xf32, #tpu.memory_space<vmem>>, vector<16xf32>,
      tpu.vector_store %arg14[%swap3A], %add3A_144 {strides = array<i32>} : memref<10240xf32, #tpu.memory_space<vmem>>, vector<16xf32>,
      %scan3A_146 = arith.constant 0 : i32
      scf.yield %scan3A_146 : i32
    }
    %scan3A_128 = arith.constant 40 : i32
    %run_scoped3A_129 = arith.constant 15 : i32
    "tpu.region"() ({
      %run_scoped3A_137 = tpu.sem_alloc : memref<!tpu.dma_semaphore, #tpu.memory_space<semaphore_mem>>
      %dma_start3A = arith.constant 0 : i32
      %dma_start3A_138 = tpu.memref_slice %arg13[%dma_start3A] : memref<10240xf32, #tpu.memory_space<vmem>> -> memref<640xf32, #tpu.memory_space<vmem>>
      %dma_start3A_139 = tpu.memref_slice %arg15[%run_scoped3A_129, %mul3A_16] : memref<16x10240xf32, #tpu.memory_space<vmem_shared>> -> memref<1x640xf32, #tpu.memory_space<vmem_shared>>
      %dma_start3A_140 = tpu.memref_squeeze %dma_start3A_139 : memref<1x640xf32, #tpu.memory_space<vmem_shared>> -> memref<640xf32, #tpu.memory_space<vmem_shared>>
      %dma_start3A_141 = arith.constant 0 : i32
      %dma_start3A_142 = tpu.memref_slice %arg13[%dma_start3A_141] : memref<10240xf32, #tpu.memory_space<vmem>> -> memref<640xf32, #tpu.memory_space<vmem>>
      %dma_start3A_143 = tpu.memref_slice %arg15[%run_scoped3A_129, %mul3A_16] : memref<16x10240xf32, #tpu.memory_space<vmem_shared>> -> memref<1x640xf32, #tpu.memory_space<vmem_shared>>
      %dma_start3A_144 = tpu.memref_squeeze %dma_start3A_143 : memref<1x640xf32, #tpu.memory_space<vmem_shared>> -> memref<640xf32, #tpu.memory_space<vmem_shared>>
      tpu.enqueue_dma source(%dma_start3A_144 : memref<640xf32, #tpu.memory_space<vmem_shared>>) target(%dma_start3A_142 : memref<640xf32, #tpu.memory_space<vmem>>) target_semaphore(%run_scoped3A_137 : memref<!tpu.dma_semaphore, #tpu.memory_space<semaphore_mem>>)
      %dma_wait3A = arith.constant 0 : i32
      %dma_wait3A_145 = tpu.memref_slice %arg13[%dma_wait3A] : memref<10240xf32, #tpu.memory_space<vmem>> -> memref<640xf32, #tpu.memory_space<vmem>>
      %dma_wait3A_146 = tpu.memref_slice %arg15[%run_scoped3A_129, %mul3A_16] : memref<16x10240xf32, #tpu.memory_space<vmem_shared>> -> memref<1x640xf32, #tpu.memory_space<vmem_shared>>
      %dma_wait3A_147 = tpu.memref_squeeze %dma_wait3A_146 : memref<1x640xf32, #tpu.memory_space<vmem_shared>> -> memref<640xf32, #tpu.memory_space<vmem_shared>>
      %dma_wait3A_148 = arith.constant 0 : i32
      %dma_wait3A_149 = tpu.memref_slice %arg13[%dma_wait3A_148] : memref<10240xf32, #tpu.memory_space<vmem>> -> memref<640xf32, #tpu.memory_space<vmem>>
      %dma_wait3A_150 = tpu.memref_slice %arg15[%run_scoped3A_129, %mul3A_16] : memref<16x10240xf32, #tpu.memory_space<vmem_shared>> -> memref<1x640xf32, #tpu.memory_space<vmem_shared>>
      %dma_wait3A_151 = tpu.memref_squeeze %dma_wait3A_150 : memref<1x640xf32, #tpu.memory_space<vmem_shared>> -> memref<640xf32, #tpu.memory_space<vmem_shared>>
      tpu.wait_dma2 semaphore(%run_scoped3A_137 : memref<!tpu.dma_semaphore, #tpu.memory_space<semaphore_mem>>) src(%dma_wait3A_151 : memref<640xf32, #tpu.memory_space<vmem_shared>>) dst(%dma_wait3A_149 : memref<640xf32, #tpu.memory_space<vmem>>)
      tpu.yield
    }) : () -> ()
    %scan3A_130 = arith.constant 0 : i32
    %scan3A_131 = arith.constant 0 : i32
    %scan3A_132 = arith.constant 40 : i32
    %scan3A_133 = arith.addi %scan3A_131, %scan3A_132 : i32
    %scan3A_134 = arith.constant 1 : i32
    %scan3A_135 = scf.for %scan3A_137 = %scan3A_131 to %scan3A_133 step %scan3A_134 iter_args(%scan3A_138 = %scan3A_130) -> (i32)  : i32 {
      %mul3A_139 = arith.constant 16 : i32
      %mul3A_140 = arith.muli %scan3A_137, %mul3A_139 : i32
      %get3A = arith.index_cast %mul3A_140 : i32 to index
      %get3A_141 = tpu.vector_load %arg14[%get3A] {strides = array<i32>} : memref<10240xf32, #tpu.memory_space<vmem>>, vector<16xf32>,
      %get3A_142 = arith.index_cast %mul3A_140 : i32 to index
      %get3A_143 = tpu.vector_load %arg13[%get3A_142] {strides = array<i32>} : memref<10240xf32, #tpu.memory_space<vmem>>, vector<16xf32>,
      %add3A_144 = arith.addf %get3A_141, %get3A_143 : vector<16xf32>
      %swap3A = arith.index_cast %mul3A_140 : i32 to index
      %swap3A_145 = tpu.vector_load %arg14[%swap3A] {strides = array<i32>} : memref<10240xf32, #tpu.memory_space<vmem>>, vector<16xf32>,
      tpu.vector_store %arg14[%swap3A], %add3A_144 {strides = array<i32>} : memref<10240xf32, #tpu.memory_space<vmem>>, vector<16xf32>,
      %scan3A_146 = arith.constant 0 : i32
      scf.yield %scan3A_146 : i32
    }
    %scan3A_136 = arith.constant 40 : i32
    "tpu.region"() ({
      %run_scoped3A_137 = tpu.sem_alloc : memref<!tpu.dma_semaphore, #tpu.memory_space<semaphore_mem>>
      %dma_start3A = arith.constant 0 : i32
      %dma_start3A_138 = tpu.memref_slice %arg14[%dma_start3A] : memref<10240xf32, #tpu.memory_space<vmem>> -> memref<640xf32, #tpu.memory_space<vmem>>
      %dma_start3A_139 = tpu.memref_slice %arg7[%arg0, %mul3A_16] : memref<2x10240xf32, #tpu.memory_space<hbm>> -> memref<1x640xf32, #tpu.memory_space<hbm>>
      %dma_start3A_140 = tpu.memref_squeeze %dma_start3A_139 : memref<1x640xf32, #tpu.memory_space<hbm>> -> memref<640xf32, #tpu.memory_space<hbm>>
      %dma_start3A_141 = tpu.memref_slice %arg7[%arg0, %mul3A_16] : memref<2x10240xf32, #tpu.memory_space<hbm>> -> memref<1x640xf32, #tpu.memory_space<hbm>>
      %dma_start3A_142 = tpu.memref_squeeze %dma_start3A_141 : memref<1x640xf32, #tpu.memory_space<hbm>> -> memref<640xf32, #tpu.memory_space<hbm>>
      %dma_start3A_143 = arith.constant 0 : i32
      %dma_start3A_144 = tpu.memref_slice %arg14[%dma_start3A_143] : memref<10240xf32, #tpu.memory_space<vmem>> -> memref<640xf32, #tpu.memory_space<vmem>>
      tpu.enqueue_dma source(%dma_start3A_144 : memref<640xf32, #tpu.memory_space<vmem>>) target(%dma_start3A_142 : memref<640xf32, #tpu.memory_space<hbm>>) target_semaphore(%run_scoped3A_137 : memref<!tpu.dma_semaphore, #tpu.memory_space<semaphore_mem>>)
      %dma_wait3A = arith.constant 0 : i32
      %dma_wait3A_145 = tpu.memref_slice %arg14[%dma_wait3A] : memref<10240xf32, #tpu.memory_space<vmem>> -> memref<640xf32, #tpu.memory_space<vmem>>
      %dma_wait3A_146 = tpu.memref_slice %arg7[%arg0, %mul3A_16] : memref<2x10240xf32, #tpu.memory_space<hbm>> -> memref<1x640xf32, #tpu.memory_space<hbm>>
      %dma_wait3A_147 = tpu.memref_squeeze %dma_wait3A_146 : memref<1x640xf32, #tpu.memory_space<hbm>> -> memref<640xf32, #tpu.memory_space<hbm>>
      %dma_wait3A_148 = tpu.memref_slice %arg7[%arg0, %mul3A_16] : memref<2x10240xf32, #tpu.memory_space<hbm>> -> memref<1x640xf32, #tpu.memory_space<hbm>>
      %dma_wait3A_149 = tpu.memref_squeeze %dma_wait3A_148 : memref<1x640xf32, #tpu.memory_space<hbm>> -> memref<640xf32, #tpu.memory_space<hbm>>
      %dma_wait3A_150 = arith.constant 0 : i32
      %dma_wait3A_151 = tpu.memref_slice %arg14[%dma_wait3A_150] : memref<10240xf32, #tpu.memory_space<vmem>> -> memref<640xf32, #tpu.memory_space<vmem>>
      tpu.wait_dma2 semaphore(%run_scoped3A_137 : memref<!tpu.dma_semaphore, #tpu.memory_space<semaphore_mem>>) src(%dma_wait3A_151 : memref<640xf32, #tpu.memory_space<vmem>>) dst(%dma_wait3A_149 : memref<640xf32, #tpu.memory_space<hbm>>)
      tpu.yield
    }) : () -> ()
    return
  }
}

module attributes {stable_mosaic.version = 14 : i64} {
  func.func @_proj_body(%arg0: i32, %arg1: memref<128x128xf32, #tpu.memory_space<vmem>>, %arg2: memref<128x128xf32, #tpu.memory_space<vmem>>, %arg3: memref<128x128xf32, #tpu.memory_space<vmem>>, %arg4: memref<128x128xf32, #tpu.memory_space<vmem>>, %arg5: memref<128x128xf32, #tpu.memory_space<vmem>>) attributes {dimension_semantics = [#tpu.dimension_semantics<arbitrary>], iteration_bounds = array<i64: 80>, scalar_prefetch = 0 : i64, scratch_operands = 0 : i64, tpu.core_type = #tpu.core_type<tc>, window_params = [{transform_indices = @transform_0, window_bounds = array<i64: 128, 128>}, {pipeline_mode = #tpu.pipeline_mode<synchronous>, transform_indices = @transform_1, window_bounds = array<i64: 128, 128>}, {pipeline_mode = #tpu.pipeline_mode<synchronous>, transform_indices = @transform_2, window_bounds = array<i64: 128, 128>}, {transform_indices = @transform_3, window_bounds = array<i64: 128, 128>}, {transform_indices = @transform_4, window_bounds = array<i64: 128, 128>}]} {
    %get3A = arith.constant 0 : index
    %get3A_0 = arith.constant 0 : index
    %get3A_1 = vector.load %arg1[%get3A, %get3A_0] : memref<128x128xf32, #tpu.memory_space<vmem>>, vector<128x128xf32>
    %get3A_2 = arith.constant 0 : index
    %get3A_3 = arith.constant 0 : index
    %get3A_4 = vector.load %arg2[%get3A_2, %get3A_3] : memref<128x128xf32, #tpu.memory_space<vmem>>, vector<128x128xf32>
    %dot_general3A = arith.constant dense<0.000000e+00> : vector<128x128xf32>
    %dot_general3A_5 = tpu.matmul %get3A_1, %get3A_4, %dot_general3A {dimension_numbers = #tpu.dot_dimension_numbers<[1], [0], [0], [1], [0, 0, 1, 1], [], []>, transpose_lhs_hint = false} : vector<128x128xf32>, vector<128x128xf32>, vector<128x128xf32> -> vector<128x128xf32>
    %ne3A = arith.cmpf one, %dot_general3A_5, %dot_general3A_5 : vector<128x128xf32>
    %jit3A = arith.constant 0.000000e+00 : f32
    %broadcast_in_dim3A = vector.broadcast %jit3A : f32 to vector<128x128xf32>
    %select_n3A = arith.select %ne3A, %broadcast_in_dim3A, %dot_general3A_5 : vector<128x128xi1>, vector<128x128xf32>
    %swap3A = arith.constant 0 : index
    %swap3A_6 = arith.constant 0 : index
    %swap3A_7 = vector.load %arg4[%swap3A, %swap3A_6] : memref<128x128xf32, #tpu.memory_space<vmem>>, vector<128x128xf32>
    tpu.vector_store %arg4[%swap3A, %swap3A_6], %select_n3A {strides = array<i32>} : memref<128x128xf32, #tpu.memory_space<vmem>>, vector<128x128xf32>,
    %get3A_8 = arith.constant 0 : index
    %get3A_9 = arith.constant 0 : index
    %get3A_10 = vector.load %arg3[%get3A_8, %get3A_9] : memref<128x128xf32, #tpu.memory_space<vmem>>, vector<128x128xf32>
    %dot_general3A_11 = arith.constant dense<0.000000e+00> : vector<128x128xf32>
    %dot_general3A_12 = tpu.matmul %select_n3A, %get3A_10, %dot_general3A_11 {dimension_numbers = #tpu.dot_dimension_numbers<[1], [0], [0], [1], [0, 0, 1, 1], [], []>, transpose_lhs_hint = false} : vector<128x128xf32>, vector<128x128xf32>, vector<128x128xf32> -> vector<128x128xf32>
    %swap3A_13 = arith.constant 0 : index
    %swap3A_14 = arith.constant 0 : index
    %swap3A_15 = vector.load %arg5[%swap3A_13, %swap3A_14] : memref<128x128xf32, #tpu.memory_space<vmem>>, vector<128x128xf32>
    tpu.vector_store %arg5[%swap3A_13, %swap3A_14], %dot_general3A_12 {strides = array<i32>} : memref<128x128xf32, #tpu.memory_space<vmem>>, vector<128x128xf32>,
    return
  }
  func.func @transform_0(%arg0: i32) -> (i32, i32) {
    %c0_i32 = arith.constant 0 : i32
    %c0_i32_0 = arith.constant 0 : i32
    return %arg0, %c0_i32 : i32, i32
  }
  func.func @transform_1(%arg0: i32) -> (i32, i32) {
    %c0_i32 = arith.constant 0 : i32
    %c0_i32_0 = arith.constant 0 : i32
    %c0_i32_1 = arith.constant 0 : i32
    return %c0_i32, %c0_i32_0 : i32, i32
  }
  func.func @transform_2(%arg0: i32) -> (i32, i32) {
    %c0_i32 = arith.constant 0 : i32
    %c0_i32_0 = arith.constant 0 : i32
    %c0_i32_1 = arith.constant 0 : i32
    return %c0_i32, %c0_i32_0 : i32, i32
  }
  func.func @transform_3(%arg0: i32) -> (i32, i32) {
    %c0_i32 = arith.constant 0 : i32
    %c0_i32_0 = arith.constant 0 : i32
    return %arg0, %c0_i32 : i32, i32
  }
  func.func @transform_4(%arg0: i32) -> (i32, i32) {
    %c0_i32 = arith.constant 0 : i32
    %c0_i32_0 = arith.constant 0 : i32
    return %arg0, %c0_i32 : i32, i32
  }
}

module attributes {stable_mosaic.version = 14 : i64} {
  func.func @_comb_body(%arg0: i32, %arg1: memref<2x128x128xf32, #tpu.memory_space<vmem>>, %arg2: memref<128x128xf32, #tpu.memory_space<vmem>>) attributes {dimension_semantics = [#tpu.dimension_semantics<arbitrary>], iteration_bounds = array<i64: 80>, scalar_prefetch = 0 : i64, scratch_operands = 0 : i64, tpu.core_type = #tpu.core_type<tc>, window_params = [{transform_indices = @transform_0, window_bounds = array<i64: 2, 128, 128>}, {transform_indices = @transform_1, window_bounds = array<i64: 128, 128>}]} {
    %get3A = arith.constant 0 : index
    %get3A_0 = arith.constant 0 : index
    %get3A_1 = arith.constant 0 : index
    %get3A_2 = vector.load %arg1[%get3A, %get3A_0, %get3A_1] : memref<2x128x128xf32, #tpu.memory_space<vmem>>, vector<1x128x128xf32>
    %get3A_3 = vector.shape_cast %get3A_2 : vector<1x128x128xf32> to vector<128x128xf32>
    %get3A_4 = arith.constant 1 : index
    %get3A_5 = arith.constant 0 : index
    %get3A_6 = arith.constant 0 : index
    %get3A_7 = vector.load %arg1[%get3A_4, %get3A_5, %get3A_6] : memref<2x128x128xf32, #tpu.memory_space<vmem>>, vector<1x128x128xf32>
    %get3A_8 = vector.shape_cast %get3A_7 : vector<1x128x128xf32> to vector<128x128xf32>
    %add3A = arith.addf %get3A_3, %get3A_8 : vector<128x128xf32>
    %swap3A = arith.constant 0 : index
    %swap3A_9 = arith.constant 0 : index
    %swap3A_10 = vector.load %arg2[%swap3A, %swap3A_9] : memref<128x128xf32, #tpu.memory_space<vmem>>, vector<128x128xf32>
    tpu.vector_store %arg2[%swap3A, %swap3A_9], %add3A {strides = array<i32>} : memref<128x128xf32, #tpu.memory_space<vmem>>, vector<128x128xf32>,
    return
  }
  func.func @transform_0(%arg0: i32) -> (i32, i32, i32) {
    %c0_i32 = arith.constant 0 : i32
    %c0_i32_0 = arith.constant 0 : i32
    %c0_i32_1 = arith.constant 0 : i32
    return %c0_i32, %arg0, %c0_i32_0 : i32, i32, i32
  }
  func.func @transform_1(%arg0: i32) -> (i32, i32) {
    %c0_i32 = arith.constant 0 : i32
    %c0_i32_0 = arith.constant 0 : i32
    return %arg0, %c0_i32 : i32, i32
  }
}

</mosaic_0001>

<sc_bundles>
// kernel: kernel.6.cloned.1.call-start
scs
__scs_entry_jumppad:
0x0: {  	(pc) =	sbr.rel $0x88, $3  }
0x1: {  	(tag) =	ssettag $0x0;
	lr =	simm.s32 $0x1  }
0x2: {  	[smem:$0x3F9C] =	sst lr;
	_ =	strace $0xD0000000  }
0x3: {  	_ = 	snop  }
0x4: {  	_ = 	snop  }
0x5: {  	_ = 	snop  }
0x6: {  	_ = 	snop  }
0x7: {  	_ = 	snop  }
__scs_overlays_trampoline_lowered:
0x8: {  	[smem:$0x3FAB] =	sst s0  }
0x9: {  	[smem:$0x3FAC] =	sst s1  }
0xa: {  	[smem:$0x3FAD] =	sst s2  }
0xb: {  	[smem:$0x3FAE] =	sst s3  }
0xc: {  	[smem:$0x3FAF] =	sst s4  }
0xd: {  	[smem:$0x3FB0] =	sst s5  }
0xe: {  	[smem:$0x3FB1] =	sst s6  }
0xf: {  	[smem:$0x3FB2] =	sst s7  }
0x10: {  	[smem:$0x3FB3] =	sst s8  }
0x11: {  	[smem:$0x3FB4] =	sst s9;
	s0 =	simm.s32 @!p0 $0x0  }
0x12: {  	s1 =	sld [smem:$0x3F9A];
	s0 =	simm.s32 @p0 $0x1  }
0x13: {  	[smem:$0x3FB5] =	sst s0;
	s0 =	simm.s32 @!p1 $0x0  }
0x14: {  	s2 =	sld [smem:$0x3F99];
	s0 =	simm.s32 @p1 $0x1  }
0x15: {  	[smem:$0x3FB6] =	sst s0;
	s0 =	simm.s32 @!p2 $0x0  }
0x16: {  	s3 =	sld [smem:$0x3FDB];
	s0 =	simm.s32 @p2 $0x1  }
0x17: {  	s4 =	simm.s32 $0x1BF5;
	[smem:$0x3FB8] =	sst s0  }
0x18: {  	s0 =	sld [smem:$0x3F9B];
	_ =	swait.ge [sflag:s4], $0x0  }
0x19: {  	s7 =	sld [smem:$0x3F9C]  }
0x1a: {  	s8 =	sadd.s32 $0xFFFFE003, lr  }
0x1b: {  	s9 =	sadd.s32 $0xFFFFFEF7, lr;
	s5 =	simm.s32 $0xFFFFFFFF;
	p2 =	slt.u32 s8, $0xFFFFF086  }
0x1c: {  	p1 =	slt.u32 s9, $0xF7A;
	s5 =	simm.s32 @!p2 $0x0  }
0x1d: {  	s5 =	simm.s32 @p1 $0x1;
	p0 =	seq.s32 s7, s2  }
0x1e: {  	s7 =	smul.u32 @!p0 $0xF7A, s2;
	p2 =	seq.s32 @!p0 s5, $0x0  }
0x1f: {  	s9 =	smul.u32 $0xF7A, s1;
	s8 =	simm.s32 @!p0 $0x1BF5;
	p2 =	por !p2, p0  }
0x20: {  	[sflag:s8] =	ssyncset.s32 @!p0 $0xFFFFF086;
	s6 =	sadd.s32 @!p0 s3, s7;
	s7 =	simm.s32 @!p0 $0x108  }
0x21: {  	s3 =	sadd.s32 s3, s9;
	s6 =	sadd.s32 @!p0 $0x88, s6;
	s7 =	simm.s32 @p2 $0x1082  }
0x22: {  	[simem:s7], [sflag:s8] =	dma.local @!p0 [hbm:s6], $0xF7A  }
0x23: {  	s9 =	sor.u32 $0xD0000000, s2;
	s6 =	simm.s32 $0x108;
	_ =	swait.ge @!p0 [sflag:s8], $0x0  }
0x24: {  	s3 =	sadd.s32 $0x88, s3;
	s6 =	simm.s32 @!p1 $0x1082;
	[sflag:s4] =	ssyncset.s32 $0xFFFFF086  }
0x25: {  	[simem:s6], [sflag:s4] =	dma.local [hbm:s3], $0xF7A  }
0x26: {  	[smem:$0x3F9C] =	sst s1;
	(tag) =	ssettag s2;
	_ =	strace s9  }
0x27: {  	s1 =	sld [smem:$0x3FAC]  }
0x28: {  	s2 =	sld [smem:$0x3FAD]  }
0x29: {  	s4 =	sld [smem:$0x3FAF]  }
0x2a: {  	p0 =	seq.s32 s5, $0x0;
	s5 =	sld [smem:$0x3FB0]  }
0x2b: {  	s6 =	sld [smem:$0x3FB1]  }
0x2c: {  	s7 =	sld [smem:$0x3FB2]  }
0x2d: {  	s3 =	simm.s32 $0x108;
	s8 =	sld [smem:$0x3FB3]  }
0x2e: {  	s3 =	simm.s32 @!p0 $0x1082;
	s9 =	sld [smem:$0x3FB4]  }
0x2f: {  	lr =	sadd.s32 s0, s3;
	s0 =	sld [smem:$0x3FAB]  }
0x30: {  	s3 =	sld [smem:$0x3FAE]  }
0x31: {  	[smem:$0x3FB7] =	sst s10  }
0x32: {  	s10 =	sld [smem:$0x3FB5];
	_ =	sdelay $0x3  }
0x33: {  	p0 =	seq.s32 s10, $0x1;
	s10 =	sld [smem:$0x3FB7];
	_ =	sdelay $0x3  }
0x34: {  	[smem:$0x3FB7] =	sst s10  }
0x35: {  	s10 =	sld [smem:$0x3FB6];
	_ =	sdelay $0x3  }
0x36: {  	p1 =	seq.s32 s10, $0x1;
	s10 =	sld [smem:$0x3FB7];
	_ =	sdelay $0x3  }
0x37: {  	[smem:$0x3FB7] =	sst s10  }
0x38: {  	s10 =	sld [smem:$0x3FB8]  }
0x39: {  	_ = 	snop;
	(pc) =	sbr.ind lr, $3  }
0x3a: {  	_ = 	snop  }
0x3b: {  	_ = 	snop  }
0x3c: {  	p2 =	seq.s32 s10, $0x1;
	s10 =	sld [smem:$0x3FB7]  }
0x3d: {  	_ =	shalt  }
0x3e: {  	_ =	shalt  }
0x3f: {  	_ =	shalt  }
0x40: {  	_ =	shalt  }
0x41: {  	_ =	shalt  }
0x42: {  	_ =	shalt  }
0x43: {  	_ =	shalt  }
0x44: {  	_ =	shalt  }
0x45: {  	_ =	shalt  }
0x46: {  	_ =	shalt  }
0x47: {  	_ =	shalt  }
0x48: {  	_ =	shalt  }
0x49: {  	_ =	shalt  }
0x4a: {  	_ =	shalt  }
0x4b: {  	_ =	shalt  }
0x4c: {  	_ =	shalt  }
0x4d: {  	_ =	shalt  }
0x4e: {  	_ =	shalt  }
0x4f: {  	_ =	shalt  }
0x50: {  	_ =	shalt  }
0x51: {  	_ =	shalt  }
0x52: {  	_ =	shalt  }
0x53: {  	_ =	shalt  }
0x54: {  	_ =	shalt  }
0x55: {  	_ =	shalt  }
0x56: {  	_ =	shalt  }
0x57: {  	_ =	shalt  }
0x58: {  	_ =	shalt  }
0x59: {  	_ =	shalt  }
0x5a: {  	_ =	shalt  }
0x5b: {  	_ =	shalt  }
0x5c: {  	_ =	shalt  }
0x5d: {  	_ =	shalt  }
0x5e: {  	_ =	shalt  }
0x5f: {  	_ =	shalt  }
0x60: {  	_ =	shalt  }
0x61: {  	_ =	shalt  }
0x62: {  	_ =	shalt  }
0x63: {  	_ =	shalt  }
0x64: {  	_ =	shalt  }
0x65: {  	_ =	shalt  }
0x66: {  	_ =	shalt  }
0x67: {  	_ =	shalt  }
0x68: {  	_ =	shalt  }
0x69: {  	_ =	shalt  }
0x6a: {  	_ =	shalt  }
0x6b: {  	_ =	shalt  }
0x6c: {  	_ =	shalt  }
0x6d: {  	_ =	shalt  }
0x6e: {  	_ =	shalt  }
0x6f: {  	_ =	shalt  }
0x70: {  	_ =	shalt  }
0x71: {  	_ =	shalt  }
0x72: {  	_ =	shalt  }
0x73: {  	_ =	shalt  }
0x74: {  	_ =	shalt  }
0x75: {  	_ =	shalt  }
0x76: {  	_ =	shalt  }
0x77: {  	_ =	shalt  }
0x78: {  	_ =	shalt  }
0x79: {  	_ =	shalt  }
0x7a: {  	_ =	shalt  }
0x7b: {  	_ =	shalt  }
0x7c: {  	_ =	shalt  }
0x7d: {  	_ =	shalt  }
0x7e: {  	_ =	shalt  }
0x7f: {  	_ =	shalt  }
0x80: {  	_ =	shalt  }
0x81: {  	_ =	shalt  }
0x82: {  	_ =	shalt  }
0x83: {  	_ =	shalt  }
0x84: {  	_ =	shalt  }
0x85: {  	_ =	shalt  }
0x86: {  	_ =	shalt  }
0x87: {  	_ =	shalt  }
.Lfunc_end0:
.L_simem_size_0:
called_computation_lowered:
.L_overlay_start_0:
0x88: {  	s2 =	sld [smem:$0x3FD9]  }
0x89: {  	s3 =	sld [smem:$0x3FFE];
	_ =	sdelay $0x1  }
0x8a: {  	s1 =	srdreg.scid  }
0x8b: {  	s0 =	sand.u32 $0x1, s1  }
0x8c: {  	s17 =	sshll.u32 s0, $0xA;
	s2 =	sadd.s32 s3, s2  }
0x8d: {  	s2 =	sadd.s32 s2, s17  }
0x8e: {  	[smem:$0x3FC3] =	sst s2  }
0x8f: {  	_ = 	snop  }
0x90: {  	s2 =	sld [smem:$0x3FD0];
	(tm) =	ssettm $0x1  }
0x91: {  	s18 =	sld [smem:$0x3FFB];
	_ =	sdelay $0x3  }
0x92: {  	_ =	strace s18  }
0x93: {  	s3 =	sld [smem:$0x3FFC];
	_ =	sdelay $0x3  }
0x94: {  	_ =	strace s3  }
0x95: {  	s3 =	sld [smem:$0x3FFD];
	_ =	sdelay $0x3  }
0x96: {  	_ =	strace s3  }
0x97: {  	_ =	strace $0x8FFFFFFF  }
0x98: {  	s19 =	sld [smem:$0x3FDB];
	_ =	sdelay $0x1  }
0x99: {  	s4 =	simm.s32 $_scs_section_size  }
0x9a: {  	s5 =	simm.s32 $_size__tile_overlayer_lowered;
	s6 =	simm.s32 $_tile_overlayer_lowered  }
0x9b: {  	s22 =	simm.s32 $0x1BFF;
	s21 =	sshll.u32 s6, $0x1;
	s3 =	sadd.s32 s4, s19  }
0x9c: {  	s7 =	simm.s32 $0x0;
	s20 =	sshll.u32 s5, $0x1;
	s5 =	sadd.s32 s21, s3  }
0x9d: {  	[timem:s7], [sflag:s22] =	dma.local [hbm:s5], s20  }
0x9e: {  	_ =	swait.ge [sflag:s22], s20  }
0x9f: {  	s4 =	ssub.s32 $0x0, s20;
	[sflag:s22] =	ssyncset.done $0x0  }
0xa0: {  	[sflag:s22] =	ssyncadd.s32 s4;
	_ =	sdelay $0x1  }
0xa1: {  	s23 =	simm.s32 $0x1B8B  }
0xa2: {  	_ =	swait.ge [sflag:s23], $0x1  }
0xa3: {  	[sflag:s23] =	ssyncset.done $0x0  }
0xa4: {  	s25 =	simm.s32 $0x1B8E;
	s24 =	sld [smem:$0x3FFE];
	[sflag:s23] =	ssyncadd.s32 $0xFFFFFFFF  }
0xa5: {  	s26 =	simm.s32 $execute0_lowered;
	[smem:$0x3FD2] =	sst s25  }
0xa6: {  	s5 =	sshll.u32 s26, $0x1;
	_ =	strace $0x80000046;
	[dreg:$0x1] =	wrdreg $0xFFFFFFFF  }
0xa7: {  	s28 =	simm.s32 $_size_execute0_lowered;
	s3 =	sadd.s32 s3, s5;
	[dreg:$0x0] =	wrdreg $0x0  }
0xa8: {  	s5 =	sshll.u32 s28, $0x1;
	[dreg:$0x2] =	wrdreg s3  }
0xa9: {  	[dreg:$0x3] =	wrdreg s5  }
0xaa: {  	[dreg:$0x4] =	wrdreg $0xC0  }
0xab: {  	_ =	task [dreg:s7], $0x5FFFF  }
0xac: {  	[dreg:$0x1] =	wrdreg $0xFFFFFFFF  }
0xad: {  	[dreg:$0x0] =	wrdreg $0x60  }
0xae: {  	[dreg:$0x2] =	wrdreg s24  }
0xaf: {  	[dreg:$0x3] =	wrdreg s2  }
0xb0: {  	[dreg:$0x4] =	wrdreg $0x118000  }
0xb1: {  	[dreg:$0x5] =	wrdreg $0x9  }
0xb2: {  	_ =	task.clear_ibuf [dreg:s7], $0x6FFFF;
	_ =	strace $0x90000046  }
0xb3: {  	s29 =	simm.s32 $0x9;
	_ =	strace $0x80000048  }
0xb4: {  	_ =	swait.ge [sflag:s29], $0x1  }
0xb5: {  	[sflag:s29] =	ssyncadd.s32 $0xFFFFFFFF  }
0xb6: {  	_ =	strace $0x90000048  }
0xb7: {  	_ =	sfence  }
0xb8: {  	s30 =	sld [smem:$0x0];
	_ =	sdelay $0x2  }
0xb9: {  	s31 =	sshll.u32 s1, $0xD;
	s1 =	sshrl.u32 s1, $0x2  }
0xba: {  	s3 =	sand.u32 $0x4000, s31;
	s1 =	sadd.s32 s1, s30  }
0xbb: {  	s0 =	sor.u32 s3, s0;
	s1 =	sshll.u32 s1, $0x11  }
0xbc: {  	s0 =	sor.u32 s1, s0  }
0xbd: {  	s0 =	sadd.s32 $0x8F2B, s0  }
0xbe: {  	[sflag:s0] =	ssyncadd.remote.s32 $0x1  }
0xbf: {  	_ =	sfence.sel $0xFFFF  }
0xc0: {  	[dreg:$0x0] =	wrdreg $0xFFFFFFFF;
	(pc) =	sbr.abs _section_cstart, $3  }
0xc1: {  	[dreg:$0x1] =	wrdreg $0xFFFFFFFF  }
0xc2: {  	_ =	task.clear_ibuf [dreg:s7], $0x2FFFF;
	_ =	strace $0x9FFFFFFF  }
0xc3: {  	(tm) =	ssettm $0x7FFFFFFF  }
tec
execute0_lowered:
.L_overlay_start_1:
0x0: {  	(tag) =	ssettag $0x1  }
0x1: {  	s0 =	rddreg [dreg:$0x0]  }
0x2: {  	s1 =	rddreg [dreg:$0x1]  }
0x3: {  	s3 =	rddreg [dreg:$0x2]  }
0x4: {  	s2 =	simm.s32 $0x0;
	s4 =	srdreg.scid;
	s10 =	stileid.u32  }
0x5: {  	s28 =	simm.s32 $0x1;
	s29 =	simm.s32 $0x2800;
	s30 =	simm.s32 $0x80  }
0x6: {  	s31 =	simm.s32 $0x400;
	[smem:$0x7FF] =	sst s2;
	s4 =	sand.u32 $0x1, s4  }
0x7: {  	s5 =	sadd.s32 $0x32600, s0;
	s20 =	smul.u32 $0x500, s10;
	s7 =	sadd.s32 $0x32000, s0  }
0x8: {  	s22 =	sshrl.u32 s10, $0x3;
	s9 =	smul.u32 $0x5000, s10;
	s23 =	sshll.u32 s10, $0x7  }
0x9: {  	_ =	strace $0x80000047;
	[dreg:$0x4] =	wrdreg s5;
	s6 =	sshll.u32 s4, $0x4  }
0xa: {  	[dreg:$0x5] =	wrdreg s7;
	s21 =	sshll.u32 s4, $0x7;
	s4 =	ssub.s32 $0x2, s4  }
0xb: {  	s7 =	smul.u32 $0x50000, s22;
	s6 =	sor.u32 s10, s6;
	s5 =	sor.u32 s21, s20  }
0xc: {  	s8 =	sshrl.u32 s4, $0x1;
	s25 =	sshrl.u32 s9, $0x2;
	s6 =	smul.u32 $0x500, s6  }
0xd: {  	s5 =	sshrl.u32 s5, $0x3;
	s24 =	sshrl.u32 s7, $0x2;
	s7 =	sadd.s32 s25, s3  }
0xe: {  	s4 =	ssub.s32 s4, s8;
	s5 =	sadd.s32 s5, s0;
	s10 =	sadd.s32 $0x80, s7  }
0xf: {  	s11 =	sadd.s32 $0x100, s7;
	s12 =	sadd.s32 $0x180, s7;
	s13 =	sadd.s32 $0x200, s7  }
0x10: {  	s14 =	sadd.s32 $0x280, s7;
	s15 =	sadd.s32 $0x300, s7;
	s16 =	sadd.s32 $0x380, s7  }
0x11: {  	s17 =	sadd.s32 $0x14000, s7;
	s18 =	sadd.s32 $0x14080, s7;
	s19 =	sadd.s32 $0x14100, s7  }
0x12: {  	s20 =	sadd.s32 $0x14180, s7;
	s21 =	sadd.s32 $0x14200, s7;
	s22 =	sadd.s32 $0x14280, s7  }
0x13: {  	s25 =	smax.u32 s4, $0x1;
	s1 =	sadd.s32 s1, s6;
	s6 =	sadd.s32 s0, s6  }
0x14: {  	s0 =	sand.u32 $0x380, s23;
	s23 =	sadd.s32 $0x14300, s7;
	[dreg:$0x6] =	wrdreg s1  }
0x15: {  	s1 =	sadd.s32 s24, s3;
	s26 =	sadd.s32 $0x32C00, s6;
	s24 =	sadd.s32 $0x3CC00, s5  }
0x16: {  	s3 =	simm.s32 $0x0;
	[dreg:$0x7] =	wrdreg s26;
	s9 =	sadd.s32 s0, s1  }
0x17: {  	v0 =	vimm.f32 $0.0e+00;
	s26 =	sadd.s32 $0x14380, s7;
	s0 =	simm.s32 $0xC800;
	s1 =	simm.s32 $0xF000  }
.LBB2_1:
0x18: {  	s4 =	rddreg [dreg:$0x4]  }
0x19: {  	[tilespmem:s2], [sflag:$0x1] =	stream.linear.gather [hbm4b:s4+s2], $0x2800, $0x38;
	[tilespmem:$0x14000] =	vst v63  }
0x1a: {  	_ =	swait.ge [sflag:s28], $0x2800  }
0x1b: {  	[sflag:s28] =	ssyncset.done $0x0  }
0x1c: {  	s5 =	rddreg [dreg:$0x5];
	[sflag:s28] =	ssyncadd.s32 $0xFFFFD800  }
0x1d: {  	[tilespmem:s29], [sflag:$0x1] =	stream.linear.gather [hbm4b:s5+s2], $0x2800, $0x38;
	[tilespmem:$0x14000] =	vst v63  }
0x1e: {  	_ =	swait.ge [sflag:s28], $0x2800  }
0x1f: {  	[sflag:s28] =	ssyncset.done $0x0  }
0x20: {  	s5 =	simm.s32 $0x5000;
	s8 =	rddreg [dreg:$0x6];
	[sflag:s28] =	ssyncadd.s32 $0xFFFFD800  }
0x21: {  	[tilespmem:s5], [sflag:$0x1] =	stream.linear.gather [hbm4b:s8+s2], $0x2780, $0x38;
	[tilespmem:$0x14000] =	vst v63  }
0x22: {  	_ =	swait.ge [sflag:s28], $0x2780  }
0x23: {  	[sflag:s28] =	ssyncset.done $0x0  }
0x24: {  	s8 =	simm.s32 $0x7800;
	[sflag:s28] =	ssyncadd.s32 $0xFFFFD880  }
0x25: {  	[tilespmem:s8], [sflag:$0x1] =	stream.linear.gather [hbm4b:s6+s2], $0x2780, $0x38;
	[tilespmem:$0x14000] =	vst v63  }
0x26: {  	_ =	swait.ge [sflag:s28], $0x2780  }
0x27: {  	[sflag:s28] =	ssyncset.done $0x0  }
0x28: {  	s4 =	simm.s32 $0x0;
	[sflag:s28] =	ssyncadd.s32 $0xFFFFD880  }
.LBB2_2:
0x29: {  	p0 =	sne.s32 s4, $0x9FC0  }
.Ltmp0:
0x2a: {  	_ = 	snop;
	(pc) =	sbr.rel @p0 .LBB2_2-.Ltmp0, $3  }
0x2b: {  	_ =	sdelay $0x1  }
0x2c: {  	s5 =	sshra.s32 s4, $0x2  }
0x2d: {  	s4 =	sadd.s32 $0x40, s4;
	[tilespmem:s5+$0xC800] =	vst v0  }
0x2e: {  	s4 =	simm.s32 $0x0  }
0x2f: {  	v2 =	vld [tilespmem:s4+$0x7800]  }
0x30: {  	s5 =	simm.s32 $0x40;
	v1 =	vld [tilespmem:s4+$0x5000]  }
.LBB2_4:
0x31: {  	p0 =	sne.s32 s5, $0x9DC0;
	_ =	sdelay $0x5  }
0x32: {  	v2 =	vld.idx.msk [tilespmem:v2+s29+$0x0], $0xffff  }
0x33: {  	v3 =	vld.idx.msk [tilespmem:v1+s2+$0x0], $0xffff;
	_ =	sdelay $0x5  }
0x34: {  	v2 =	vadd.f32 v2, v3;
	_ =	sdelay $0x1  }
0x35: {  	v3 =	vmul.f32 $2.000000030e-01, v2  }
0x36: {  	vm0 =	vgt.f32 v2, $0.0e+00  }
0x37: {  	v2 =	vsel vm0, v2, v3  }
0x38: {  	v2 =	vmul.f32 $1.442695020e+00, v2;
	_ =	sdelay $0x1  }
0x39: {  	(erf) = vpow2.f32 v2;
	_ =	sdelay $0x8  }
.Ltmp1:
0x3a: {  	v2 =	vpop (erf);
	(pc) =	sbr.rel @p0 .LBB2_4-.Ltmp1, $4  }
0x3b: {  	[tilespmem:s4+$0xA000] =	vst v2  }
0x3c: {  	s4 =	sshra.s32 s5, $0x2;
	[tilespmem:v1+s0+$0x0] =	vst.idx.add.f32.msk $0xffff, v2  }
0x3d: {  	v2 =	vld [tilespmem:s4+$0x7800]  }
0x3e: {  	s5 =	sadd.s32 $0x40, s5;
	v1 =	vld [tilespmem:s4+$0x5000]  }
0x3f: {  	_ =	sdelay $0x6  }
0x40: {  	v2 =	vld.idx.msk [tilespmem:v2+s29+$0x0], $0xffff  }
0x41: {  	v3 =	vld.idx.msk [tilespmem:v1+s2+$0x0], $0xffff;
	_ =	sdelay $0x4  }
0x42: {  	v2 =	vadd.f32 v2, v3;
	_ =	sdelay $0x1  }
0x43: {  	v3 =	vmul.f32 $2.000000030e-01, v2  }
0x44: {  	vm0 =	vgt.f32 v2, $0.0e+00  }
0x45: {  	v2 =	vsel vm0, v2, v3  }
0x46: {  	v2 =	vmul.f32 $1.442695020e+00, v2;
	_ =	sdelay $0x1  }
0x47: {  	(erf) = vpow2.f32 v2;
	_ =	sdelay $0x8  }
0x48: {  	v2 =	vpop (erf)  }
0x49: {  	[tilespmem:s4+$0xA000] =	vst v2  }
0x4a: {  	s5 =	rddreg [dreg:$0x7];
	s8 =	simm.s32 $0xA000;
	s4 =	simm.s32 $0x0;
	[tilespmem:v1+s0+$0x0] =	vst.idx.add.f32.msk $0xffff, v2  }
0x4b: {  	[hbm4b:s5+s4] =	stream.linear.scatter [tilespmem:s8], [sflag:$0x1], $0x2780, $0x38;
	[tilespmem:$0x14000] =	vst v63  }
0x4c: {  	_ =	swait.ge [sflag:s28], $0x2780  }
0x4d: {  	[sflag:s28] =	ssyncset.done $0x0  }
0x4e: {  	[sflag:s28] =	ssyncadd.s32 $0xFFFFD880  }
0x4f: {  	[spmem:s9] =	stream.strided.scatter [tilespmem:s0], [sflag:$0x1], $0x2800, s31, s30, $0x38;
	[tilespmem:$0x14000] =	vst v63  }
0x50: {  	_ =	swait.ge [sflag:s28], $0x2800  }
0x51: {  	[sflag:s28] =	ssyncset.done $0x0  }
0x52: {  	[sflag:s28] =	ssyncadd.s32 $0xFFFFD800  }
0x53: {  	[bflag:$0x0] =	sbarrier.arrive $0xFFFF  }
0x54: {  	[tilespmem:s1], [sflag:$0x1] =	stream.strided.gather [spmem:s7], $0x280, s31, s30, $0x38;
	[tilespmem:$0x14000] =	vst v63  }
0x55: {  	_ =	swait.ge [sflag:s28], $0x280  }
0x56: {  	[sflag:s28] =	ssyncset.done $0x0  }
0x57: {  	[sflag:s28] =	ssyncadd.s32 $0xFFFFFD80  }
0x58: {  	[tilespmem:s0], [sflag:$0x1] =	stream.strided.gather [spmem:s10], $0x280, s31, s30, $0x38;
	[tilespmem:$0x14000] =	vst v63  }
0x59: {  	_ =	swait.ge [sflag:s28], $0x280  }
0x5a: {  	[sflag:s28] =	ssyncset.done $0x0  }
0x5b: {  	s4 =	simm.s32 $0x0;
	[sflag:s28] =	ssyncadd.s32 $0xFFFFFD80  }
0x5c: {  	s5 =	simm.s32 $0x40;
	v1 =	vld [tilespmem:s4+$0xC800]  }
.LBB2_6:
0x5d: {  	p0 =	sne.s32 s5, $0x9C0;
	v2 =	vld [tilespmem:s4+$0xF000];
	_ =	sdelay $0x2  }
.Ltmp2:
0x5e: {  	(pc) =	sbr.rel @p0 .LBB2_6-.Ltmp2, $4  }
0x5f: {  	_ = 	snop  }
0x60: {  	v2 =	vadd.f32 v1, v2  }
0x61: {  	s8 =	sshra.s32 s5, $0x2  }
0x62: {  	s5 =	sadd.s32 $0x40, s5;
	v1 =	vld [tilespmem:s8+$0xC800];
	[tilespmem:s4+$0xF000] =	vst v2;
	s4 =	smov.u32 s8  }
0x63: {  	v2 =	vld [tilespmem:s4+$0xF000];
	_ =	sdelay $0x4  }
0x64: {  	v1 =	vadd.f32 v1, v2;
	_ =	sdelay $0x1  }
0x65: {  	[tilespmem:s4+$0xF000] =	vst v1  }
0x66: {  	[tilespmem:s0], [sflag:$0x1] =	stream.strided.gather [spmem:s11], $0x280, s31, s30, $0x38;
	[tilespmem:$0x14000] =	vst v63  }
0x67: {  	_ =	swait.ge [sflag:s28], $0x280  }
0x68: {  	[sflag:s28] =	ssyncset.done $0x0  }
0x69: {  	s4 =	simm.s32 $0x0;
	[sflag:s28] =	ssyncadd.s32 $0xFFFFFD80  }
0x6a: {  	s5 =	simm.s32 $0x40;
	v1 =	vld [tilespmem:s4+$0xC800]  }
.LBB2_8:
0x6b: {  	p0 =	sne.s32 s5, $0x9C0;
	v2 =	vld [tilespmem:s4+$0xF000];
	_ =	sdelay $0x2  }
.Ltmp3:
0x6c: {  	(pc) =	sbr.rel @p0 .LBB2_8-.Ltmp3, $4  }
0x6d: {  	_ = 	snop  }
0x6e: {  	v2 =	vadd.f32 v1, v2  }
0x6f: {  	s8 =	sshra.s32 s5, $0x2  }
0x70: {  	s5 =	sadd.s32 $0x40, s5;
	v1 =	vld [tilespmem:s8+$0xC800];
	[tilespmem:s4+$0xF000] =	vst v2;
	s4 =	smov.u32 s8  }
0x71: {  	v2 =	vld [tilespmem:s4+$0xF000];
	_ =	sdelay $0x4  }
0x72: {  	v1 =	vadd.f32 v1, v2;
	_ =	sdelay $0x1  }
0x73: {  	[tilespmem:s4+$0xF000] =	vst v1  }
0x74: {  	[tilespmem:s0], [sflag:$0x1] =	stream.strided.gather [spmem:s12], $0x280, s31, s30, $0x38;
	[tilespmem:$0x14000] =	vst v63  }
0x75: {  	_ =	swait.ge [sflag:s28], $0x280  }
0x76: {  	[sflag:s28] =	ssyncset.done $0x0  }
0x77: {  	s4 =	simm.s32 $0x0;
	[sflag:s28] =	ssyncadd.s32 $0xFFFFFD80  }
0x78: {  	s5 =	simm.s32 $0x40;
	v1 =	vld [tilespmem:s4+$0xC800]  }
.LBB2_10:
0x79: {  	p0 =	sne.s32 s5, $0x9C0;
	v2 =	vld [tilespmem:s4+$0xF000];
	_ =	sdelay $0x2  }
.Ltmp4:
0x7a: {  	(pc) =	sbr.rel @p0 .LBB2_10-.Ltmp4, $4  }
0x7b: {  	_ = 	snop  }
0x7c: {  	v2 =	vadd.f32 v1, v2  }
0x7d: {  	s8 =	sshra.s32 s5, $0x2  }
0x7e: {  	s5 =	sadd.s32 $0x40, s5;
	v1 =	vld [tilespmem:s8+$0xC800];
	[tilespmem:s4+$0xF000] =	vst v2;
	s4 =	smov.u32 s8  }
0x7f: {  	v2 =	vld [tilespmem:s4+$0xF000];
	_ =	sdelay $0x4  }
0x80: {  	v1 =	vadd.f32 v1, v2;
	_ =	sdelay $0x1  }
0x81: {  	[tilespmem:s4+$0xF000] =	vst v1  }
0x82: {  	[tilespmem:s0], [sflag:$0x1] =	stream.strided.gather [spmem:s13], $0x280, s31, s30, $0x38;
	[tilespmem:$0x14000] =	vst v63  }
0x83: {  	_ =	swait.ge [sflag:s28], $0x280  }
0x84: {  	[sflag:s28] =	ssyncset.done $0x0  }
0x85: {  	s4 =	simm.s32 $0x0;
	[sflag:s28] =	ssyncadd.s32 $0xFFFFFD80  }
0x86: {  	s5 =	simm.s32 $0x40;
	v1 =	vld [tilespmem:s4+$0xC800]  }
.LBB2_12:
0x87: {  	p0 =	sne.s32 s5, $0x9C0;
	v2 =	vld [tilespmem:s4+$0xF000];
	_ =	sdelay $0x2  }
.Ltmp5:
0x88: {  	(pc) =	sbr.rel @p0 .LBB2_12-.Ltmp5, $4  }
0x89: {  	_ = 	snop  }
0x8a: {  	v2 =	vadd.f32 v1, v2  }
0x8b: {  	s8 =	sshra.s32 s5, $0x2  }
0x8c: {  	s5 =	sadd.s32 $0x40, s5;
	v1 =	vld [tilespmem:s8+$0xC800];
	[tilespmem:s4+$0xF000] =	vst v2;
	s4 =	smov.u32 s8  }
0x8d: {  	v2 =	vld [tilespmem:s4+$0xF000];
	_ =	sdelay $0x4  }
0x8e: {  	v1 =	vadd.f32 v1, v2;
	_ =	sdelay $0x1  }
0x8f: {  	[tilespmem:s4+$0xF000] =	vst v1  }
0x90: {  	[tilespmem:s0], [sflag:$0x1] =	stream.strided.gather [spmem:s14], $0x280, s31, s30, $0x38;
	[tilespmem:$0x14000] =	vst v63  }
0x91: {  	_ =	swait.ge [sflag:s28], $0x280  }
0x92: {  	[sflag:s28] =	ssyncset.done $0x0  }
0x93: {  	s4 =	simm.s32 $0x0;
	[sflag:s28] =	ssyncadd.s32 $0xFFFFFD80  }
0x94: {  	s5 =	simm.s32 $0x40;
	v1 =	vld [tilespmem:s4+$0xC800]  }
.LBB2_14:
0x95: {  	p0 =	sne.s32 s5, $0x9C0;
	v2 =	vld [tilespmem:s4+$0xF000];
	_ =	sdelay $0x2  }
.Ltmp6:
0x96: {  	(pc) =	sbr.rel @p0 .LBB2_14-.Ltmp6, $4  }
0x97: {  	_ = 	snop  }
0x98: {  	v2 =	vadd.f32 v1, v2  }
0x99: {  	s8 =	sshra.s32 s5, $0x2  }
0x9a: {  	s5 =	sadd.s32 $0x40, s5;
	v1 =	vld [tilespmem:s8+$0xC800];
	[tilespmem:s4+$0xF000] =	vst v2;
	s4 =	smov.u32 s8  }
0x9b: {  	v2 =	vld [tilespmem:s4+$0xF000];
	_ =	sdelay $0x4  }
0x9c: {  	v1 =	vadd.f32 v1, v2;
	_ =	sdelay $0x1  }
0x9d: {  	[tilespmem:s4+$0xF000] =	vst v1  }
0x9e: {  	[tilespmem:s0], [sflag:$0x1] =	stream.strided.gather [spmem:s15], $0x280, s31, s30, $0x38;
	[tilespmem:$0x14000] =	vst v63  }
0x9f: {  	_ =	swait.ge [sflag:s28], $0x280  }
0xa0: {  	[sflag:s28] =	ssyncset.done $0x0  }
0xa1: {  	s4 =	simm.s32 $0x0;
	[sflag:s28] =	ssyncadd.s32 $0xFFFFFD80  }
0xa2: {  	s5 =	simm.s32 $0x40;
	v1 =	vld [tilespmem:s4+$0xC800]  }
.LBB2_16:
0xa3: {  	p0 =	sne.s32 s5, $0x9C0;
	v2 =	vld [tilespmem:s4+$0xF000];
	_ =	sdelay $0x2  }
.Ltmp7:
0xa4: {  	(pc) =	sbr.rel @p0 .LBB2_16-.Ltmp7, $4  }
0xa5: {  	_ = 	snop  }
0xa6: {  	v2 =	vadd.f32 v1, v2  }
0xa7: {  	s8 =	sshra.s32 s5, $0x2  }
0xa8: {  	s5 =	sadd.s32 $0x40, s5;
	v1 =	vld [tilespmem:s8+$0xC800];
	[tilespmem:s4+$0xF000] =	vst v2;
	s4 =	smov.u32 s8  }
0xa9: {  	v2 =	vld [tilespmem:s4+$0xF000];
	_ =	sdelay $0x4  }
0xaa: {  	v1 =	vadd.f32 v1, v2;
	_ =	sdelay $0x1  }
0xab: {  	[tilespmem:s4+$0xF000] =	vst v1  }
0xac: {  	[tilespmem:s0], [sflag:$0x1] =	stream.strided.gather [spmem:s16], $0x280, s31, s30, $0x38;
	[tilespmem:$0x14000] =	vst v63  }
0xad: {  	_ =	swait.ge [sflag:s28], $0x280  }
0xae: {  	[sflag:s28] =	ssyncset.done $0x0  }
0xaf: {  	s4 =	simm.s32 $0x0;
	[sflag:s28] =	ssyncadd.s32 $0xFFFFFD80  }
0xb0: {  	s5 =	simm.s32 $0x40;
	v1 =	vld [tilespmem:s4+$0xC800]  }
.LBB2_18:
0xb1: {  	p0 =	sne.s32 s5, $0x9C0;
	v2 =	vld [tilespmem:s4+$0xF000];
	_ =	sdelay $0x2  }
.Ltmp8:
0xb2: {  	(pc) =	sbr.rel @p0 .LBB2_18-.Ltmp8, $4  }
0xb3: {  	_ = 	snop  }
0xb4: {  	v2 =	vadd.f32 v1, v2  }
0xb5: {  	s8 =	sshra.s32 s5, $0x2  }
0xb6: {  	s5 =	sadd.s32 $0x40, s5;
	v1 =	vld [tilespmem:s8+$0xC800];
	[tilespmem:s4+$0xF000] =	vst v2;
	s4 =	smov.u32 s8  }
0xb7: {  	v2 =	vld [tilespmem:s4+$0xF000];
	_ =	sdelay $0x4  }
0xb8: {  	v1 =	vadd.f32 v1, v2;
	_ =	sdelay $0x1  }
0xb9: {  	[tilespmem:s4+$0xF000] =	vst v1  }
0xba: {  	[tilespmem:s0], [sflag:$0x1] =	stream.strided.gather [spmem:s17], $0x280, s31, s30, $0x38;
	[tilespmem:$0x14000] =	vst v63  }
0xbb: {  	_ =	swait.ge [sflag:s28], $0x280  }
0xbc: {  	[sflag:s28] =	ssyncset.done $0x0  }
0xbd: {  	s4 =	simm.s32 $0x0;
	[sflag:s28] =	ssyncadd.s32 $0xFFFFFD80  }
0xbe: {  	s5 =	simm.s32 $0x40;
	v1 =	vld [tilespmem:s4+$0xC800]  }
.LBB2_20:
0xbf: {  	p0 =	sne.s32 s5, $0x9C0;
	v2 =	vld [tilespmem:s4+$0xF000];
	_ =	sdelay $0x2  }
.Ltmp9:
0xc0: {  	(pc) =	sbr.rel @p0 .LBB2_20-.Ltmp9, $4  }
0xc1: {  	_ = 	snop  }
0xc2: {  	v2 =	vadd.f32 v1, v2  }
0xc3: {  	s8 =	sshra.s32 s5, $0x2  }
0xc4: {  	s5 =	sadd.s32 $0x40, s5;
	v1 =	vld [tilespmem:s8+$0xC800];
	[tilespmem:s4+$0xF000] =	vst v2;
	s4 =	smov.u32 s8  }
0xc5: {  	v2 =	vld [tilespmem:s4+$0xF000];
	_ =	sdelay $0x4  }
0xc6: {  	v1 =	vadd.f32 v1, v2;
	_ =	sdelay $0x1  }
0xc7: {  	[tilespmem:s4+$0xF000] =	vst v1  }
0xc8: {  	[tilespmem:s0], [sflag:$0x1] =	stream.strided.gather [spmem:s18], $0x280, s31, s30, $0x38;
	[tilespmem:$0x14000] =	vst v63  }
0xc9: {  	_ =	swait.ge [sflag:s28], $0x280  }
0xca: {  	[sflag:s28] =	ssyncset.done $0x0  }
0xcb: {  	s4 =	simm.s32 $0x0;
	[sflag:s28] =	ssyncadd.s32 $0xFFFFFD80  }
0xcc: {  	s5 =	simm.s32 $0x40;
	v1 =	vld [tilespmem:s4+$0xC800]  }
.LBB2_22:
0xcd: {  	p0 =	sne.s32 s5, $0x9C0;
	v2 =	vld [tilespmem:s4+$0xF000];
	_ =	sdelay $0x2  }
.Ltmp10:
0xce: {  	(pc) =	sbr.rel @p0 .LBB2_22-.Ltmp10, $4  }
0xcf: {  	_ = 	snop  }
0xd0: {  	v2 =	vadd.f32 v1, v2  }
0xd1: {  	s8 =	sshra.s32 s5, $0x2  }
0xd2: {  	s5 =	sadd.s32 $0x40, s5;
	v1 =	vld [tilespmem:s8+$0xC800];
	[tilespmem:s4+$0xF000] =	vst v2;
	s4 =	smov.u32 s8  }
0xd3: {  	v2 =	vld [tilespmem:s4+$0xF000];
	_ =	sdelay $0x4  }
0xd4: {  	v1 =	vadd.f32 v1, v2;
	_ =	sdelay $0x1  }
0xd5: {  	[tilespmem:s4+$0xF000] =	vst v1  }
0xd6: {  	[tilespmem:s0], [sflag:$0x1] =	stream.strided.gather [spmem:s19], $0x280, s31, s30, $0x38;
	[tilespmem:$0x14000] =	vst v63  }
0xd7: {  	_ =	swait.ge [sflag:s28], $0x280  }
0xd8: {  	[sflag:s28] =	ssyncset.done $0x0  }
0xd9: {  	s4 =	simm.s32 $0x0;
	[sflag:s28] =	ssyncadd.s32 $0xFFFFFD80  }
0xda: {  	s5 =	simm.s32 $0x40;
	v1 =	vld [tilespmem:s4+$0xC800]  }
.LBB2_24:
0xdb: {  	p0 =	sne.s32 s5, $0x9C0;
	v2 =	vld [tilespmem:s4+$0xF000];
	_ =	sdelay $0x2  }
.Ltmp11:
0xdc: {  	(pc) =	sbr.rel @p0 .LBB2_24-.Ltmp11, $4  }
0xdd: {  	_ = 	snop  }
0xde: {  	v2 =	vadd.f32 v1, v2  }
0xdf: {  	s8 =	sshra.s32 s5, $0x2  }
0xe0: {  	s5 =	sadd.s32 $0x40, s5;
	v1 =	vld [tilespmem:s8+$0xC800];
	[tilespmem:s4+$0xF000] =	vst v2;
	s4 =	smov.u32 s8  }
0xe1: {  	v2 =	vld [tilespmem:s4+$0xF000];
	_ =	sdelay $0x4  }
0xe2: {  	v1 =	vadd.f32 v1, v2;
	_ =	sdelay $0x1  }
0xe3: {  	[tilespmem:s4+$0xF000] =	vst v1  }
0xe4: {  	[tilespmem:s0], [sflag:$0x1] =	stream.strided.gather [spmem:s20], $0x280, s31, s30, $0x38;
	[tilespmem:$0x14000] =	vst v63  }
0xe5: {  	_ =	swait.ge [sflag:s28], $0x280  }
0xe6: {  	[sflag:s28] =	ssyncset.done $0x0  }
0xe7: {  	s4 =	simm.s32 $0x0;
	[sflag:s28] =	ssyncadd.s32 $0xFFFFFD80  }
0xe8: {  	s5 =	simm.s32 $0x40;
	v1 =	vld [tilespmem:s4+$0xC800]  }
.LBB2_26:
0xe9: {  	p0 =	sne.s32 s5, $0x9C0;
	v2 =	vld [tilespmem:s4+$0xF000];
	_ =	sdelay $0x2  }
.Ltmp12:
0xea: {  	(pc) =	sbr.rel @p0 .LBB2_26-.Ltmp12, $4  }
0xeb: {  	_ = 	snop  }
0xec: {  	v2 =	vadd.f32 v1, v2  }
0xed: {  	s8 =	sshra.s32 s5, $0x2  }
0xee: {  	s5 =	sadd.s32 $0x40, s5;
	v1 =	vld [tilespmem:s8+$0xC800];
	[tilespmem:s4+$0xF000] =	vst v2;
	s4 =	smov.u32 s8  }
0xef: {  	v2 =	vld [tilespmem:s4+$0xF000];
	_ =	sdelay $0x4  }
0xf0: {  	v1 =	vadd.f32 v1, v2;
	_ =	sdelay $0x1  }
0xf1: {  	[tilespmem:s4+$0xF000] =	vst v1  }
0xf2: {  	[tilespmem:s0], [sflag:$0x1] =	stream.strided.gather [spmem:s21], $0x280, s31, s30, $0x38;
	[tilespmem:$0x14000] =	vst v63  }
0xf3: {  	_ =	swait.ge [sflag:s28], $0x280  }
0xf4: {  	[sflag:s28] =	ssyncset.done $0x0  }
0xf5: {  	s4 =	simm.s32 $0x0;
	[sflag:s28] =	ssyncadd.s32 $0xFFFFFD80  }
0xf6: {  	s5 =	simm.s32 $0x40;
	v1 =	vld [tilespmem:s4+$0xC800]  }
.LBB2_28:
0xf7: {  	p0 =	sne.s32 s5, $0x9C0;
	v2 =	vld [tilespmem:s4+$0xF000];
	_ =	sdelay $0x2  }
.Ltmp13:
0xf8: {  	(pc) =	sbr.rel @p0 .LBB2_28-.Ltmp13, $4  }
0xf9: {  	_ = 	snop  }
0xfa: {  	v2 =	vadd.f32 v1, v2  }
0xfb: {  	s8 =	sshra.s32 s5, $0x2  }
0xfc: {  	s5 =	sadd.s32 $0x40, s5;
	v1 =	vld [tilespmem:s8+$0xC800];
	[tilespmem:s4+$0xF000] =	vst v2;
	s4 =	smov.u32 s8  }
0xfd: {  	v2 =	vld [tilespmem:s4+$0xF000];
	_ =	sdelay $0x4  }
0xfe: {  	v1 =	vadd.f32 v1, v2;
	_ =	sdelay $0x1  }
0xff: {  	[tilespmem:s4+$0xF000] =	vst v1  }
0x100: {  	[tilespmem:s0], [sflag:$0x1] =	stream.strided.gather [spmem:s22], $0x280, s31, s30, $0x38;
	[tilespmem:$0x14000] =	vst v63  }
0x101: {  	_ =	swait.ge [sflag:s28], $0x280  }
0x102: {  	[sflag:s28] =	ssyncset.done $0x0  }
0x103: {  	s4 =	simm.s32 $0x0;
	[sflag:s28] =	ssyncadd.s32 $0xFFFFFD80  }
0x104: {  	s5 =	simm.s32 $0x40;
	v1 =	vld [tilespmem:s4+$0xC800]  }
.LBB2_30:
0x105: {  	p0 =	sne.s32 s5, $0x9C0;
	v2 =	vld [tilespmem:s4+$0xF000];
	_ =	sdelay $0x2  }
.Ltmp14:
0x106: {  	(pc) =	sbr.rel @p0 .LBB2_30-.Ltmp14, $4  }
0x107: {  	_ = 	snop  }
0x108: {  	v2 =	vadd.f32 v1, v2  }
0x109: {  	s8 =	sshra.s32 s5, $0x2  }
0x10a: {  	s5 =	sadd.s32 $0x40, s5;
	v1 =	vld [tilespmem:s8+$0xC800];
	[tilespmem:s4+$0xF000] =	vst v2;
	s4 =	smov.u32 s8  }
0x10b: {  	v2 =	vld [tilespmem:s4+$0xF000];
	_ =	sdelay $0x4  }
0x10c: {  	v1 =	vadd.f32 v1, v2;
	_ =	sdelay $0x1  }
0x10d: {  	[tilespmem:s4+$0xF000] =	vst v1  }
0x10e: {  	[tilespmem:s0], [sflag:$0x1] =	stream.strided.gather [spmem:s23], $0x280, s31, s30, $0x38;
	[tilespmem:$0x14000] =	vst v63  }
0x10f: {  	_ =	swait.ge [sflag:s28], $0x280  }
0x110: {  	[sflag:s28] =	ssyncset.done $0x0  }
0x111: {  	s4 =	simm.s32 $0x0;
	[sflag:s28] =	ssyncadd.s32 $0xFFFFFD80  }
0x112: {  	s5 =	simm.s32 $0x40;
	v1 =	vld [tilespmem:s4+$0xC800]  }
.LBB2_32:
0x113: {  	p0 =	sne.s32 s5, $0x9C0;
	v2 =	vld [tilespmem:s4+$0xF000];
	_ =	sdelay $0x2  }
.Ltmp15:
0x114: {  	(pc) =	sbr.rel @p0 .LBB2_32-.Ltmp15, $4  }
0x115: {  	_ = 	snop  }
0x116: {  	v2 =	vadd.f32 v1, v2  }
0x117: {  	s8 =	sshra.s32 s5, $0x2  }
0x118: {  	s5 =	sadd.s32 $0x40, s5;
	v1 =	vld [tilespmem:s8+$0xC800];
	[tilespmem:s4+$0xF000] =	vst v2;
	s4 =	smov.u32 s8  }
0x119: {  	v2 =	vld [tilespmem:s4+$0xF000];
	_ =	sdelay $0x4  }
0x11a: {  	v1 =	vadd.f32 v1, v2;
	_ =	sdelay $0x1  }
0x11b: {  	[tilespmem:s4+$0xF000] =	vst v1  }
0x11c: {  	[tilespmem:s0], [sflag:$0x1] =	stream.strided.gather [spmem:s26], $0x280, s31, s30, $0x38;
	[tilespmem:$0x14000] =	vst v63  }
0x11d: {  	_ =	swait.ge [sflag:s28], $0x280  }
0x11e: {  	[sflag:s28] =	ssyncset.done $0x0  }
0x11f: {  	s4 =	simm.s32 $0x0;
	[sflag:s28] =	ssyncadd.s32 $0xFFFFFD80  }
0x120: {  	s5 =	simm.s32 $0x40;
	v1 =	vld [tilespmem:s4+$0xC800]  }
.LBB2_34:
0x121: {  	p0 =	sne.s32 s5, $0x9C0;
	v2 =	vld [tilespmem:s4+$0xF000];
	_ =	sdelay $0x2  }
.Ltmp16:
0x122: {  	(pc) =	sbr.rel @p0 .LBB2_34-.Ltmp16, $4  }
0x123: {  	_ = 	snop  }
0x124: {  	v2 =	vadd.f32 v1, v2  }
0x125: {  	s8 =	sshra.s32 s5, $0x2  }
0x126: {  	s5 =	sadd.s32 $0x40, s5;
	v1 =	vld [tilespmem:s8+$0xC800];
	[tilespmem:s4+$0xF000] =	vst v2;
	s4 =	smov.u32 s8  }
0x127: {  	v2 =	vld [tilespmem:s4+$0xF000];
	_ =	sdelay $0x4  }
0x128: {  	s3 =	sadd.s32 $0x1, s3;
	v1 =	vadd.f32 v1, v2  }
0x129: {  	p0 =	sne.s32 s3, s25  }
.Ltmp17:
0x12a: {  	s8 =	simm.s32 $0x100;
	[tilespmem:s4+$0xF000] =	vst v1;
	(pc) =	sbr.rel @p0 .LBB2_1-.Ltmp17, $4  }
0x12b: {  	[hbm4b:s24+s30] =	stream.strided.scatter [tilespmem:s1], [sflag:$0x1], $0x280, s8, s30, $0x38;
	[tilespmem:$0x14000] =	vst v63  }
0x12c: {  	_ =	swait.ge [sflag:s28], $0x280  }
0x12d: {  	[sflag:s28] =	ssyncset.done $0x0  }
0x12e: {  	[sflag:s28] =	ssyncadd.s32 $0xFFFFFD80  }
0x12f: {  	_ =	sfence.sel $0x180000  }
0x130: {  	[bflag:$0x0] =	sbarrier.arrive $0xFFFF  }
0x131: {  	_ =	strace $0x90000047  }
0x132: {  	s0 =	stileid.u32;
	[bflag:$0x2] =	sbarrier.arrive $0xFFFF  }
0x133: {  	p0 =	sne.s32 s0, $0x0;
	s0 =	rddreg [dreg:$0x3]  }
0x134: {  	s0 =	sadd.s32 @!p0 $0x100000, s0  }
0x135: {  	[sflag:s0] =	ssyncadd.tile.s32 @!p0 $0x1;
	_ =	shalt  }
.Lfunc_end2:
_tile_overlayer_lowered:
.L_overlay_start_2:
0x136: {  	(tag) =	ssettag $0x2  }
0x137: {  	s0 =	rddreg [dreg:$0x0];
	s2 =	stileid.u32  }
0x138: {  	s1 =	rddreg [dreg:$0x1];
	p0 =	sne.s32 s2, $0x0  }
0x139: {  	s3 =	rddreg [dreg:$0x2];
	[bflag:$0x3] =	sbarrier.arrive $0xFFFF;
	s2 =	simm.s32 @!p0 $0x1C01  }
0x13a: {  	[timem:s3], [sflag:s2] =	dma.local @!p0 [hbm:s0], s1  }
0x13b: {  	s0 =	simm.s32 @!p0 $0x1  }
0x13c: {  	_ =	swait.ge @!p0 [sflag:s0], s1  }
0x13d: {  	s1 =	ssub.s32 @!p0 $0x0, s1;
	[sflag:s0] =	ssyncset.done @!p0 $0x0  }
0x13e: {  	[sflag:s0] =	ssyncadd.s32 @!p0 s1  }
0x13f: {  	[bflag:$0x3] =	sbarrier.arrive $0xFFFF  }
0x140: {  	_ =	shalt  }

// kernel: kernel.9.cloned.1.call-start
scs
__scs_entry_jumppad:
0x0: {  	(pc) =	sbr.rel $0x88, $3  }
0x1: {  	(tag) =	ssettag $0x0;
	lr =	simm.s32 $0x1  }
0x2: {  	[smem:$0x3F9C] =	sst lr;
	_ =	strace $0xD0000000  }
0x3: {  	_ = 	snop  }
0x4: {  	_ = 	snop  }
0x5: {  	_ = 	snop  }
0x6: {  	_ = 	snop  }
0x7: {  	_ = 	snop  }
__scs_overlays_trampoline_lowered:
0x8: {  	[smem:$0x3FAB] =	sst s0  }
0x9: {  	[smem:$0x3FAC] =	sst s1  }
0xa: {  	[smem:$0x3FAD] =	sst s2  }
0xb: {  	[smem:$0x3FAE] =	sst s3  }
0xc: {  	[smem:$0x3FAF] =	sst s4  }
0xd: {  	[smem:$0x3FB0] =	sst s5  }
0xe: {  	[smem:$0x3FB1] =	sst s6  }
0xf: {  	[smem:$0x3FB2] =	sst s7  }
0x10: {  	[smem:$0x3FB3] =	sst s8  }
0x11: {  	[smem:$0x3FB4] =	sst s9;
	s0 =	simm.s32 @!p0 $0x0  }
0x12: {  	s1 =	sld [smem:$0x3F9A];
	s0 =	simm.s32 @p0 $0x1  }
0x13: {  	[smem:$0x3FB5] =	sst s0;
	s0 =	simm.s32 @!p1 $0x0  }
0x14: {  	s2 =	sld [smem:$0x3F99];
	s0 =	simm.s32 @p1 $0x1  }
0x15: {  	[smem:$0x3FB6] =	sst s0;
	s0 =	simm.s32 @!p2 $0x0  }
0x16: {  	s3 =	sld [smem:$0x3FDB];
	s0 =	simm.s32 @p2 $0x1  }
0x17: {  	s4 =	simm.s32 $0x1BF5;
	[smem:$0x3FB8] =	sst s0  }
0x18: {  	s0 =	sld [smem:$0x3F9B];
	_ =	swait.ge [sflag:s4], $0x0  }
0x19: {  	s7 =	sld [smem:$0x3F9C]  }
0x1a: {  	s8 =	sadd.s32 $0xFFFFE003, lr  }
0x1b: {  	s9 =	sadd.s32 $0xFFFFFEF7, lr;
	s5 =	simm.s32 $0xFFFFFFFF;
	p2 =	slt.u32 s8, $0xFFFFF086  }
0x1c: {  	p1 =	slt.u32 s9, $0xF7A;
	s5 =	simm.s32 @!p2 $0x0  }
0x1d: {  	s5 =	simm.s32 @p1 $0x1;
	p0 =	seq.s32 s7, s2  }
0x1e: {  	s7 =	smul.u32 @!p0 $0xF7A, s2;
	p2 =	seq.s32 @!p0 s5, $0x0  }
0x1f: {  	s9 =	smul.u32 $0xF7A, s1;
	s8 =	simm.s32 @!p0 $0x1BF5;
	p2 =	por !p2, p0  }
0x20: {  	[sflag:s8] =	ssyncset.s32 @!p0 $0xFFFFF086;
	s6 =	sadd.s32 @!p0 s3, s7;
	s7 =	simm.s32 @!p0 $0x108  }
0x21: {  	s3 =	sadd.s32 s3, s9;
	s6 =	sadd.s32 @!p0 $0x88, s6;
	s7 =	simm.s32 @p2 $0x1082  }
0x22: {  	[simem:s7], [sflag:s8] =	dma.local @!p0 [hbm:s6], $0xF7A  }
0x23: {  	s9 =	sor.u32 $0xD0000000, s2;
	s6 =	simm.s32 $0x108;
	_ =	swait.ge @!p0 [sflag:s8], $0x0  }
0x24: {  	s3 =	sadd.s32 $0x88, s3;
	s6 =	simm.s32 @!p1 $0x1082;
	[sflag:s4] =	ssyncset.s32 $0xFFFFF086  }
0x25: {  	[simem:s6], [sflag:s4] =	dma.local [hbm:s3], $0xF7A  }
0x26: {  	[smem:$0x3F9C] =	sst s1;
	(tag) =	ssettag s2;
	_ =	strace s9  }
0x27: {  	s1 =	sld [smem:$0x3FAC]  }
0x28: {  	s2 =	sld [smem:$0x3FAD]  }
0x29: {  	s4 =	sld [smem:$0x3FAF]  }
0x2a: {  	p0 =	seq.s32 s5, $0x0;
	s5 =	sld [smem:$0x3FB0]  }
0x2b: {  	s6 =	sld [smem:$0x3FB1]  }
0x2c: {  	s7 =	sld [smem:$0x3FB2]  }
0x2d: {  	s3 =	simm.s32 $0x108;
	s8 =	sld [smem:$0x3FB3]  }
0x2e: {  	s3 =	simm.s32 @!p0 $0x1082;
	s9 =	sld [smem:$0x3FB4]  }
0x2f: {  	lr =	sadd.s32 s0, s3;
	s0 =	sld [smem:$0x3FAB]  }
0x30: {  	s3 =	sld [smem:$0x3FAE]  }
0x31: {  	[smem:$0x3FB7] =	sst s10  }
0x32: {  	s10 =	sld [smem:$0x3FB5];
	_ =	sdelay $0x3  }
0x33: {  	p0 =	seq.s32 s10, $0x1;
	s10 =	sld [smem:$0x3FB7];
	_ =	sdelay $0x3  }
0x34: {  	[smem:$0x3FB7] =	sst s10  }
0x35: {  	s10 =	sld [smem:$0x3FB6];
	_ =	sdelay $0x3  }
0x36: {  	p1 =	seq.s32 s10, $0x1;
	s10 =	sld [smem:$0x3FB7];
	_ =	sdelay $0x3  }
0x37: {  	[smem:$0x3FB7] =	sst s10  }
0x38: {  	s10 =	sld [smem:$0x3FB8]  }
0x39: {  	_ = 	snop;
	(pc) =	sbr.ind lr, $3  }
0x3a: {  	_ = 	snop  }
0x3b: {  	_ = 	snop  }
0x3c: {  	p2 =	seq.s32 s10, $0x1;
	s10 =	sld [smem:$0x3FB7]  }
0x3d: {  	_ =	shalt  }
0x3e: {  	_ =	shalt  }
0x3f: {  	_ =	shalt  }
0x40: {  	_ =	shalt  }
0x41: {  	_ =	shalt  }
0x42: {  	_ =	shalt  }
0x43: {  	_ =	shalt  }
0x44: {  	_ =	shalt  }
0x45: {  	_ =	shalt  }
0x46: {  	_ =	shalt  }
0x47: {  	_ =	shalt  }
0x48: {  	_ =	shalt  }
0x49: {  	_ =	shalt  }
0x4a: {  	_ =	shalt  }
0x4b: {  	_ =	shalt  }
0x4c: {  	_ =	shalt  }
0x4d: {  	_ =	shalt  }
0x4e: {  	_ =	shalt  }
0x4f: {  	_ =	shalt  }
0x50: {  	_ =	shalt  }
0x51: {  	_ =	shalt  }
0x52: {  	_ =	shalt  }
0x53: {  	_ =	shalt  }
0x54: {  	_ =	shalt  }
0x55: {  	_ =	shalt  }
0x56: {  	_ =	shalt  }
0x57: {  	_ =	shalt  }
0x58: {  	_ =	shalt  }
0x59: {  	_ =	shalt  }
0x5a: {  	_ =	shalt  }
0x5b: {  	_ =	shalt  }
0x5c: {  	_ =	shalt  }
0x5d: {  	_ =	shalt  }
0x5e: {  	_ =	shalt  }
0x5f: {  	_ =	shalt  }
0x60: {  	_ =	shalt  }
0x61: {  	_ =	shalt  }
0x62: {  	_ =	shalt  }
0x63: {  	_ =	shalt  }
0x64: {  	_ =	shalt  }
0x65: {  	_ =	shalt  }
0x66: {  	_ =	shalt  }
0x67: {  	_ =	shalt  }
0x68: {  	_ =	shalt  }
0x69: {  	_ =	shalt  }
0x6a: {  	_ =	shalt  }
0x6b: {  	_ =	shalt  }
0x6c: {  	_ =	shalt  }
0x6d: {  	_ =	shalt  }
0x6e: {  	_ =	shalt  }
0x6f: {  	_ =	shalt  }
0x70: {  	_ =	shalt  }
0x71: {  	_ =	shalt  }
0x72: {  	_ =	shalt  }
0x73: {  	_ =	shalt  }
0x74: {  	_ =	shalt  }
0x75: {  	_ =	shalt  }
0x76: {  	_ =	shalt  }
0x77: {  	_ =	shalt  }
0x78: {  	_ =	shalt  }
0x79: {  	_ =	shalt  }
0x7a: {  	_ =	shalt  }
0x7b: {  	_ =	shalt  }
0x7c: {  	_ =	shalt  }
0x7d: {  	_ =	shalt  }
0x7e: {  	_ =	shalt  }
0x7f: {  	_ =	shalt  }
0x80: {  	_ =	shalt  }
0x81: {  	_ =	shalt  }
0x82: {  	_ =	shalt  }
0x83: {  	_ =	shalt  }
0x84: {  	_ =	shalt  }
0x85: {  	_ =	shalt  }
0x86: {  	_ =	shalt  }
0x87: {  	_ =	shalt  }
.Lfunc_end0:
.L_simem_size_0:
called_computation.1_lowered:
.L_overlay_start_0:
0x88: {  	s2 =	sld [smem:$0x3FD9]  }
0x89: {  	s3 =	sld [smem:$0x3FFE];
	_ =	sdelay $0x1  }
0x8a: {  	s1 =	srdreg.scid  }
0x8b: {  	s0 =	sand.u32 $0x1, s1  }
0x8c: {  	s17 =	sshll.u32 s0, $0xA;
	s2 =	sadd.s32 s3, s2  }
0x8d: {  	s2 =	sadd.s32 s2, s17  }
0x8e: {  	[smem:$0x3FC3] =	sst s2  }
0x8f: {  	_ = 	snop  }
0x90: {  	s2 =	sld [smem:$0x3FD0];
	(tm) =	ssettm $0x1  }
0x91: {  	s18 =	sld [smem:$0x3FFB];
	_ =	sdelay $0x3  }
0x92: {  	_ =	strace s18  }
0x93: {  	s3 =	sld [smem:$0x3FFC];
	_ =	sdelay $0x3  }
0x94: {  	_ =	strace s3  }
0x95: {  	s3 =	sld [smem:$0x3FFD];
	_ =	sdelay $0x3  }
0x96: {  	_ =	strace s3  }
0x97: {  	_ =	strace $0x8FFFFFFF  }
0x98: {  	s19 =	sld [smem:$0x3FDB];
	_ =	sdelay $0x1  }
0x99: {  	s4 =	simm.s32 $_scs_section_size  }
0x9a: {  	s5 =	simm.s32 $_size__tile_overlayer_lowered;
	s6 =	simm.s32 $_tile_overlayer_lowered  }
0x9b: {  	s22 =	simm.s32 $0x1BFF;
	s21 =	sshll.u32 s6, $0x1;
	s3 =	sadd.s32 s4, s19  }
0x9c: {  	s7 =	simm.s32 $0x0;
	s20 =	sshll.u32 s5, $0x1;
	s5 =	sadd.s32 s21, s3  }
0x9d: {  	[timem:s7], [sflag:s22] =	dma.local [hbm:s5], s20  }
0x9e: {  	_ =	swait.ge [sflag:s22], s20  }
0x9f: {  	s4 =	ssub.s32 $0x0, s20;
	[sflag:s22] =	ssyncset.done $0x0  }
0xa0: {  	[sflag:s22] =	ssyncadd.s32 s4;
	_ =	sdelay $0x1  }
0xa1: {  	s23 =	simm.s32 $0x1B8B  }
0xa2: {  	_ =	swait.ge [sflag:s23], $0x1  }
0xa3: {  	[sflag:s23] =	ssyncset.done $0x0  }
0xa4: {  	s25 =	simm.s32 $0x1B8E;
	s24 =	sld [smem:$0x3FFE];
	[sflag:s23] =	ssyncadd.s32 $0xFFFFFFFF  }
0xa5: {  	s26 =	simm.s32 $execute0_lowered;
	[smem:$0x3FD2] =	sst s25  }
0xa6: {  	s5 =	sshll.u32 s26, $0x1;
	_ =	strace $0x80000049;
	[dreg:$0x1] =	wrdreg $0xFFFFFFFF  }
0xa7: {  	s28 =	simm.s32 $_size_execute0_lowered;
	s3 =	sadd.s32 s3, s5;
	[dreg:$0x0] =	wrdreg $0x0  }
0xa8: {  	s5 =	sshll.u32 s28, $0x1;
	[dreg:$0x2] =	wrdreg s3  }
0xa9: {  	[dreg:$0x3] =	wrdreg s5  }
0xaa: {  	[dreg:$0x4] =	wrdreg $0xC0  }
0xab: {  	_ =	task [dreg:s7], $0x5FFFF  }
0xac: {  	[dreg:$0x1] =	wrdreg $0xFFFFFFFF  }
0xad: {  	[dreg:$0x0] =	wrdreg $0x60  }
0xae: {  	[dreg:$0x2] =	wrdreg s24  }
0xaf: {  	[dreg:$0x3] =	wrdreg s2  }
0xb0: {  	[dreg:$0x4] =	wrdreg $0x92000  }
0xb1: {  	[dreg:$0x5] =	wrdreg $0x9  }
0xb2: {  	_ =	task.clear_ibuf [dreg:s7], $0x6FFFF;
	_ =	strace $0x90000049  }
0xb3: {  	s29 =	simm.s32 $0x9;
	_ =	strace $0x8000004B  }
0xb4: {  	_ =	swait.ge [sflag:s29], $0x1  }
0xb5: {  	[sflag:s29] =	ssyncadd.s32 $0xFFFFFFFF  }
0xb6: {  	_ =	strace $0x9000004B  }
0xb7: {  	_ =	sfence  }
0xb8: {  	s30 =	sld [smem:$0x0];
	_ =	sdelay $0x2  }
0xb9: {  	s31 =	sshll.u32 s1, $0xD;
	s1 =	sshrl.u32 s1, $0x2  }
0xba: {  	s3 =	sand.u32 $0x4000, s31;
	s1 =	sadd.s32 s1, s30  }
0xbb: {  	s0 =	sor.u32 s3, s0;
	s1 =	sshll.u32 s1, $0x11  }
0xbc: {  	s0 =	sor.u32 s1, s0  }
0xbd: {  	s0 =	sadd.s32 $0x8F2B, s0  }
0xbe: {  	[sflag:s0] =	ssyncadd.remote.s32 $0x1  }
0xbf: {  	_ =	sfence.sel $0xFFFF  }
0xc0: {  	[dreg:$0x0] =	wrdreg $0xFFFFFFFF;
	(pc) =	sbr.abs _section_cstart, $3  }
0xc1: {  	[dreg:$0x1] =	wrdreg $0xFFFFFFFF  }
0xc2: {  	_ =	task.clear_ibuf [dreg:s7], $0x2FFFF;
	_ =	strace $0x9FFFFFFF  }
0xc3: {  	(tm) =	ssettm $0x7FFFFFFF  }
tec
execute0_lowered:
.L_overlay_start_1:
0x0: {  	(tag) =	ssettag $0x1  }
0x1: {  	s1 =	rddreg [dreg:$0x0]  }
0x2: {  	s2 =	rddreg [dreg:$0x1]  }
0x3: {  	s3 =	rddreg [dreg:$0x2]  }
0x4: {  	s4 =	simm.s32 $0x0;
	s0 =	srdreg.scid;
	s10 =	stileid.u32  }
0x5: {  	s28 =	simm.s32 $0x5000;
	s29 =	simm.s32 $0x5080;
	s30 =	simm.s32 $0x5100  }
0x6: {  	s31 =	simm.s32 $0x9180;
	[smem:$0x7FF] =	sst s4;
	s0 =	sand.u32 $0x1, s0  }
0x7: {  	s6 =	sadd.s32 $0xA000, s1;
	s7 =	sadd.s32 $0x32C00, s1;
	s9 =	smul.u32 $0x50000, s10  }
0x8: {  	s11 =	sadd.s32 $0x3CC00, s1;
	s16 =	sadd.s32 $0x3D600, s1;
	s14 =	smul.u32 $0x14000, s10  }
0x9: {  	s21 =	sadd.s32 $0x3CC10, s1;
	_ =	strace $0x8000004A;
	[dreg:$0x4] =	wrdreg s11  }
0xa: {  	s5 =	ssub.s32 $0x2, s0;
	s20 =	sshll.u32 s0, $0x4;
	[dreg:$0x5] =	wrdreg s21  }
0xb: {  	s0 =	smul.u32 $0x140000, s0;
	s8 =	sshrl.u32 s5, $0x1;
	s9 =	sshrl.u32 s9, $0x2  }
0xc: {  	s22 =	sadd.s32 $0x4000, s14;
	s18 =	sadd.s32 $0x8000, s14;
	s19 =	sadd.s32 $0xC000, s14  }
0xd: {  	s5 =	ssub.s32 s5, s8;
	s8 =	sor.u32 s10, s20;
	s10 =	sadd.s32 s9, s3  }
0xe: {  	s11 =	sadd.s32 s22, s3;
	s12 =	sadd.s32 s18, s3;
	s13 =	sadd.s32 s19, s3  }
0xf: {  	s20 =	sadd.s32 $0x10000, s14;
	s15 =	sadd.s32 s14, s0;
	s9 =	sadd.s32 s0, s22  }
0x10: {  	s25 =	sadd.s32 s0, s18;
	s26 =	sadd.s32 s0, s19;
	s22 =	simm.s32 $0x80  }
0x11: {  	s14 =	sadd.s32 s20, s3;
	s17 =	sshrl.u32 s15, $0x3;
	s15 =	smul.u32 $0x2800, s8  }
0x12: {  	s24 =	sshrl.u32 s9, $0x3;
	s8 =	sshrl.u32 s25, $0x3;
	s9 =	sshrl.u32 s26, $0x3  }
0x13: {  	s0 =	sadd.s32 s0, s20;
	s21 =	smax.u32 s5, $0x1;
	s26 =	simm.s32 $0x5180  }
0x14: {  	s23 =	sadd.s32 s16, s17;
	s17 =	sadd.s32 s16, s24;
	s18 =	sadd.s32 s16, s8  }
0x15: {  	s19 =	sadd.s32 s16, s9;
	s0 =	sshrl.u32 s0, $0x3;
	s24 =	simm.s32 $0x1  }
0x16: {  	v0 =	vimm.f32 $0.0e+00;
	[dreg:$0x6] =	wrdreg s23;
	s20 =	sadd.s32 s16, s0;
	s0 =	simm.s32 $0x0  }
.LBB2_1:
0x17: {  	s5 =	rddreg [dreg:$0x4];
	s8 =	simm.s32 $0x100  }
0x18: {  	[tilespmem:s4], [sflag:$0x1] =	stream.strided.gather [hbm4b:s5+s22], $0x2800, s8, s22, $0x38;
	[tilespmem:$0x1D200] =	vst v63  }
0x19: {  	_ =	swait.ge [sflag:s24], $0x2800  }
0x1a: {  	[sflag:s24] =	ssyncset.done $0x0  }
0x1b: {  	s9 =	simm.s32 $0x2800;
	s25 =	rddreg [dreg:$0x5];
	[sflag:s24] =	ssyncadd.s32 $0xFFFFD800  }
0x1c: {  	[tilespmem:s9], [sflag:$0x1] =	stream.strided.gather [hbm4b:s25+s22], $0x2800, s8, s22, $0x38;
	[tilespmem:$0x1D200] =	vst v63  }
0x1d: {  	_ =	swait.ge [sflag:s24], $0x2800  }
0x1e: {  	[sflag:s24] =	ssyncset.done $0x0  }
0x1f: {  	s5 =	simm.s32 $0x0;
	[sflag:s24] =	ssyncadd.s32 $0xFFFFD800  }
0x20: {  	s8 =	simm.s32 $0x40;
	v1 =	vld [tilespmem:s5+$0x2800]  }
.LBB2_2:
0x21: {  	p0 =	sne.s32 s8, $0x9FC0;
	v2 =	vld [tilespmem:s5+$0x0];
	_ =	sdelay $0x2  }
.Ltmp0:
0x22: {  	(pc) =	sbr.rel @p0 .LBB2_2-.Ltmp0, $4  }
0x23: {  	_ = 	snop  }
0x24: {  	v2 =	vadd.f32 v1, v2  }
0x25: {  	s9 =	sshra.s32 s8, $0x2  }
0x26: {  	s8 =	sadd.s32 $0x40, s8;
	v1 =	vld [tilespmem:s9+$0x2800];
	[tilespmem:s5+$0x0] =	vst v2;
	s5 =	smov.u32 s9  }
0x27: {  	v2 =	vld [tilespmem:s5+$0x0];
	_ =	sdelay $0x3  }
0x28: {  	s8 =	simm.s32 $0x0  }
0x29: {  	s9 =	sand.u32 $0xFE00, s8;
	v1 =	vadd.f32 v1, v2  }
0x2a: {  	s16 =	sand.u32 $0x70, s8;
	s9 =	sshrl.u32 s9, $0x2  }
0x2b: {  	s9 =	sor.u32 s16, s9;
	[tilespmem:s5+$0x0] =	vst v1;
	s5 =	simm.s32 $0x40  }
.LBB2_4:
0x2c: {  	p0 =	sne.s32 s5, $0xFFC0  }
0x2d: {  	[tilespmem:s9+$0x5180] =	vst v0;
	s8 =	sadd.s32 $0x10, s8;
	s9 =	smov.u32 s5;
	s5 =	sadd.s32 $0x40, s5  }
.Ltmp1:
0x2e: {  	(pc) =	sbr.rel @p0 .LBB2_4-.Ltmp1, $4  }
0x2f: {  	_ = 	snop  }
0x30: {  	s9 =	sand.u32 $0xFE00, s9  }
0x31: {  	s16 =	sand.u32 $0x70, s8;
	s9 =	sshrl.u32 s9, $0x2  }
0x32: {  	s9 =	sor.u32 s16, s9  }
0x33: {  	[tilespmem:s9+$0x5180] =	vst v0  }
0x34: {  	[spmem:s10] =	stream.linear.scatter [tilespmem:s26], [sflag:$0x1], $0x4000, $0x38;
	[tilespmem:$0x1D200] =	vst v63  }
0x35: {  	_ =	swait.ge [sflag:s24], $0x4000  }
0x36: {  	[sflag:s24] =	ssyncset.done $0x0  }
0x37: {  	[sflag:s24] =	ssyncadd.s32 $0xFFFFC000  }
0x38: {  	[spmem:s11] =	stream.linear.scatter [tilespmem:s26], [sflag:$0x1], $0x4000, $0x38;
	[tilespmem:$0x1D200] =	vst v63  }
0x39: {  	_ =	swait.ge [sflag:s24], $0x4000  }
0x3a: {  	[sflag:s24] =	ssyncset.done $0x0  }
0x3b: {  	[sflag:s24] =	ssyncadd.s32 $0xFFFFC000  }
0x3c: {  	[spmem:s12] =	stream.linear.scatter [tilespmem:s26], [sflag:$0x1], $0x4000, $0x38;
	[tilespmem:$0x1D200] =	vst v63  }
0x3d: {  	_ =	swait.ge [sflag:s24], $0x4000  }
0x3e: {  	[sflag:s24] =	ssyncset.done $0x0  }
0x3f: {  	[sflag:s24] =	ssyncadd.s32 $0xFFFFC000  }
0x40: {  	[spmem:s13] =	stream.linear.scatter [tilespmem:s26], [sflag:$0x1], $0x4000, $0x38;
	[tilespmem:$0x1D200] =	vst v63  }
0x41: {  	_ =	swait.ge [sflag:s24], $0x4000  }
0x42: {  	[sflag:s24] =	ssyncset.done $0x0  }
0x43: {  	[sflag:s24] =	ssyncadd.s32 $0xFFFFC000  }
0x44: {  	[spmem:s14] =	stream.linear.scatter [tilespmem:s26], [sflag:$0x1], $0x4000, $0x38;
	[tilespmem:$0x1D200] =	vst v63  }
0x45: {  	_ =	swait.ge [sflag:s24], $0x4000  }
0x46: {  	[sflag:s24] =	ssyncset.done $0x0  }
0x47: {  	[sflag:s24] =	ssyncadd.s32 $0xFFFFC000  }
0x48: {  	s5 =	simm.s32 $0x0;
	s25 =	simm.s32 $0x0;
	[bflag:$0x0] =	sbarrier.arrive $0xFFFF  }
.LBB2_6:
0x49: {  	s8 =	sshll.u32 s25, $0x7  }
0x4a: {  	s9 =	sand.u32 $0x3C00, s8  }
0x4b: {  	s8 =	sand.u32 $0x380, s8;
	s9 =	sadd.s32 s15, s9  }
0x4c: {  	s8 =	sor.u32 s8, s9  }
0x4d: {  	s8 =	sshrl.u32 s8, $0x3  }
0x4e: {  	s16 =	sadd.s32 s2, s8  }
0x4f: {  	[tilespmem:s28], [sflag:$0x1] =	stream.linear.gather [hbm4b:s16+s5], $0x80, $0x38;
	[tilespmem:$0x1D200] =	vst v63  }
0x50: {  	_ =	swait.ge [sflag:s24], $0x80  }
0x51: {  	[sflag:s24] =	ssyncset.done $0x0  }
0x52: {  	s23 =	sadd.s32 s1, s8;
	[sflag:s24] =	ssyncadd.s32 $0xFFFFFF80  }
0x53: {  	[tilespmem:s29], [sflag:$0x1] =	stream.linear.gather [hbm4b:s23+s5], $0x80, $0x38;
	[tilespmem:$0x1D200] =	vst v63  }
0x54: {  	_ =	swait.ge [sflag:s24], $0x80  }
0x55: {  	[sflag:s24] =	ssyncset.done $0x0  }
0x56: {  	s8 =	sadd.s32 s7, s8;
	[sflag:s24] =	ssyncadd.s32 $0xFFFFFF80  }
0x57: {  	[tilespmem:s30], [sflag:$0x1] =	stream.linear.gather [hbm4b:s8+s5], $0x80, $0x38;
	[tilespmem:$0x1D200] =	vst v63  }
0x58: {  	_ =	swait.ge [sflag:s24], $0x80  }
0x59: {  	[sflag:s24] =	ssyncset.done $0x0  }
0x5a: {  	[sflag:s24] =	ssyncadd.s32 $0xFFFFFF80  }
0x5b: {  	[tilespmem:s26], [sflag:$0x1] =	stream.indirect.gather [hbm4b:s6+s22], $0x80, s29, s22, $0xb8;
	[tilespmem:$0x1D200] =	vst v63  }
0x5c: {  	_ =	swait.ge [sflag:s24], $0x4000  }
0x5d: {  	[sflag:s24] =	ssyncset.done $0x0  }
0x5e: {  	[sflag:s24] =	ssyncadd.s32 $0xFFFFC000  }
0x5f: {  	v1 =	vld [tilespmem:$0x5000];
	_ =	sdelay $0x7  }
0x60: {  	v1 =	vld.idx.msk [tilespmem:v1+s5+$0x0], $0xffff;
	_ =	sdelay $0x4  }
0x61: {  	(erf) = vrcp.f32 v1;
	_ =	sdelay $0x4  }
0x62: {  	v1 =	vld [tilespmem:$0x5100];
	_ =	sdelay $0x3  }
0x63: {  	v2 =	vpop (erf)  }
0x64: {  	v1 =	vmul.f32 v2, v1  }
0x65: {  	v2 =	vmov s5  }
0x66: {  	s8 =	simm.s32 $0x51C0;
	[tilespmem:$0x9180] =	vst v1  }
0x67: {  	v5 =	vld [tilespmem:s8+$0x30]  }
0x68: {  	v8 =	vld [tilespmem:s8+$0x10]  }
0x69: {  	v6 =	vld [tilespmem:s8+$0xFFFFFFC0]  }
0x6a: {  	v2 =	vld.idx.msk [tilespmem:v2+s31+$0x0], $0xffff  }
0x6b: {  	v10 =	vld [tilespmem:s8+$0xFFFFFFE0]  }
0x6c: {  	v1 =	vld [tilespmem:s8+$0xFFFFFFF0]  }
0x6d: {  	v3 =	vld [tilespmem:s8+$0x20]  }
0x6e: {  	v4 =	vld [tilespmem:s8+$0xFFFFFFD0]  }
0x6f: {  	v9 =	vmul.f32 v5, v2;
	v5 =	vld [tilespmem:s8+$0x0]  }
0x70: {  	v7 =	vmul.f32 v6, v2  }
0x71: {  	s9 =	simm.s32 $0x1;
	s16 =	simm.s32 $0x51C0;
	v6 =	vmul.f32 v10, v2;
	v8 =	vmul.f32 v8, v2  }
.LBB2_7:
0x72: {  	p0 =	sne.s32 s9, $0xF  }
0x73: {  	v4 =	vmul.f32 v4, v2;
	v3 =	vmul.f32 v3, v2;
	[tilespmem:s8+$0x30] =	vst v9;
	s16 =	sadd.s32 $0x80, s16;
	s23 =	smov.u32 s9;
	s9 =	sadd.s32 $0x1, s9  }
0x74: {  	[tilespmem:s8+$0xFFFFFFC0] =	vst v7;
	v7 =	vmul.f32 v1, v2;
	v2 =	vmul.f32 v5, v2  }
0x75: {  	[tilespmem:s8+$0x10] =	vst v8  }
0x76: {  	v5 =	vmov s23;
	[tilespmem:s8+$0xFFFFFFE0] =	vst v6  }
0x77: {  	v1 =	vld [tilespmem:s16+$0xFFFFFFF0];
	[tilespmem:s8+$0xFFFFFFF0] =	vst v7  }
0x78: {  	v6 =	vld [tilespmem:s16+$0x30];
	[tilespmem:s8+$0x0] =	vst v2  }
0x79: {  	v8 =	vld [tilespmem:s16+$0x10];
	[tilespmem:s8+$0x20] =	vst v3  }
0x7a: {  	v7 =	vld [tilespmem:s16+$0xFFFFFFC0];
	[tilespmem:s8+$0xFFFFFFD0] =	vst v4;
	s8 =	smov.u32 s16  }
0x7b: {  	v2 =	vld.idx.msk [tilespmem:v5+s31+$0x0], $0xffff  }
0x7c: {  	v10 =	vld [tilespmem:s16+$0xFFFFFFE0]  }
0x7d: {  	v3 =	vld [tilespmem:s16+$0x20]  }
.Ltmp2:
0x7e: {  	v4 =	vld [tilespmem:s16+$0xFFFFFFD0];
	(pc) =	sbr.rel @p0 .LBB2_7-.Ltmp2, $3  }
0x7f: {  	v5 =	vld [tilespmem:s16+$0x0];
	_ =	sdelay $0x1  }
0x80: {  	v7 =	vmul.f32 v7, v2;
	v9 =	vmul.f32 v6, v2  }
0x81: {  	v8 =	vmul.f32 v8, v2;
	v6 =	vmul.f32 v10, v2  }
0x82: {  	[tilespmem:s8+$0x30] =	vst v9  }
0x83: {  	[tilespmem:s8+$0xFFFFFFC0] =	vst v7  }
0x84: {  	v1 =	vmul.f32 v1, v2;
	[tilespmem:s8+$0x10] =	vst v8  }
0x85: {  	v3 =	vmul.f32 v3, v2;
	[tilespmem:s8+$0xFFFFFFE0] =	vst v6  }
0x86: {  	v5 =	vmul.f32 v5, v2;
	[tilespmem:s8+$0xFFFFFFF0] =	vst v1  }
0x87: {  	v1 =	vmul.f32 v4, v2;
	[tilespmem:s8+$0x20] =	vst v3  }
0x88: {  	[tilespmem:s8+$0x0] =	vst v5  }
0x89: {  	[tilespmem:s8+$0xFFFFFFD0] =	vst v1  }
0x8a: {  	v1 =	vld [tilespmem:$0x5010];
	_ =	sdelay $0x6  }
0x8b: {  	s23 =	simm.s32 $0x0  }
0x8c: {  	v1 =	vld.idx.msk [tilespmem:v1+s23+$0x0], $0xffff;
	_ =	sdelay $0x4  }
0x8d: {  	(erf) = vrcp.f32 v1;
	_ =	sdelay $0x4  }
0x8e: {  	v1 =	vld [tilespmem:$0x5110];
	_ =	sdelay $0x3  }
0x8f: {  	v2 =	vpop (erf)  }
0x90: {  	v1 =	vmul.f32 v2, v1  }
0x91: {  	v2 =	vmov s23  }
0x92: {  	s8 =	simm.s32 $0x59F0;
	[tilespmem:$0x9180] =	vst v1  }
0x93: {  	v5 =	vld [tilespmem:s8+$0x0]  }
0x94: {  	v8 =	vld [tilespmem:s8+$0xFFFFFFE0]  }
0x95: {  	v6 =	vld [tilespmem:s8+$0xFFFFFF90]  }
0x96: {  	v1 =	vld.idx.msk [tilespmem:v2+s31+$0x0], $0xffff  }
0x97: {  	v10 =	vld [tilespmem:s8+$0xFFFFFFB0]  }
0x98: {  	v3 =	vld [tilespmem:s8+$0xFFFFFFC0]  }
0x99: {  	v4 =	vld [tilespmem:s8+$0xFFFFFFA0]  }
0x9a: {  	v2 =	vld [tilespmem:s8+$0xFFFFFFF0]  }
0x9b: {  	v9 =	vmul.f32 v5, v1;
	v5 =	vld [tilespmem:s8+$0xFFFFFFD0]  }
0x9c: {  	v7 =	vmul.f32 v6, v1  }
0x9d: {  	s9 =	simm.s32 $0x1;
	s16 =	simm.s32 $0x59F0;
	v6 =	vmul.f32 v10, v1;
	v8 =	vmul.f32 v8, v1  }
.LBB2_9:
0x9e: {  	p0 =	sne.s32 s9, $0xF  }
0x9f: {  	v4 =	vmul.f32 v4, v1;
	v10 =	vmul.f32 v2, v1;
	[tilespmem:s8+$0x0] =	vst v9;
	s16 =	sadd.s32 $0x80, s16;
	s23 =	smov.u32 s9;
	s9 =	sadd.s32 $0x1, s9  }
0xa0: {  	v3 =	vmul.f32 v3, v1;
	[tilespmem:s8+$0xFFFFFF90] =	vst v7;
	v1 =	vmul.f32 v5, v1  }
0xa1: {  	[tilespmem:s8+$0xFFFFFFE0] =	vst v8  }
0xa2: {  	v5 =	vmov s23;
	[tilespmem:s8+$0xFFFFFFB0] =	vst v6  }
0xa3: {  	v2 =	vld [tilespmem:s16+$0xFFFFFFF0];
	[tilespmem:s8+$0xFFFFFFC0] =	vst v3  }
0xa4: {  	v6 =	vld [tilespmem:s16+$0x0];
	[tilespmem:s8+$0xFFFFFFD0] =	vst v1  }
0xa5: {  	v3 =	vld [tilespmem:s16+$0xFFFFFFC0];
	[tilespmem:s8+$0xFFFFFFF0] =	vst v10  }
0xa6: {  	v8 =	vld [tilespmem:s16+$0xFFFFFFE0];
	[tilespmem:s8+$0xFFFFFFA0] =	vst v4;
	s8 =	smov.u32 s16  }
0xa7: {  	v1 =	vld.idx.msk [tilespmem:v5+s31+$0x0], $0xffff  }
0xa8: {  	v7 =	vld [tilespmem:s16+$0xFFFFFF90]  }
0xa9: {  	v10 =	vld [tilespmem:s16+$0xFFFFFFB0]  }
.Ltmp3:
0xaa: {  	v4 =	vld [tilespmem:s16+$0xFFFFFFA0];
	(pc) =	sbr.rel @p0 .LBB2_9-.Ltmp3, $3  }
0xab: {  	v5 =	vld [tilespmem:s16+$0xFFFFFFD0];
	_ =	sdelay $0x1  }
0xac: {  	v9 =	vmul.f32 v6, v1;
	v7 =	vmul.f32 v7, v1  }
0xad: {  	v8 =	vmul.f32 v8, v1;
	v6 =	vmul.f32 v10, v1  }
0xae: {  	[tilespmem:s8+$0x0] =	vst v9  }
0xaf: {  	[tilespmem:s8+$0xFFFFFF90] =	vst v7  }
0xb0: {  	v3 =	vmul.f32 v3, v1;
	[tilespmem:s8+$0xFFFFFFE0] =	vst v8  }
0xb1: {  	v2 =	vmul.f32 v2, v1;
	[tilespmem:s8+$0xFFFFFFB0] =	vst v6  }
0xb2: {  	v5 =	vmul.f32 v5, v1;
	[tilespmem:s8+$0xFFFFFFC0] =	vst v3  }
0xb3: {  	v1 =	vmul.f32 v4, v1;
	[tilespmem:s8+$0xFFFFFFF0] =	vst v2  }
0xb4: {  	[tilespmem:s8+$0xFFFFFFD0] =	vst v5  }
0xb5: {  	[tilespmem:s8+$0xFFFFFFA0] =	vst v1  }
0xb6: {  	v1 =	vld [tilespmem:$0x5020];
	_ =	sdelay $0x6  }
0xb7: {  	s23 =	simm.s32 $0x0  }
0xb8: {  	v1 =	vld.idx.msk [tilespmem:v1+s23+$0x0], $0xffff;
	_ =	sdelay $0x4  }
0xb9: {  	(erf) = vrcp.f32 v1;
	_ =	sdelay $0x4  }
0xba: {  	v1 =	vld [tilespmem:$0x5120];
	_ =	sdelay $0x3  }
0xbb: {  	v2 =	vpop (erf)  }
0xbc: {  	v1 =	vmul.f32 v2, v1  }
0xbd: {  	v2 =	vmov s23  }
0xbe: {  	s8 =	simm.s32 $0x61F0;
	[tilespmem:$0x9180] =	vst v1  }
0xbf: {  	v5 =	vld [tilespmem:s8+$0x0]  }
0xc0: {  	v8 =	vld [tilespmem:s8+$0xFFFFFFE0]  }
0xc1: {  	v6 =	vld [tilespmem:s8+$0xFFFFFF90]  }
0xc2: {  	v1 =	vld.idx.msk [tilespmem:v2+s31+$0x0], $0xffff  }
0xc3: {  	v10 =	vld [tilespmem:s8+$0xFFFFFFB0]  }
0xc4: {  	v3 =	vld [tilespmem:s8+$0xFFFFFFC0]  }
0xc5: {  	v4 =	vld [tilespmem:s8+$0xFFFFFFA0]  }
0xc6: {  	v2 =	vld [tilespmem:s8+$0xFFFFFFF0]  }
0xc7: {  	v9 =	vmul.f32 v5, v1;
	v5 =	vld [tilespmem:s8+$0xFFFFFFD0]  }
0xc8: {  	v7 =	vmul.f32 v6, v1  }
0xc9: {  	s9 =	simm.s32 $0x1;
	s16 =	simm.s32 $0x61F0;
	v6 =	vmul.f32 v10, v1;
	v8 =	vmul.f32 v8, v1  }
.LBB2_11:
0xca: {  	p0 =	sne.s32 s9, $0xF  }
0xcb: {  	v4 =	vmul.f32 v4, v1;
	v10 =	vmul.f32 v2, v1;
	[tilespmem:s8+$0x0] =	vst v9;
	s16 =	sadd.s32 $0x80, s16;
	s23 =	smov.u32 s9;
	s9 =	sadd.s32 $0x1, s9  }
0xcc: {  	v3 =	vmul.f32 v3, v1;
	[tilespmem:s8+$0xFFFFFF90] =	vst v7;
	v1 =	vmul.f32 v5, v1  }
0xcd: {  	[tilespmem:s8+$0xFFFFFFE0] =	vst v8  }
0xce: {  	v5 =	vmov s23;
	[tilespmem:s8+$0xFFFFFFB0] =	vst v6  }
0xcf: {  	v2 =	vld [tilespmem:s16+$0xFFFFFFF0];
	[tilespmem:s8+$0xFFFFFFC0] =	vst v3  }
0xd0: {  	v6 =	vld [tilespmem:s16+$0x0];
	[tilespmem:s8+$0xFFFFFFD0] =	vst v1  }
0xd1: {  	v3 =	vld [tilespmem:s16+$0xFFFFFFC0];
	[tilespmem:s8+$0xFFFFFFF0] =	vst v10  }
0xd2: {  	v8 =	vld [tilespmem:s16+$0xFFFFFFE0];
	[tilespmem:s8+$0xFFFFFFA0] =	vst v4;
	s8 =	smov.u32 s16  }
0xd3: {  	v1 =	vld.idx.msk [tilespmem:v5+s31+$0x0], $0xffff  }
0xd4: {  	v7 =	vld [tilespmem:s16+$0xFFFFFF90]  }
0xd5: {  	v10 =	vld [tilespmem:s16+$0xFFFFFFB0]  }
.Ltmp4:
0xd6: {  	v4 =	vld [tilespmem:s16+$0xFFFFFFA0];
	(pc) =	sbr.rel @p0 .LBB2_11-.Ltmp4, $3  }
0xd7: {  	v5 =	vld [tilespmem:s16+$0xFFFFFFD0];
	_ =	sdelay $0x1  }
0xd8: {  	v9 =	vmul.f32 v6, v1;
	v7 =	vmul.f32 v7, v1  }
0xd9: {  	v8 =	vmul.f32 v8, v1;
	v6 =	vmul.f32 v10, v1  }
0xda: {  	[tilespmem:s8+$0x0] =	vst v9  }
0xdb: {  	[tilespmem:s8+$0xFFFFFF90] =	vst v7  }
0xdc: {  	v3 =	vmul.f32 v3, v1;
	[tilespmem:s8+$0xFFFFFFE0] =	vst v8  }
0xdd: {  	v2 =	vmul.f32 v2, v1;
	[tilespmem:s8+$0xFFFFFFB0] =	vst v6  }
0xde: {  	v5 =	vmul.f32 v5, v1;
	[tilespmem:s8+$0xFFFFFFC0] =	vst v3  }
0xdf: {  	v1 =	vmul.f32 v4, v1;
	[tilespmem:s8+$0xFFFFFFF0] =	vst v2  }
0xe0: {  	[tilespmem:s8+$0xFFFFFFD0] =	vst v5  }
0xe1: {  	[tilespmem:s8+$0xFFFFFFA0] =	vst v1  }
0xe2: {  	v1 =	vld [tilespmem:$0x5030];
	_ =	sdelay $0x6  }
0xe3: {  	s23 =	simm.s32 $0x0  }
0xe4: {  	v1 =	vld.idx.msk [tilespmem:v1+s23+$0x0], $0xffff;
	_ =	sdelay $0x4  }
0xe5: {  	(erf) = vrcp.f32 v1;
	_ =	sdelay $0x4  }
0xe6: {  	v1 =	vld [tilespmem:$0x5130];
	_ =	sdelay $0x3  }
0xe7: {  	v2 =	vpop (erf)  }
0xe8: {  	v1 =	vmul.f32 v2, v1  }
0xe9: {  	v2 =	vmov s23  }
0xea: {  	s8 =	simm.s32 $0x69F0;
	[tilespmem:$0x9180] =	vst v1  }
0xeb: {  	v5 =	vld [tilespmem:s8+$0x0]  }
0xec: {  	v8 =	vld [tilespmem:s8+$0xFFFFFFE0]  }
0xed: {  	v6 =	vld [tilespmem:s8+$0xFFFFFF90]  }
0xee: {  	v1 =	vld.idx.msk [tilespmem:v2+s31+$0x0], $0xffff  }
0xef: {  	v10 =	vld [tilespmem:s8+$0xFFFFFFB0]  }
0xf0: {  	v3 =	vld [tilespmem:s8+$0xFFFFFFC0]  }
0xf1: {  	v4 =	vld [tilespmem:s8+$0xFFFFFFA0]  }
0xf2: {  	v2 =	vld [tilespmem:s8+$0xFFFFFFF0]  }
0xf3: {  	v9 =	vmul.f32 v5, v1;
	v5 =	vld [tilespmem:s8+$0xFFFFFFD0]  }
0xf4: {  	v7 =	vmul.f32 v6, v1  }
0xf5: {  	s9 =	simm.s32 $0x1;
	s16 =	simm.s32 $0x69F0;
	v6 =	vmul.f32 v10, v1;
	v8 =	vmul.f32 v8, v1  }
.LBB2_13:
0xf6: {  	p0 =	sne.s32 s9, $0xF  }
0xf7: {  	v4 =	vmul.f32 v4, v1;
	v10 =	vmul.f32 v2, v1;
	[tilespmem:s8+$0x0] =	vst v9;
	s16 =	sadd.s32 $0x80, s16;
	s23 =	smov.u32 s9;
	s9 =	sadd.s32 $0x1, s9  }
0xf8: {  	v3 =	vmul.f32 v3, v1;
	[tilespmem:s8+$0xFFFFFF90] =	vst v7;
	v1 =	vmul.f32 v5, v1  }
0xf9: {  	[tilespmem:s8+$0xFFFFFFE0] =	vst v8  }
0xfa: {  	v5 =	vmov s23;
	[tilespmem:s8+$0xFFFFFFB0] =	vst v6  }
0xfb: {  	v2 =	vld [tilespmem:s16+$0xFFFFFFF0];
	[tilespmem:s8+$0xFFFFFFC0] =	vst v3  }
0xfc: {  	v6 =	vld [tilespmem:s16+$0x0];
	[tilespmem:s8+$0xFFFFFFD0] =	vst v1  }
0xfd: {  	v3 =	vld [tilespmem:s16+$0xFFFFFFC0];
	[tilespmem:s8+$0xFFFFFFF0] =	vst v10  }
0xfe: {  	v8 =	vld [tilespmem:s16+$0xFFFFFFE0];
	[tilespmem:s8+$0xFFFFFFA0] =	vst v4;
	s8 =	smov.u32 s16  }
0xff: {  	v1 =	vld.idx.msk [tilespmem:v5+s31+$0x0], $0xffff  }
0x100: {  	v7 =	vld [tilespmem:s16+$0xFFFFFF90]  }
0x101: {  	v10 =	vld [tilespmem:s16+$0xFFFFFFB0]  }
.Ltmp5:
0x102: {  	v4 =	vld [tilespmem:s16+$0xFFFFFFA0];
	(pc) =	sbr.rel @p0 .LBB2_13-.Ltmp5, $3  }
0x103: {  	v5 =	vld [tilespmem:s16+$0xFFFFFFD0];
	_ =	sdelay $0x1  }
0x104: {  	v9 =	vmul.f32 v6, v1;
	v7 =	vmul.f32 v7, v1  }
0x105: {  	v8 =	vmul.f32 v8, v1;
	v6 =	vmul.f32 v10, v1  }
0x106: {  	[tilespmem:s8+$0x0] =	vst v9  }
0x107: {  	[tilespmem:s8+$0xFFFFFF90] =	vst v7  }
0x108: {  	v3 =	vmul.f32 v3, v1;
	[tilespmem:s8+$0xFFFFFFE0] =	vst v8  }
0x109: {  	v2 =	vmul.f32 v2, v1;
	[tilespmem:s8+$0xFFFFFFB0] =	vst v6  }
0x10a: {  	v5 =	vmul.f32 v5, v1;
	[tilespmem:s8+$0xFFFFFFC0] =	vst v3  }
0x10b: {  	v1 =	vmul.f32 v4, v1;
	[tilespmem:s8+$0xFFFFFFF0] =	vst v2  }
0x10c: {  	[tilespmem:s8+$0xFFFFFFD0] =	vst v5  }
0x10d: {  	[tilespmem:s8+$0xFFFFFFA0] =	vst v1  }
0x10e: {  	v1 =	vld [tilespmem:$0x5040];
	_ =	sdelay $0x6  }
0x10f: {  	s23 =	simm.s32 $0x0  }
0x110: {  	v1 =	vld.idx.msk [tilespmem:v1+s23+$0x0], $0xffff;
	_ =	sdelay $0x4  }
0x111: {  	(erf) = vrcp.f32 v1;
	_ =	sdelay $0x4  }
0x112: {  	v1 =	vld [tilespmem:$0x5140];
	_ =	sdelay $0x3  }
0x113: {  	v2 =	vpop (erf)  }
0x114: {  	v1 =	vmul.f32 v2, v1  }
0x115: {  	v2 =	vmov s23  }
0x116: {  	s8 =	simm.s32 $0x71F0;
	[tilespmem:$0x9180] =	vst v1  }
0x117: {  	v5 =	vld [tilespmem:s8+$0x0]  }
0x118: {  	v8 =	vld [tilespmem:s8+$0xFFFFFFE0]  }
0x119: {  	v6 =	vld [tilespmem:s8+$0xFFFFFF90]  }
0x11a: {  	v1 =	vld.idx.msk [tilespmem:v2+s31+$0x0], $0xffff  }
0x11b: {  	v10 =	vld [tilespmem:s8+$0xFFFFFFB0]  }
0x11c: {  	v3 =	vld [tilespmem:s8+$0xFFFFFFC0]  }
0x11d: {  	v4 =	vld [tilespmem:s8+$0xFFFFFFA0]  }
0x11e: {  	v2 =	vld [tilespmem:s8+$0xFFFFFFF0]  }
0x11f: {  	v9 =	vmul.f32 v5, v1;
	v5 =	vld [tilespmem:s8+$0xFFFFFFD0]  }
0x120: {  	v7 =	vmul.f32 v6, v1  }
0x121: {  	s9 =	simm.s32 $0x1;
	s16 =	simm.s32 $0x71F0;
	v6 =	vmul.f32 v10, v1;
	v8 =	vmul.f32 v8, v1  }
.LBB2_15:
0x122: {  	p0 =	sne.s32 s9, $0xF  }
0x123: {  	v4 =	vmul.f32 v4, v1;
	v10 =	vmul.f32 v2, v1;
	[tilespmem:s8+$0x0] =	vst v9;
	s16 =	sadd.s32 $0x80, s16;
	s23 =	smov.u32 s9;
	s9 =	sadd.s32 $0x1, s9  }
0x124: {  	v3 =	vmul.f32 v3, v1;
	[tilespmem:s8+$0xFFFFFF90] =	vst v7;
	v1 =	vmul.f32 v5, v1  }
0x125: {  	[tilespmem:s8+$0xFFFFFFE0] =	vst v8  }
0x126: {  	v5 =	vmov s23;
	[tilespmem:s8+$0xFFFFFFB0] =	vst v6  }
0x127: {  	v2 =	vld [tilespmem:s16+$0xFFFFFFF0];
	[tilespmem:s8+$0xFFFFFFC0] =	vst v3  }
0x128: {  	v6 =	vld [tilespmem:s16+$0x0];
	[tilespmem:s8+$0xFFFFFFD0] =	vst v1  }
0x129: {  	v3 =	vld [tilespmem:s16+$0xFFFFFFC0];
	[tilespmem:s8+$0xFFFFFFF0] =	vst v10  }
0x12a: {  	v8 =	vld [tilespmem:s16+$0xFFFFFFE0];
	[tilespmem:s8+$0xFFFFFFA0] =	vst v4;
	s8 =	smov.u32 s16  }
0x12b: {  	v1 =	vld.idx.msk [tilespmem:v5+s31+$0x0], $0xffff  }
0x12c: {  	v7 =	vld [tilespmem:s16+$0xFFFFFF90]  }
0x12d: {  	v10 =	vld [tilespmem:s16+$0xFFFFFFB0]  }
.Ltmp6:
0x12e: {  	v4 =	vld [tilespmem:s16+$0xFFFFFFA0];
	(pc) =	sbr.rel @p0 .LBB2_15-.Ltmp6, $3  }
0x12f: {  	v5 =	vld [tilespmem:s16+$0xFFFFFFD0];
	_ =	sdelay $0x1  }
0x130: {  	v9 =	vmul.f32 v6, v1;
	v7 =	vmul.f32 v7, v1  }
0x131: {  	v8 =	vmul.f32 v8, v1;
	v6 =	vmul.f32 v10, v1  }
0x132: {  	[tilespmem:s8+$0x0] =	vst v9  }
0x133: {  	[tilespmem:s8+$0xFFFFFF90] =	vst v7  }
0x134: {  	v3 =	vmul.f32 v3, v1;
	[tilespmem:s8+$0xFFFFFFE0] =	vst v8  }
0x135: {  	v2 =	vmul.f32 v2, v1;
	[tilespmem:s8+$0xFFFFFFB0] =	vst v6  }
0x136: {  	v5 =	vmul.f32 v5, v1;
	[tilespmem:s8+$0xFFFFFFC0] =	vst v3  }
0x137: {  	v1 =	vmul.f32 v4, v1;
	[tilespmem:s8+$0xFFFFFFF0] =	vst v2  }
0x138: {  	[tilespmem:s8+$0xFFFFFFD0] =	vst v5  }
0x139: {  	[tilespmem:s8+$0xFFFFFFA0] =	vst v1  }
0x13a: {  	v1 =	vld [tilespmem:$0x5050];
	_ =	sdelay $0x6  }
0x13b: {  	s23 =	simm.s32 $0x0  }
0x13c: {  	v1 =	vld.idx.msk [tilespmem:v1+s23+$0x0], $0xffff;
	_ =	sdelay $0x4  }
0x13d: {  	(erf) = vrcp.f32 v1;
	_ =	sdelay $0x4  }
0x13e: {  	v1 =	vld [tilespmem:$0x5150];
	_ =	sdelay $0x3  }
0x13f: {  	v2 =	vpop (erf)  }
0x140: {  	v1 =	vmul.f32 v2, v1  }
0x141: {  	v2 =	vmov s23  }
0x142: {  	s8 =	simm.s32 $0x79F0;
	[tilespmem:$0x9180] =	vst v1  }
0x143: {  	v5 =	vld [tilespmem:s8+$0x0]  }
0x144: {  	v8 =	vld [tilespmem:s8+$0xFFFFFFE0]  }
0x145: {  	v6 =	vld [tilespmem:s8+$0xFFFFFF90]  }
0x146: {  	v1 =	vld.idx.msk [tilespmem:v2+s31+$0x0], $0xffff  }
0x147: {  	v10 =	vld [tilespmem:s8+$0xFFFFFFB0]  }
0x148: {  	v3 =	vld [tilespmem:s8+$0xFFFFFFC0]  }
0x149: {  	v4 =	vld [tilespmem:s8+$0xFFFFFFA0]  }
0x14a: {  	v2 =	vld [tilespmem:s8+$0xFFFFFFF0]  }
0x14b: {  	v9 =	vmul.f32 v5, v1;
	v5 =	vld [tilespmem:s8+$0xFFFFFFD0]  }
0x14c: {  	v7 =	vmul.f32 v6, v1  }
0x14d: {  	s9 =	simm.s32 $0x1;
	s16 =	simm.s32 $0x79F0;
	v6 =	vmul.f32 v10, v1;
	v8 =	vmul.f32 v8, v1  }
.LBB2_17:
0x14e: {  	p0 =	sne.s32 s9, $0xF  }
0x14f: {  	v4 =	vmul.f32 v4, v1;
	v10 =	vmul.f32 v2, v1;
	[tilespmem:s8+$0x0] =	vst v9;
	s16 =	sadd.s32 $0x80, s16;
	s23 =	smov.u32 s9;
	s9 =	sadd.s32 $0x1, s9  }
0x150: {  	v3 =	vmul.f32 v3, v1;
	[tilespmem:s8+$0xFFFFFF90] =	vst v7;
	v1 =	vmul.f32 v5, v1  }
0x151: {  	[tilespmem:s8+$0xFFFFFFE0] =	vst v8  }
0x152: {  	v5 =	vmov s23;
	[tilespmem:s8+$0xFFFFFFB0] =	vst v6  }
0x153: {  	v2 =	vld [tilespmem:s16+$0xFFFFFFF0];
	[tilespmem:s8+$0xFFFFFFC0] =	vst v3  }
0x154: {  	v6 =	vld [tilespmem:s16+$0x0];
	[tilespmem:s8+$0xFFFFFFD0] =	vst v1  }
0x155: {  	v3 =	vld [tilespmem:s16+$0xFFFFFFC0];
	[tilespmem:s8+$0xFFFFFFF0] =	vst v10  }
0x156: {  	v8 =	vld [tilespmem:s16+$0xFFFFFFE0];
	[tilespmem:s8+$0xFFFFFFA0] =	vst v4;
	s8 =	smov.u32 s16  }
0x157: {  	v1 =	vld.idx.msk [tilespmem:v5+s31+$0x0], $0xffff  }
0x158: {  	v7 =	vld [tilespmem:s16+$0xFFFFFF90]  }
0x159: {  	v10 =	vld [tilespmem:s16+$0xFFFFFFB0]  }
.Ltmp7:
0x15a: {  	v4 =	vld [tilespmem:s16+$0xFFFFFFA0];
	(pc) =	sbr.rel @p0 .LBB2_17-.Ltmp7, $3  }
0x15b: {  	v5 =	vld [tilespmem:s16+$0xFFFFFFD0];
	_ =	sdelay $0x1  }
0x15c: {  	v9 =	vmul.f32 v6, v1;
	v7 =	vmul.f32 v7, v1  }
0x15d: {  	v8 =	vmul.f32 v8, v1;
	v6 =	vmul.f32 v10, v1  }
0x15e: {  	[tilespmem:s8+$0x0] =	vst v9  }
0x15f: {  	[tilespmem:s8+$0xFFFFFF90] =	vst v7  }
0x160: {  	v3 =	vmul.f32 v3, v1;
	[tilespmem:s8+$0xFFFFFFE0] =	vst v8  }
0x161: {  	v2 =	vmul.f32 v2, v1;
	[tilespmem:s8+$0xFFFFFFB0] =	vst v6  }
0x162: {  	v5 =	vmul.f32 v5, v1;
	[tilespmem:s8+$0xFFFFFFC0] =	vst v3  }
0x163: {  	v1 =	vmul.f32 v4, v1;
	[tilespmem:s8+$0xFFFFFFF0] =	vst v2  }
0x164: {  	[tilespmem:s8+$0xFFFFFFD0] =	vst v5  }
0x165: {  	[tilespmem:s8+$0xFFFFFFA0] =	vst v1  }
0x166: {  	v1 =	vld [tilespmem:$0x5060];
	_ =	sdelay $0x6  }
0x167: {  	s23 =	simm.s32 $0x0  }
0x168: {  	v1 =	vld.idx.msk [tilespmem:v1+s23+$0x0], $0xffff;
	_ =	sdelay $0x4  }
0x169: {  	(erf) = vrcp.f32 v1;
	_ =	sdelay $0x4  }
0x16a: {  	v1 =	vld [tilespmem:$0x5160];
	_ =	sdelay $0x3  }
0x16b: {  	v2 =	vpop (erf)  }
0x16c: {  	v1 =	vmul.f32 v2, v1  }
0x16d: {  	v2 =	vmov s23  }
0x16e: {  	s8 =	simm.s32 $0x81F0;
	[tilespmem:$0x9180] =	vst v1  }
0x16f: {  	v5 =	vld [tilespmem:s8+$0x0]  }
0x170: {  	v8 =	vld [tilespmem:s8+$0xFFFFFFE0]  }
0x171: {  	v6 =	vld [tilespmem:s8+$0xFFFFFF90]  }
0x172: {  	v1 =	vld.idx.msk [tilespmem:v2+s31+$0x0], $0xffff  }
0x173: {  	v10 =	vld [tilespmem:s8+$0xFFFFFFB0]  }
0x174: {  	v3 =	vld [tilespmem:s8+$0xFFFFFFC0]  }
0x175: {  	v4 =	vld [tilespmem:s8+$0xFFFFFFA0]  }
0x176: {  	v2 =	vld [tilespmem:s8+$0xFFFFFFF0]  }
0x177: {  	v9 =	vmul.f32 v5, v1;
	v5 =	vld [tilespmem:s8+$0xFFFFFFD0]  }
0x178: {  	v7 =	vmul.f32 v6, v1  }
0x179: {  	s9 =	simm.s32 $0x1;
	s16 =	simm.s32 $0x81F0;
	v6 =	vmul.f32 v10, v1;
	v8 =	vmul.f32 v8, v1  }
.LBB2_19:
0x17a: {  	p0 =	sne.s32 s9, $0xF  }
0x17b: {  	v4 =	vmul.f32 v4, v1;
	v10 =	vmul.f32 v2, v1;
	[tilespmem:s8+$0x0] =	vst v9;
	s16 =	sadd.s32 $0x80, s16;
	s23 =	smov.u32 s9;
	s9 =	sadd.s32 $0x1, s9  }
0x17c: {  	v3 =	vmul.f32 v3, v1;
	[tilespmem:s8+$0xFFFFFF90] =	vst v7;
	v1 =	vmul.f32 v5, v1  }
0x17d: {  	[tilespmem:s8+$0xFFFFFFE0] =	vst v8  }
0x17e: {  	v5 =	vmov s23;
	[tilespmem:s8+$0xFFFFFFB0] =	vst v6  }
0x17f: {  	v2 =	vld [tilespmem:s16+$0xFFFFFFF0];
	[tilespmem:s8+$0xFFFFFFC0] =	vst v3  }
0x180: {  	v6 =	vld [tilespmem:s16+$0x0];
	[tilespmem:s8+$0xFFFFFFD0] =	vst v1  }
0x181: {  	v3 =	vld [tilespmem:s16+$0xFFFFFFC0];
	[tilespmem:s8+$0xFFFFFFF0] =	vst v10  }
0x182: {  	v8 =	vld [tilespmem:s16+$0xFFFFFFE0];
	[tilespmem:s8+$0xFFFFFFA0] =	vst v4;
	s8 =	smov.u32 s16  }
0x183: {  	v1 =	vld.idx.msk [tilespmem:v5+s31+$0x0], $0xffff  }
0x184: {  	v7 =	vld [tilespmem:s16+$0xFFFFFF90]  }
0x185: {  	v10 =	vld [tilespmem:s16+$0xFFFFFFB0]  }
.Ltmp8:
0x186: {  	v4 =	vld [tilespmem:s16+$0xFFFFFFA0];
	(pc) =	sbr.rel @p0 .LBB2_19-.Ltmp8, $3  }
0x187: {  	v5 =	vld [tilespmem:s16+$0xFFFFFFD0];
	_ =	sdelay $0x1  }
0x188: {  	v9 =	vmul.f32 v6, v1;
	v7 =	vmul.f32 v7, v1  }
0x189: {  	v8 =	vmul.f32 v8, v1;
	v6 =	vmul.f32 v10, v1  }
0x18a: {  	[tilespmem:s8+$0x0] =	vst v9  }
0x18b: {  	[tilespmem:s8+$0xFFFFFF90] =	vst v7  }
0x18c: {  	v3 =	vmul.f32 v3, v1;
	[tilespmem:s8+$0xFFFFFFE0] =	vst v8  }
0x18d: {  	v2 =	vmul.f32 v2, v1;
	[tilespmem:s8+$0xFFFFFFB0] =	vst v6  }
0x18e: {  	v5 =	vmul.f32 v5, v1;
	[tilespmem:s8+$0xFFFFFFC0] =	vst v3  }
0x18f: {  	v1 =	vmul.f32 v4, v1;
	[tilespmem:s8+$0xFFFFFFF0] =	vst v2  }
0x190: {  	[tilespmem:s8+$0xFFFFFFD0] =	vst v5  }
0x191: {  	[tilespmem:s8+$0xFFFFFFA0] =	vst v1  }
0x192: {  	v1 =	vld [tilespmem:$0x5070];
	_ =	sdelay $0x6  }
0x193: {  	s23 =	simm.s32 $0x0  }
0x194: {  	v1 =	vld.idx.msk [tilespmem:v1+s23+$0x0], $0xffff;
	_ =	sdelay $0x4  }
0x195: {  	(erf) = vrcp.f32 v1;
	_ =	sdelay $0x4  }
0x196: {  	v1 =	vld [tilespmem:$0x5170];
	_ =	sdelay $0x3  }
0x197: {  	v2 =	vpop (erf)  }
0x198: {  	v1 =	vmul.f32 v2, v1  }
0x199: {  	v2 =	vmov s23  }
0x19a: {  	s8 =	simm.s32 $0x89F0;
	[tilespmem:$0x9180] =	vst v1  }
0x19b: {  	v5 =	vld [tilespmem:s8+$0x0]  }
0x19c: {  	v8 =	vld [tilespmem:s8+$0xFFFFFFE0]  }
0x19d: {  	v6 =	vld [tilespmem:s8+$0xFFFFFF90]  }
0x19e: {  	v1 =	vld.idx.msk [tilespmem:v2+s31+$0x0], $0xffff  }
0x19f: {  	v10 =	vld [tilespmem:s8+$0xFFFFFFB0]  }
0x1a0: {  	v3 =	vld [tilespmem:s8+$0xFFFFFFC0]  }
0x1a1: {  	v4 =	vld [tilespmem:s8+$0xFFFFFFA0]  }
0x1a2: {  	v2 =	vld [tilespmem:s8+$0xFFFFFFF0]  }
0x1a3: {  	v9 =	vmul.f32 v5, v1;
	v5 =	vld [tilespmem:s8+$0xFFFFFFD0]  }
0x1a4: {  	v7 =	vmul.f32 v6, v1  }
0x1a5: {  	s9 =	simm.s32 $0x1;
	s16 =	simm.s32 $0x89F0;
	v6 =	vmul.f32 v10, v1;
	v8 =	vmul.f32 v8, v1  }
.LBB2_21:
0x1a6: {  	p0 =	sne.s32 s9, $0xF  }
0x1a7: {  	v4 =	vmul.f32 v4, v1;
	v10 =	vmul.f32 v2, v1;
	[tilespmem:s8+$0x0] =	vst v9;
	s16 =	sadd.s32 $0x80, s16;
	s23 =	smov.u32 s9;
	s9 =	sadd.s32 $0x1, s9  }
0x1a8: {  	v3 =	vmul.f32 v3, v1;
	[tilespmem:s8+$0xFFFFFF90] =	vst v7;
	v1 =	vmul.f32 v5, v1  }
0x1a9: {  	[tilespmem:s8+$0xFFFFFFE0] =	vst v8  }
0x1aa: {  	v5 =	vmov s23;
	[tilespmem:s8+$0xFFFFFFB0] =	vst v6  }
0x1ab: {  	v2 =	vld [tilespmem:s16+$0xFFFFFFF0];
	[tilespmem:s8+$0xFFFFFFC0] =	vst v3  }
0x1ac: {  	v6 =	vld [tilespmem:s16+$0x0];
	[tilespmem:s8+$0xFFFFFFD0] =	vst v1  }
0x1ad: {  	v3 =	vld [tilespmem:s16+$0xFFFFFFC0];
	[tilespmem:s8+$0xFFFFFFF0] =	vst v10  }
0x1ae: {  	v8 =	vld [tilespmem:s16+$0xFFFFFFE0];
	[tilespmem:s8+$0xFFFFFFA0] =	vst v4;
	s8 =	smov.u32 s16  }
0x1af: {  	v1 =	vld.idx.msk [tilespmem:v5+s31+$0x0], $0xffff  }
0x1b0: {  	v7 =	vld [tilespmem:s16+$0xFFFFFF90]  }
0x1b1: {  	v10 =	vld [tilespmem:s16+$0xFFFFFFB0]  }
.Ltmp9:
0x1b2: {  	v4 =	vld [tilespmem:s16+$0xFFFFFFA0];
	(pc) =	sbr.rel @p0 .LBB2_21-.Ltmp9, $3  }
0x1b3: {  	v5 =	vld [tilespmem:s16+$0xFFFFFFD0];
	_ =	sdelay $0x1  }
0x1b4: {  	v9 =	vmul.f32 v6, v1;
	v7 =	vmul.f32 v7, v1  }
0x1b5: {  	v8 =	vmul.f32 v8, v1;
	v6 =	vmul.f32 v10, v1  }
0x1b6: {  	[tilespmem:s8+$0x0] =	vst v9  }
0x1b7: {  	[tilespmem:s8+$0xFFFFFF90] =	vst v7  }
0x1b8: {  	v3 =	vmul.f32 v3, v1;
	[tilespmem:s8+$0xFFFFFFE0] =	vst v8  }
0x1b9: {  	v2 =	vmul.f32 v2, v1;
	[tilespmem:s8+$0xFFFFFFB0] =	vst v6  }
0x1ba: {  	v5 =	vmul.f32 v5, v1;
	[tilespmem:s8+$0xFFFFFFC0] =	vst v3  }
0x1bb: {  	s25 =	sadd.s32 $0x1, s25;
	v1 =	vmul.f32 v4, v1;
	[tilespmem:s8+$0xFFFFFFF0] =	vst v2  }
0x1bc: {  	p0 =	sne.s32 s25, $0x4F;
	[tilespmem:s8+$0xFFFFFFD0] =	vst v5  }
.Ltmp10:
0x1bd: {  	[tilespmem:s8+$0xFFFFFFA0] =	vst v1;
	(pc) =	sbr.rel @p0 .LBB2_6-.Ltmp10, $4  }
0x1be: {  	[spmem:s3] =	stream.indirect.scatter.add.f32 [tilespmem:s26], [sflag:$0x1], $0x80, s28, s22, $0xb8;
	[tilespmem:$0x1D200] =	vst v63  }
0x1bf: {  	_ =	swait.ge [sflag:s24], $0x4000  }
0x1c0: {  	[sflag:s24] =	ssyncset.done $0x0  }
0x1c1: {  	[sflag:s24] =	ssyncadd.s32 $0xFFFFC000  }
0x1c2: {  	[bflag:$0x0] =	sbarrier.arrive $0xFFFF  }
0x1c3: {  	[tilespmem:s26], [sflag:$0x1] =	stream.linear.gather [spmem:s10], $0x4000, $0x38;
	[tilespmem:$0x1D200] =	vst v63  }
0x1c4: {  	_ =	swait.ge [sflag:s24], $0x4000  }
0x1c5: {  	[sflag:s24] =	ssyncset.done $0x0  }
0x1c6: {  	s5 =	rddreg [dreg:$0x6];
	[sflag:s24] =	ssyncadd.s32 $0xFFFFC000  }
0x1c7: {  	[hbm4b:s5+s4] =	stream.linear.scatter [tilespmem:s26], [sflag:$0x1], $0x4000, $0x38;
	[tilespmem:$0x1D200] =	vst v63  }
0x1c8: {  	_ =	swait.ge [sflag:s24], $0x4000  }
0x1c9: {  	[sflag:s24] =	ssyncset.done $0x0  }
0x1ca: {  	[sflag:s24] =	ssyncadd.s32 $0xFFFFC000  }
0x1cb: {  	[tilespmem:s26], [sflag:$0x1] =	stream.linear.gather [spmem:s11], $0x4000, $0x38;
	[tilespmem:$0x1D200] =	vst v63  }
0x1cc: {  	_ =	swait.ge [sflag:s24], $0x4000  }
0x1cd: {  	[sflag:s24] =	ssyncset.done $0x0  }
0x1ce: {  	[sflag:s24] =	ssyncadd.s32 $0xFFFFC000  }
0x1cf: {  	[hbm4b:s17+s4] =	stream.linear.scatter [tilespmem:s26], [sflag:$0x1], $0x4000, $0x38;
	[tilespmem:$0x1D200] =	vst v63  }
0x1d0: {  	_ =	swait.ge [sflag:s24], $0x4000  }
0x1d1: {  	[sflag:s24] =	ssyncset.done $0x0  }
0x1d2: {  	[sflag:s24] =	ssyncadd.s32 $0xFFFFC000  }
0x1d3: {  	[tilespmem:s26], [sflag:$0x1] =	stream.linear.gather [spmem:s12], $0x4000, $0x38;
	[tilespmem:$0x1D200] =	vst v63  }
0x1d4: {  	_ =	swait.ge [sflag:s24], $0x4000  }
0x1d5: {  	[sflag:s24] =	ssyncset.done $0x0  }
0x1d6: {  	[sflag:s24] =	ssyncadd.s32 $0xFFFFC000  }
0x1d7: {  	[hbm4b:s18+s4] =	stream.linear.scatter [tilespmem:s26], [sflag:$0x1], $0x4000, $0x38;
	[tilespmem:$0x1D200] =	vst v63  }
0x1d8: {  	_ =	swait.ge [sflag:s24], $0x4000  }
0x1d9: {  	[sflag:s24] =	ssyncset.done $0x0  }
0x1da: {  	[sflag:s24] =	ssyncadd.s32 $0xFFFFC000  }
0x1db: {  	[tilespmem:s26], [sflag:$0x1] =	stream.linear.gather [spmem:s13], $0x4000, $0x38;
	[tilespmem:$0x1D200] =	vst v63  }
0x1dc: {  	_ =	swait.ge [sflag:s24], $0x4000  }
0x1dd: {  	[sflag:s24] =	ssyncset.done $0x0  }
0x1de: {  	[sflag:s24] =	ssyncadd.s32 $0xFFFFC000  }
0x1df: {  	[hbm4b:s19+s4] =	stream.linear.scatter [tilespmem:s26], [sflag:$0x1], $0x4000, $0x38;
	[tilespmem:$0x1D200] =	vst v63  }
0x1e0: {  	_ =	swait.ge [sflag:s24], $0x4000  }
0x1e1: {  	[sflag:s24] =	ssyncset.done $0x0  }
0x1e2: {  	[sflag:s24] =	ssyncadd.s32 $0xFFFFC000  }
0x1e3: {  	[tilespmem:s26], [sflag:$0x1] =	stream.linear.gather [spmem:s14], $0x4000, $0x38;
	[tilespmem:$0x1D200] =	vst v63  }
0x1e4: {  	s0 =	sadd.s32 $0x1, s0;
	_ =	swait.ge [sflag:s24], $0x4000  }
0x1e5: {  	p0 =	sne.s32 s0, s21;
	[sflag:s24] =	ssyncset.done $0x0  }
.Ltmp11:
0x1e6: {  	[sflag:s24] =	ssyncadd.s32 $0xFFFFC000;
	(pc) =	sbr.rel @p0 .LBB2_1-.Ltmp11, $4  }
0x1e7: {  	[hbm4b:s20+s4] =	stream.linear.scatter [tilespmem:s26], [sflag:$0x1], $0x4000, $0x38;
	[tilespmem:$0x1D200] =	vst v63  }
0x1e8: {  	_ =	swait.ge [sflag:s24], $0x4000  }
0x1e9: {  	[sflag:s24] =	ssyncset.done $0x0  }
0x1ea: {  	[sflag:s24] =	ssyncadd.s32 $0xFFFFC000  }
0x1eb: {  	_ =	sfence.sel $0x180000  }
0x1ec: {  	[bflag:$0x0] =	sbarrier.arrive $0xFFFF  }
0x1ed: {  	_ =	strace $0x9000004A  }
0x1ee: {  	s0 =	stileid.u32;
	[bflag:$0x2] =	sbarrier.arrive $0xFFFF  }
0x1ef: {  	p0 =	sne.s32 s0, $0x0;
	s0 =	rddreg [dreg:$0x3]  }
0x1f0: {  	s0 =	sadd.s32 @!p0 $0x100000, s0  }
0x1f1: {  	[sflag:s0] =	ssyncadd.tile.s32 @!p0 $0x1;
	_ =	shalt  }
.Lfunc_end2:
_tile_overlayer_lowered:
.L_overlay_start_2:
0x1f2: {  	(tag) =	ssettag $0x2  }
0x1f3: {  	s0 =	rddreg [dreg:$0x0];
	s2 =	stileid.u32  }
0x1f4: {  	s1 =	rddreg [dreg:$0x1];
	p0 =	sne.s32 s2, $0x0  }
0x1f5: {  	s3 =	rddreg [dreg:$0x2];
	[bflag:$0x3] =	sbarrier.arrive $0xFFFF;
	s2 =	simm.s32 @!p0 $0x1C01  }
0x1f6: {  	[timem:s3], [sflag:s2] =	dma.local @!p0 [hbm:s0], s1  }
0x1f7: {  	s0 =	simm.s32 @!p0 $0x1  }
0x1f8: {  	_ =	swait.ge @!p0 [sflag:s0], s1  }
0x1f9: {  	s1 =	ssub.s32 @!p0 $0x0, s1;
	[sflag:s0] =	ssyncset.done @!p0 $0x0  }
0x1fa: {  	[sflag:s0] =	ssyncadd.s32 @!p0 s1  }
0x1fb: {  	[bflag:$0x3] =	sbarrier.arrive $0xFFFF  }
0x1fc: {  	_ =	shalt  }

</sc_bundles>
